<compile_context>
chip_gen: v7x
topology: tpu7x:2x2x1
jax: 0.10.2.dev20260603
libtpu: 0.0.44.dev20260713+nightly
codegen_flags: <defaults>
</compile_context>

<pallas_src>
import functools
import math

import jax
import jax.numpy as jnp
from jax.experimental import pallas as pl
from jax.experimental.pallas import tpu as pltpu
from jax.experimental.pallas import tpu_sc as plsc

B, T, D, H, E, TED = 2, 2048, 1024, 2048, 8, 512
N = B * T
G = 2 * E
A = 4 * N
TB = 256
NT = N // TB
BLK = 256
P_CAP = A + G * BLK
NBLK = P_CAP // BLK
W = 128
NWC = N // W
IW = A // W
S = D // 4

_NEG = -1e30
_INV_SQRT2 = 0.7071067811865476


def _gate_kernel(x_ref, g0_ref, b0_ref, gw0_ref, gb0_ref,
                 g1_ref, b1_ref, gw1_ref, gb1_ref,
                 xf_ref, gidx_ref, gval_ref):
    xb = x_ref[...]
    m = jnp.mean(xb, axis=1, keepdims=True)
    xc = xb - m
    v = jnp.mean(xc * xc, axis=1, keepdims=True)
    xhat = xc * jax.lax.rsqrt(v + 1e-5)
    eidx = jax.lax.broadcasted_iota(jnp.int32, (TB, E), 1)
    lane8 = jax.lax.broadcasted_iota(jnp.int32, (TB, 8), 1)
    gidx = jnp.zeros((TB, 8), jnp.int32)
    gval = jnp.zeros((TB, 8), jnp.float32)
    for br, (g_r, b_r, gw_r, gb_r) in enumerate(
            ((g0_ref, b0_ref, gw0_ref, gb0_ref),
             (g1_ref, b1_ref, gw1_ref, gb1_ref))):
        xf = xhat * g_r[...] + b_r[...]
        for c in range(4):
            xf_ref[c, br] = xf[:, c * S:(c + 1) * S]
        logits = jnp.dot(xf, gw_r[...], preferred_element_type=jnp.float32)
        logits = logits + gb_r[...]
        lmax = jnp.max(logits, axis=1, keepdims=True)
        ex = jnp.exp(logits - lmax)
        probs = ex / jnp.sum(ex, axis=1, keepdims=True)
        m1 = jnp.max(probs, axis=1, keepdims=True)
        i1 = jnp.min(jnp.where(probs >= m1, eidx, E), axis=1, keepdims=True)
        p2 = jnp.where(eidx == i1, _NEG, probs)
        m2 = jnp.max(p2, axis=1, keepdims=True)
        i2 = jnp.min(jnp.where(p2 >= m2, eidx, E), axis=1, keepdims=True)
        c2 = 2 * br
        gidx = gidx + jnp.where(lane8 == c2, i1 + br * E, 0)
        gidx = gidx + jnp.where(lane8 == c2 + 1, i2 + br * E, 0)
        gval = gval + jnp.where(lane8 == c2, m1, 0.0)
        gval = gval + jnp.where(lane8 == c2 + 1, m2, 0.0)
    gidx_ref[...] = gidx
    gval_ref[...] = gval


def _gmm_kernel(gblk_ref, bval_ref, x_ref, w1_ref, b1_ref, w2_ref, b2_ref,
                y_ref):
    k = pl.program_id(0)

    @pl.when(bval_ref[k] == 1)
    def _():
        h = b1_ref[0].astype(jnp.float32) * jnp.ones((BLK, 1), jnp.float32)
        for c in range(4):
            h = h + jnp.dot(x_ref[c].astype(jnp.bfloat16),
                            w1_ref[0, c * S:(c + 1) * S, :],
                            preferred_element_type=jnp.float32)
        h = 0.5 * h * (1.0 + jax.lax.erf(h * _INV_SQRT2))
        hb = h.astype(jnp.bfloat16)
        for c in range(4):
            y = jnp.dot(hb, w2_ref[0, :, c * S:(c + 1) * S],
                        preferred_element_type=jnp.float32)
            y_ref[c] = y + b2_ref[0, :, c * S:(c + 1) * S]


def _emb_kernel(emb_ref, ew_ref, eb_ref, sc_ref):
    e = emb_ref[...]
    e = e * jax.nn.sigmoid(e)
    sc_ref[...] = jnp.dot(e, ew_ref[...],
                          preferred_element_type=jnp.float32) + eb_ref[...]


def _style_kernel(x_ref, yg_ref, gval_ref,
                  sc_ref, sh_ref, sg_ref, sb_ref, ow_ref, ob_ref, out_ref):
    v0 = gval_ref[:, 0:1]
    v1 = gval_ref[:, 1:2]
    v2 = gval_ref[:, 2:3]
    v3 = gval_ref[:, 3:4]
    o = []
    tot = jnp.zeros((TB, 1), jnp.float32)
    for c in range(4):
        oc = (v0 * yg_ref[c, 0] + v1 * yg_ref[c, 1]
              + v2 * yg_ref[c, 2] + v3 * yg_ref[c, 3]) * 0.5
        o.append(oc)
        tot = tot + jnp.sum(oc, axis=1, keepdims=True)
    m = tot / D
    var = jnp.zeros((TB, 1), jnp.float32)
    for c in range(4):
        d = o[c] - m
        var = var + jnp.sum(d * d, axis=1, keepdims=True)
    rstd = jax.lax.rsqrt(var / D + 1e-5)
    acc = ob_ref[...] * jnp.ones((TB, 1), jnp.float32)
    for c in range(4):
        sl = slice(c * S, (c + 1) * S)
        hh = (o[c] - m) * rstd * sg_ref[:, sl] + sb_ref[:, sl]
        hh = hh * (1.0 + sc_ref[0, :, sl]) + sh_ref[0, :, sl]
        hh = hh * jax.nn.sigmoid(hh)
        acc = acc + jnp.dot(hh.astype(jnp.bfloat16), ow_ref[c],
                            preferred_element_type=jnp.float32)
    out_ref[...] = x_ref[...] + acc


def _sc_mesh():
    return plsc.VectorSubcoreMesh(core_axis_name="core",
                                  subcore_axis_name="subcore")


def _dispatch_scatter(xfs, phc):
    @pl.kernel(out_type=jax.ShapeDtypeStruct((4 * P_CAP, S), jnp.float32),
               mesh=_sc_mesh())
    def sc_kernel(xf_hbm, pos_hbm, xs_hbm):
        def body(x_vmem, i_vmem):
            pltpu.sync_copy(x_vmem, xs_hbm.at[i_vmem.at[0]])

        def src_map(i):
            s, j = i // IW, i % IW
            return (s * (2 * NWC) + (j // NWC) // 2 * NWC + j % NWC, 0)

        pltpu.emit_pipeline(
            body,
            grid=(4 * IW,),
            in_specs=[
                pl.BlockSpec((W, S), index_map=src_map),
                pl.BlockSpec((1, W), index_map=lambda i: (0, i)),
            ],
            out_specs=[],
            core_axis_name=("core", "subcore"),
            dimension_semantics=(pltpu.PARALLEL,),
        )(xf_hbm, pos_hbm)

    return sc_kernel(xfs, phc)


def _combine_gather(ys, phc):
    @pl.kernel(out_type=jax.ShapeDtypeStruct((4 * A, S), jnp.float32),
               mesh=_sc_mesh())
    def sc_kernel(y_hbm, pos_hbm, yg_hbm):
        def body(i_vmem, o_vmem):
            pltpu.sync_copy(y_hbm.at[i_vmem.at[0]], o_vmem)

        pltpu.emit_pipeline(
            body,
            grid=(4 * IW,),
            in_specs=[pl.BlockSpec((1, W), index_map=lambda i: (0, i))],
            out_specs=[pl.BlockSpec((W, S), index_map=lambda i: (i, 0))],
            core_axis_name=("core", "subcore"),
            dimension_semantics=(pltpu.PARALLEL,),
        )(pos_hbm, yg_hbm)

    return sc_kernel(ys, phc)


def kernel(x, emb, ln_g0, ln_b0, gate_w0, gate_b0, w1_0, b1_0, w2_0, b2_0,
           ln_g1, ln_b1, gate_w1, gate_b1, w1_1, b1_1, w2_1, b2_1,
           emb_w, emb_b, sb_g, sb_b, out_w, out_b):
    x2 = x.reshape(N, D)
    row = lambda a: a.reshape(1, -1)

    xf, gidx, gval = pl.pallas_call(
        _gate_kernel,
        grid=(NT,),
        in_specs=[
            pl.BlockSpec((TB, D), lambda t: (t, 0)),
            pl.BlockSpec((1, D), lambda t: (0, 0)),
            pl.BlockSpec((1, D), lambda t: (0, 0)),
            pl.BlockSpec((D, E), lambda t: (0, 0)),
            pl.BlockSpec((1, E), lambda t: (0, 0)),
            pl.BlockSpec((1, D), lambda t: (0, 0)),
            pl.BlockSpec((1, D), lambda t: (0, 0)),
            pl.BlockSpec((D, E), lambda t: (0, 0)),
            pl.BlockSpec((1, E), lambda t: (0, 0)),
        ],
        out_specs=[
            pl.BlockSpec((4, 2, TB, S), lambda t: (0, 0, t, 0)),
            pl.BlockSpec((TB, 8), lambda t: (t, 0)),
            pl.BlockSpec((TB, 8), lambda t: (t, 0)),
        ],
        out_shape=[
            jax.ShapeDtypeStruct((4, 2, N, S), jnp.float32),
            jax.ShapeDtypeStruct((N, 8), jnp.int32),
            jax.ShapeDtypeStruct((N, 8), jnp.float32),
        ],
    )(x2, row(ln_g0), row(ln_b0), gate_w0, row(gate_b0),
      row(ln_g1), row(ln_b1), gate_w1, row(gate_b1))

    ga = gidx[:, :4].T.reshape(-1)
    onehot = (ga[:, None] == jnp.arange(G, dtype=jnp.int32)[None, :])
    onehot_i = onehot.astype(jnp.int32)
    cum = jnp.cumsum(onehot_i, axis=0)
    counts = cum[-1]
    rank = jnp.sum((cum - 1) * onehot_i, axis=1)
    padded = ((counts + BLK - 1) // BLK) * BLK
    poffs = jnp.concatenate([jnp.zeros((1,), jnp.int32),
                             jnp.cumsum(padded)[:-1].astype(jnp.int32)])
    total_padded = poffs[-1] + padded[-1]
    pos = jnp.sum(jnp.where(onehot, poffs[None, :], 0), axis=1) + rank
    pos = pos.astype(jnp.int32)
    phc = (pos[None, :]
           + (jnp.arange(4, dtype=jnp.int32) * P_CAP)[:, None]).reshape(1,
                                                                        4 * A)
    block_starts = jnp.arange(NBLK, dtype=jnp.int32) * BLK
    gblk = jnp.sum((block_starts[:, None] >= poffs[None, :]).astype(jnp.int32),
                   axis=1) - 1
    bval = (block_starts < total_padded).astype(jnp.int32)

    xs = _dispatch_scatter(xf.reshape(8 * N, S), phc).reshape(4, P_CAP, S)

    w1s = jnp.concatenate([w1_0, w1_1], axis=0).astype(jnp.bfloat16)
    w2s = jnp.concatenate([w2_0, w2_1], axis=0).astype(jnp.bfloat16)
    b1s = jnp.concatenate([b1_0, b1_1], axis=0).reshape(G, 1, H)
    b2s = jnp.concatenate([b2_0, b2_1], axis=0).reshape(G, 1, D)

    ys = pl.pallas_call(
        _gmm_kernel,
        grid_spec=pltpu.PrefetchScalarGridSpec(
            num_scalar_prefetch=2,
            grid=(NBLK,),
            in_specs=[
                pl.BlockSpec((4, BLK, S), lambda k, gr, vr: (0, k, 0)),
                pl.BlockSpec((1, D, H), lambda k, gr, vr: (gr[k], 0, 0)),
                pl.BlockSpec((1, 1, H), lambda k, gr, vr: (gr[k], 0, 0)),
                pl.BlockSpec((1, H, D), lambda k, gr, vr: (gr[k], 0, 0)),
                pl.BlockSpec((1, 1, D), lambda k, gr, vr: (gr[k], 0, 0)),
            ],
            out_specs=pl.BlockSpec((4, BLK, S), lambda k, gr, vr: (0, k, 0)),
        ),
        out_shape=jax.ShapeDtypeStruct((4, P_CAP, S), jnp.float32),
        compiler_params=pltpu.CompilerParams(
            dimension_semantics=("arbitrary",)),
    )(gblk, bval, xs, w1s, b1s, w2s, b2s)

    yg = _combine_gather(ys.reshape(4 * P_CAP, S), phc).reshape(4, 4, N, S)

    sc = pl.pallas_call(
        _emb_kernel,
        in_specs=[
            pl.BlockSpec((B, TED), lambda: (0, 0)),
            pl.BlockSpec((TED, 2 * D), lambda: (0, 0)),
            pl.BlockSpec((1, 2 * D), lambda: (0, 0)),
        ],
        out_specs=pl.BlockSpec((B, 2 * D), lambda: (0, 0)),
        out_shape=jax.ShapeDtypeStruct((B, 2 * D), jnp.float32),
    )(emb, emb_w, row(emb_b))
    scale = sc[:, :D].reshape(B, 1, D)
    shift = sc[:, D:].reshape(B, 1, D)

    TPB = T // TB
    out = pl.pallas_call(
        _style_kernel,
        grid=(NT,),
        in_specs=[
            pl.BlockSpec((TB, D), lambda t: (t, 0)),
            pl.BlockSpec((4, 4, TB, S), lambda t: (0, 0, t, 0)),
            pl.BlockSpec((TB, 8), lambda t: (t, 0)),
            pl.BlockSpec((1, 1, D), lambda t: (t // TPB, 0, 0)),
            pl.BlockSpec((1, 1, D), lambda t: (t // TPB, 0, 0)),
            pl.BlockSpec((1, D), lambda t: (0, 0)),
            pl.BlockSpec((1, D), lambda t: (0, 0)),
            pl.BlockSpec((4, S, D), lambda t: (0, 0, 0)),
            pl.BlockSpec((1, D), lambda t: (0, 0)),
        ],
        out_specs=pl.BlockSpec((TB, D), lambda t: (t, 0)),
        out_shape=jax.ShapeDtypeStruct((N, D), jnp.float32),
    )(x2, yg, gval, scale, shift, row(sb_g), row(sb_b),
      out_w.reshape(4, S, D).astype(jnp.bfloat16), row(out_b))

    return out.reshape(x.shape)

# --- scband reference (transcript-rebuilt; emitter-appended) ---
"""Pipeline reference for scband-mo-emulti-branch-ffn-26671746908373 (READ-ONLY COPY).

The authoritative reference and input builder live on the scoring server;
editing this copy changes nothing except your own understanding.
"""

import jax, jax.numpy as jnp
import numpy as np

B, T, D, H, E, TED = 2, 2048, 1024, 2048, 8, 512


def _ln(x, g, b):
    m = jnp.mean(x, axis=-1, keepdims=True)
    v = jnp.mean((x - m) ** 2, axis=-1, keepdims=True)
    return (x - m) / jnp.sqrt(v + 1e-5) * g + b


def _moe(xf, gw, gb, w1, b1, w2, b2):
    # top-2 gating over E experts
    probs = jax.nn.softmax(xf @ gw + gb, axis=1)
    vals, idx = jax.lax.top_k(probs, 2)
    # dense expert compute (math-equivalent to masked per-expert dispatch)
    h = jax.nn.gelu(jnp.einsum('nd,edh->neh', xf, w1) + b1, approximate=False)
    y = jnp.einsum('neh,ehd->ned', h, w2) + b2
    # combine weights: zero everywhere except the top-2 experts per token
    w = (jax.nn.one_hot(idx, E, dtype=xf.dtype) * vals[..., None]).sum(axis=1)
    return jnp.einsum('ne,ned->nd', w, y)


def setup_inputs(seed: int = 0) -> dict:
    key = jax.random.key(seed)
    ks = jax.random.split(key, 16)
    inp = {
        'x': jax.random.normal(ks[0], (B, T, D), jnp.float32),
        'emb': jax.random.normal(ks[1], (B, TED), jnp.float32),
    }
    i = 2
    for br in range(2):
        inp[f'ln_g{br}'] = jnp.ones((D,), jnp.float32)
        inp[f'ln_b{br}'] = jnp.zeros((D,), jnp.float32)
        inp[f'gate_w{br}'] = jax.random.normal(ks[i], (D, E), jnp.float32) * 0.02
        inp[f'gate_b{br}'] = jnp.zeros((E,), jnp.float32)
        inp[f'w1_{br}'] = jax.random.normal(ks[i + 1], (E, D, H), jnp.float32) * 0.02
        inp[f'b1_{br}'] = jnp.zeros((E, H), jnp.float32)
        inp[f'w2_{br}'] = jax.random.normal(ks[i + 2], (E, H, D), jnp.float32) * 0.02
        inp[f'b2_{br}'] = jnp.zeros((E, D), jnp.float32)
        i += 3
    inp['emb_w'] = jax.random.normal(ks[i], (TED, 2 * D), jnp.float32) * 0.02
    inp['emb_b'] = jnp.zeros((2 * D,), jnp.float32)
    inp['sb_g'] = jnp.ones((D,), jnp.float32)
    inp['sb_b'] = jnp.zeros((D,), jnp.float32)
    inp['out_w'] = jax.random.normal(ks[i + 1], (D, D), jnp.float32) * 0.02
    inp['out_b'] = jnp.zeros((D,), jnp.float32)
    return inp


def reference(x, emb, ln_g0, ln_b0, gate_w0, gate_b0, w1_0, b1_0, w2_0, b2_0,
              ln_g1, ln_b1, gate_w1, gate_b1, w1_1, b1_1, w2_1, b2_1,
              emb_w, emb_b, sb_g, sb_b, out_w, out_b):
    # branch 0
    xf0 = _ln(x, ln_g0, ln_b0).reshape(-1, D)
    o = _moe(xf0, gate_w0, gate_b0, w1_0, b1_0, w2_0, b2_0)
    # branch 1
    xf1 = _ln(x, ln_g1, ln_b1).reshape(-1, D)
    o = o + _moe(xf1, gate_w1, gate_b1, w1_1, b1_1, w2_1, b2_1)
    out = (o / 2.0).reshape(x.shape)  # dropout = identity (eval mode)
    # StylizationBlock: proj_out(out, emb)
    e = (jax.nn.silu(emb) @ emb_w + emb_b)[:, None, :]
    scale, shift = jnp.split(e, 2, axis=2)
    hh = _ln(out, sb_g, sb_b) * (1.0 + scale) + shift
    hh = jax.nn.silu(hh) @ out_w + out_b
    return x + hh

if __name__ == "__main__":
    import jax
    _d = setup_inputs()
    print(jax.jit(kernel)(*tuple(_d.values())))

</pallas_src>

<mosaic_0001>
#map = affine_map<(d0, d1) -> (0, 0)>
module attributes {stable_mosaic.version = 14 : i64} {
  func.func @sc_kernel(%arg0: i32, %arg1: i32, %arg2: memref<81920x256xf32, #tpu.memory_space<hbm>>, %arg3: memref<1x65536xi32, #tpu.memory_space<hbm>>, %arg4: memref<65536x256xf32, #tpu.memory_space<hbm>>) attributes {dimension_semantics = [#tpu.dimension_semantics<core_parallel>, #tpu.dimension_semantics<subcore_parallel>], iteration_bounds = array<i64: 2, 16>, scalar_prefetch = 0 : i64, scratch_operands = 0 : i64, tpu.core_type = #tpu.core_type<sc_vector_subcore>, window_params = [{transform_indices = #map}, {transform_indices = #map}, {transform_indices = #map}]} {
    %mul3A = arith.constant 1 : i32
    %mul3A_0 = arith.muli %arg1, %mul3A : i32
    %add3A = arith.constant 0 : i32
    %add3A_1 = arith.addi %add3A, %mul3A_0 : i32
    %mul3A_2 = arith.constant 16 : i32
    %mul3A_3 = arith.muli %arg0, %mul3A_2 : i32
    %add3A_4 = arith.addi %add3A_1, %mul3A_3 : i32
    %mul3A_5 = arith.constant 16 : i32
    %mul3A_6 = arith.muli %add3A_4, %mul3A_5 : i32
    "tpu.region"() ({
      %run_scoped3A = memref.alloca() : memref<2x1x128xi32, #tpu.memory_space<vmem>>
      %run_scoped3A_7 = tpu.sem_alloc : memref<2x!tpu.dma_semaphore, #tpu.memory_space<semaphore_mem>>
      %run_scoped3A_8 = memref.alloca() : memref<2x128x256xf32, #tpu.memory_space<vmem>>
      %run_scoped3A_9 = tpu.sem_alloc : memref<2x!tpu.dma_semaphore, #tpu.memory_space<semaphore_mem>>
      %add3A_10 = arith.constant 0 : i32
      %add3A_11 = arith.addi %add3A_10, %mul3A_6 : i32
      %select_n3A = arith.constant true
      %select_n3A_12 = arith.constant 0 : i32
      %select_n3A_13 = arith.constant -1 : i32
      %select_n3A_14 = arith.select %select_n3A, %select_n3A_13, %select_n3A_12 : i32
      %eq3A = arith.constant -1 : i32
      %eq3A_15 = arith.cmpi eq, %select_n3A_14, %eq3A : i32
      %select_n3A_16 = arith.constant 15 : i32
      %select_n3A_17 = arith.select %eq3A_15, %select_n3A_16, %select_n3A_14 : i32
      %add3A_18 = arith.addi %select_n3A_17, %mul3A_6 : i32
      %select_n3A_19 = arith.constant true
      %select_n3A_20 = arith.constant 0 : i32
      %select_n3A_21 = arith.constant 1 : i32
      %select_n3A_22 = arith.select %select_n3A_19, %select_n3A_21, %select_n3A_20 : i32
      %eq3A_23 = arith.constant 16 : i32
      %eq3A_24 = arith.cmpi eq, %select_n3A_22, %eq3A_23 : i32
      %select_n3A_25 = arith.constant 0 : i32
      %select_n3A_26 = arith.select %eq3A_24, %select_n3A_25, %select_n3A_22 : i32
      %add3A_27 = arith.addi %select_n3A_26, %mul3A_6 : i32
      %add3A_28 = arith.constant 1 : i32
      %add3A_29 = arith.addi %select_n3A_26, %add3A_28 : i32
      %select_n3A_30 = arith.constant true
      %select_n3A_31 = arith.select %select_n3A_30, %add3A_29, %select_n3A_26 : i32
      %eq3A_32 = arith.constant 16 : i32
      %eq3A_33 = arith.cmpi eq, %select_n3A_31, %eq3A_32 : i32
      %select_n3A_34 = arith.constant 0 : i32
      %select_n3A_35 = arith.select %eq3A_33, %select_n3A_34, %select_n3A_31 : i32
      %add3A_36 = arith.addi %select_n3A_35, %mul3A_6 : i32
      "tpu.trace_start"() <{level = 10 : i32, message = "ep_initialize_0"}> : () -> ()
      %rem3A = arith.constant 0 : i32
      %rem3A_37 = arith.constant 2 : i32
      %rem3A_38 = arith.remui %rem3A, %rem3A_37 : i32
      %mul3A_39 = arith.constant 128 : i32
      %mul3A_40 = arith.muli %mul3A_39, %add3A_11 : i32
      %dma_start3A = arith.constant 0 : i32
      %dma_start3A_41 = arith.constant 0 : i32
      %dma_start3A_42 = tpu.memref_slice %run_scoped3A[%rem3A_38, %dma_start3A, %dma_start3A_41] : memref<2x1x128xi32, #tpu.memory_space<vmem>> -> memref<1x1x128xi32, #tpu.memory_space<vmem>>
      %dma_start3A_43 = tpu.memref_squeeze %dma_start3A_42 : memref<1x1x128xi32, #tpu.memory_space<vmem>> -> memref<1x128xi32, #tpu.memory_space<vmem>>
      %dma_start3A_44 = arith.constant 0 : i32
      %dma_start3A_45 = tpu.memref_slice %arg3[%dma_start3A_44, %mul3A_40] : memref<1x65536xi32, #tpu.memory_space<hbm>> -> memref<1x128xi32, #tpu.memory_space<hbm>>
      %dma_start3A_46 = tpu.memref_slice %run_scoped3A_7[%rem3A_38] : memref<2x!tpu.dma_semaphore, #tpu.memory_space<semaphore_mem>> -> memref<1x!tpu.dma_semaphore, #tpu.memory_space<semaphore_mem>>
      %dma_start3A_47 = tpu.memref_squeeze %dma_start3A_46 : memref<1x!tpu.dma_semaphore, #tpu.memory_space<semaphore_mem>> -> memref<!tpu.dma_semaphore, #tpu.memory_space<semaphore_mem>>
      %dma_start3A_48 = arith.constant 0 : i32
      %dma_start3A_49 = arith.constant 0 : i32
      %dma_start3A_50 = tpu.memref_slice %run_scoped3A[%rem3A_38, %dma_start3A_48, %dma_start3A_49] : memref<2x1x128xi32, #tpu.memory_space<vmem>> -> memref<1x1x128xi32, #tpu.memory_space<vmem>>
      %dma_start3A_51 = tpu.memref_squeeze %dma_start3A_50 : memref<1x1x128xi32, #tpu.memory_space<vmem>> -> memref<1x128xi32, #tpu.memory_space<vmem>>
      %dma_start3A_52 = arith.constant 0 : i32
      %dma_start3A_53 = tpu.memref_slice %arg3[%dma_start3A_52, %mul3A_40] : memref<1x65536xi32, #tpu.memory_space<hbm>> -> memref<1x128xi32, #tpu.memory_space<hbm>>
      tpu.enqueue_dma source(%dma_start3A_53 : memref<1x128xi32, #tpu.memory_space<hbm>>) target(%dma_start3A_51 : memref<1x128xi32, #tpu.memory_space<vmem>>) target_semaphore(%dma_start3A_47 : memref<!tpu.dma_semaphore, #tpu.memory_space<semaphore_mem>>)
      %add3A_54 = arith.constant 0 : i32
      %add3A_55 = arith.constant 1 : i32
      %add3A_56 = arith.addi %add3A_54, %add3A_55 : i32
      %select_n3A_57 = arith.constant true
      %select_n3A_58 = arith.constant 0 : i32
      %select_n3A_59 = arith.select %select_n3A_57, %add3A_56, %select_n3A_58 : i32
      "tpu.trace_stop"() : () -> ()
      %scan3A = arith.constant 0 : i32
      %scan3A_60 = arith.constant 0 : i32
      %scan3A_61 = arith.constant 0 : i32
      %scan3A_62 = arith.constant 0 : i32
      %scan3A_63 = arith.constant 0 : i32
      %scan3A_64 = arith.constant 16 : i32
      %scan3A_65 = arith.addi %scan3A_63, %scan3A_64 : i32
      %scan3A_66 = arith.constant 1 : i32
      %scan3A_67:5 = scf.for %scan3A_121 = %scan3A_63 to %scan3A_65 step %scan3A_66 iter_args(%scan3A_122 = %select_n3A_59, %scan3A_123 = %scan3A, %scan3A_124 = %scan3A_60, %scan3A_125 = %scan3A_61, %scan3A_126 = %scan3A_62) -> (i32, i32, i32, i32, i32)  : i32 {
        %eq3A_127 = arith.constant 0 : i32
        %eq3A_128 = arith.cmpi eq, %scan3A_121, %eq3A_127 : i32
        %eq3A_129 = arith.constant 15 : i32
        %eq3A_130 = arith.cmpi eq, %scan3A_121, %eq3A_129 : i32
        %add3A_131 = arith.addi %scan3A_126, %mul3A_6 : i32
        %sub3A_132 = arith.constant 1 : i32
        %sub3A_133 = arith.subi %scan3A_126, %sub3A_132 : i32
        %select_n3A_134 = arith.constant true
        %select_n3A_135 = arith.select %select_n3A_134, %sub3A_133, %scan3A_126 : i32
        %eq3A_136 = arith.constant -1 : i32
        %eq3A_137 = arith.cmpi eq, %select_n3A_135, %eq3A_136 : i32
        %select_n3A_138 = arith.constant 15 : i32
        %select_n3A_139 = arith.select %eq3A_137, %select_n3A_138, %select_n3A_135 : i32
        %add3A_140 = arith.addi %select_n3A_139, %mul3A_6 : i32
        %add3A_141 = arith.constant 1 : i32
        %add3A_142 = arith.addi %scan3A_126, %add3A_141 : i32
        %select_n3A_143 = arith.constant true
        %select_n3A_144 = arith.select %select_n3A_143, %add3A_142, %scan3A_126 : i32
        %eq3A_145 = arith.constant 16 : i32
        %eq3A_146 = arith.cmpi eq, %select_n3A_144, %eq3A_145 : i32
        %select_n3A_147 = arith.constant 0 : i32
        %select_n3A_148 = arith.select %eq3A_146, %select_n3A_147, %select_n3A_144 : i32
        %add3A_149 = arith.addi %select_n3A_148, %mul3A_6 : i32
        %add3A_150 = arith.constant 1 : i32
        %add3A_151 = arith.addi %select_n3A_148, %add3A_150 : i32
        %select_n3A_152 = arith.constant true
        %select_n3A_153 = arith.select %select_n3A_152, %add3A_151, %select_n3A_148 : i32
        %eq3A_154 = arith.constant 16 : i32
        %eq3A_155 = arith.cmpi eq, %select_n3A_153, %eq3A_154 : i32
        %select_n3A_156 = arith.constant 0 : i32
        %select_n3A_157 = arith.select %eq3A_155, %select_n3A_156, %select_n3A_153 : i32
        %add3A_158 = arith.addi %select_n3A_157, %mul3A_6 : i32
        %ne3A = arith.cmpi ne, %add3A_131, %add3A_149 : i32
        %or3A = arith.constant false
        %or3A_159 = arith.ori %or3A, %ne3A : i1
        %ge3A = arith.constant 15 : i32
        %ge3A_160 = arith.cmpi sge, %scan3A_121, %ge3A : i32
        %not3A = arith.constant true
        %not3A_161 = arith.xori %ge3A_160, %not3A : i1
        %and3A = arith.andi %or3A_159, %not3A_161 : i1
        %convert_element_type3A = arith.extui %and3A : i1 to i32
        %cond3A = arith.constant 0 : i32
        %cond3A_162 = arith.cmpi ne, %convert_element_type3A, %cond3A : i32
        scf.if %cond3A_162 {
          "tpu.trace_start"() <{level = 10 : i32, message = "ep_copy_in"}> : () -> ()
          %rem3A_264 = arith.constant 2 : i32
          %rem3A_265 = arith.remui %scan3A_122, %rem3A_264 : i32
          %mul3A_266 = arith.constant 128 : i32
          %mul3A_267 = arith.muli %mul3A_266, %add3A_149 : i32
          %dma_start3A_268 = arith.constant 0 : i32
          %dma_start3A_269 = arith.constant 0 : i32
          %dma_start3A_270 = tpu.memref_slice %run_scoped3A[%rem3A_265, %dma_start3A_268, %dma_start3A_269] : memref<2x1x128xi32, #tpu.memory_space<vmem>> -> memref<1x1x128xi32, #tpu.memory_space<vmem>>
          %dma_start3A_271 = tpu.memref_squeeze %dma_start3A_270 : memref<1x1x128xi32, #tpu.memory_space<vmem>> -> memref<1x128xi32, #tpu.memory_space<vmem>>
          %dma_start3A_272 = arith.constant 0 : i32
          %dma_start3A_273 = tpu.memref_slice %arg3[%dma_start3A_272, %mul3A_267] : memref<1x65536xi32, #tpu.memory_space<hbm>> -> memref<1x128xi32, #tpu.memory_space<hbm>>
          %dma_start3A_274 = tpu.memref_slice %run_scoped3A_7[%rem3A_265] : memref<2x!tpu.dma_semaphore, #tpu.memory_space<semaphore_mem>> -> memref<1x!tpu.dma_semaphore, #tpu.memory_space<semaphore_mem>>
          %dma_start3A_275 = tpu.memref_squeeze %dma_start3A_274 : memref<1x!tpu.dma_semaphore, #tpu.memory_space<semaphore_mem>> -> memref<!tpu.dma_semaphore, #tpu.memory_space<semaphore_mem>>
          %dma_start3A_276 = arith.constant 0 : i32
          %dma_start3A_277 = arith.constant 0 : i32
          %dma_start3A_278 = tpu.memref_slice %run_scoped3A[%rem3A_265, %dma_start3A_276, %dma_start3A_277] : memref<2x1x128xi32, #tpu.memory_space<vmem>> -> memref<1x1x128xi32, #tpu.memory_space<vmem>>
          %dma_start3A_279 = tpu.memref_squeeze %dma_start3A_278 : memref<1x1x128xi32, #tpu.memory_space<vmem>> -> memref<1x128xi32, #tpu.memory_space<vmem>>
          %dma_start3A_280 = arith.constant 0 : i32
          %dma_start3A_281 = tpu.memref_slice %arg3[%dma_start3A_280, %mul3A_267] : memref<1x65536xi32, #tpu.memory_space<hbm>> -> memref<1x128xi32, #tpu.memory_space<hbm>>
          tpu.enqueue_dma source(%dma_start3A_281 : memref<1x128xi32, #tpu.memory_space<hbm>>) target(%dma_start3A_279 : memref<1x128xi32, #tpu.memory_space<vmem>>) target_semaphore(%dma_start3A_275 : memref<!tpu.dma_semaphore, #tpu.memory_space<semaphore_mem>>)
          "tpu.trace_stop"() : () -> ()
        } else {
        }
        %and3A_163 = arith.constant true
        %and3A_164 = arith.andi %and3A, %and3A_163 : i1
        %add3A_165 = arith.constant 1 : i32
        %add3A_166 = arith.addi %scan3A_122, %add3A_165 : i32
        %select_n3A_167 = arith.select %and3A_164, %add3A_166, %scan3A_122 : i32
        %ne3A_168 = arith.cmpi ne, %add3A_131, %add3A_149 : i32
        %or3A_169 = arith.constant false
        %or3A_170 = arith.ori %or3A_169, %ne3A_168 : i1
        %or3A_171 = arith.constant false
        %or3A_172 = arith.ori %or3A_170, %or3A_171 : i1
        %ge3A_173 = arith.constant 15 : i32
        %ge3A_174 = arith.cmpi sge, %scan3A_121, %ge3A_173 : i32
        %not3A_175 = arith.constant true
        %not3A_176 = arith.xori %ge3A_174, %not3A_175 : i1
        %and3A_177 = arith.andi %or3A_172, %not3A_176 : i1
        %ne3A_178 = arith.cmpi ne, %add3A_131, %add3A_140 : i32
        %or3A_179 = arith.constant false
        %or3A_180 = arith.ori %or3A_179, %ne3A_178 : i1
        %or3A_181 = arith.ori %or3A_180, %eq3A_128 : i1
        %convert_element_type3A_182 = arith.extui %or3A_181 : i1 to i32
        %cond3A_183 = arith.constant 0 : i32
        %cond3A_184 = arith.cmpi ne, %convert_element_type3A_182, %cond3A_183 : i32
        scf.if %cond3A_184 {
          "tpu.trace_start"() <{level = 10 : i32, message = "ep_wait_in"}> : () -> ()
          %mul3A_264 = arith.constant 128 : i32
          %mul3A_265 = arith.muli %mul3A_264, %add3A_131 : i32
          %rem3A_266 = arith.constant 2 : i32
          %rem3A_267 = arith.remui %scan3A_123, %rem3A_266 : i32
          %dma_wait3A_268 = arith.constant 0 : i32
          %dma_wait3A_269 = arith.constant 0 : i32
          %dma_wait3A_270 = tpu.memref_slice %run_scoped3A[%rem3A_267, %dma_wait3A_268, %dma_wait3A_269] : memref<2x1x128xi32, #tpu.memory_space<vmem>> -> memref<1x1x128xi32, #tpu.memory_space<vmem>>
          %dma_wait3A_271 = tpu.memref_squeeze %dma_wait3A_270 : memref<1x1x128xi32, #tpu.memory_space<vmem>> -> memref<1x128xi32, #tpu.memory_space<vmem>>
          %dma_wait3A_272 = arith.constant 0 : i32
          %dma_wait3A_273 = tpu.memref_slice %arg3[%dma_wait3A_272, %mul3A_265] : memref<1x65536xi32, #tpu.memory_space<hbm>> -> memref<1x128xi32, #tpu.memory_space<hbm>>
          %dma_wait3A_274 = tpu.memref_slice %run_scoped3A_7[%rem3A_267] : memref<2x!tpu.dma_semaphore, #tpu.memory_space<semaphore_mem>> -> memref<1x!tpu.dma_semaphore, #tpu.memory_space<semaphore_mem>>
          %dma_wait3A_275 = tpu.memref_squeeze %dma_wait3A_274 : memref<1x!tpu.dma_semaphore, #tpu.memory_space<semaphore_mem>> -> memref<!tpu.dma_semaphore, #tpu.memory_space<semaphore_mem>>
          %dma_wait3A_276 = arith.constant 0 : i32
          %dma_wait3A_277 = arith.constant 0 : i32
          %dma_wait3A_278 = tpu.memref_slice %run_scoped3A[%rem3A_267, %dma_wait3A_276, %dma_wait3A_277] : memref<2x1x128xi32, #tpu.memory_space<vmem>> -> memref<1x1x128xi32, #tpu.memory_space<vmem>>
          %dma_wait3A_279 = tpu.memref_squeeze %dma_wait3A_278 : memref<1x1x128xi32, #tpu.memory_space<vmem>> -> memref<1x128xi32, #tpu.memory_space<vmem>>
          %dma_wait3A_280 = arith.constant 0 : i32
          %dma_wait3A_281 = tpu.memref_slice %arg3[%dma_wait3A_280, %mul3A_265] : memref<1x65536xi32, #tpu.memory_space<hbm>> -> memref<1x128xi32, #tpu.memory_space<hbm>>
          tpu.wait_dma2 semaphore(%dma_wait3A_275 : memref<!tpu.dma_semaphore, #tpu.memory_space<semaphore_mem>>) src(%dma_wait3A_281 : memref<1x128xi32, #tpu.memory_space<hbm>>) dst(%dma_wait3A_279 : memref<1x128xi32, #tpu.memory_space<vmem>>)
          "tpu.trace_stop"() : () -> ()
        } else {
        }
        %ne3A_185 = arith.cmpi ne, %add3A_131, %add3A_140 : i32
        %or3A_186 = arith.constant false
        %or3A_187 = arith.ori %or3A_186, %ne3A_185 : i1
        %or3A_188 = arith.constant false
        %or3A_189 = arith.ori %or3A_187, %or3A_188 : i1
        %or3A_190 = arith.ori %or3A_189, %eq3A_128 : i1
        %convert_element_type3A_191 = arith.extui %or3A_190 : i1 to i32
        %cond3A_192 = arith.constant 0 : i32
        %cond3A_193 = arith.cmpi ne, %convert_element_type3A_191, %cond3A_192 : i32
        scf.if %cond3A_193 {
        } else {
        }
        %rem3A_194 = arith.constant 2 : i32
        %rem3A_195 = arith.remui %scan3A_123, %rem3A_194 : i32
        %rem3A_196 = arith.constant 2 : i32
        %rem3A_197 = arith.remui %scan3A_124, %rem3A_196 : i32
        %run_scoped3A_198 = arith.constant 0 : i32
        "tpu.trace_start"() <{level = 10 : i32, message = "ep_run_kernel"}> : () -> ()
        "tpu.region"() ({
          %run_scoped3A_264 = tpu.sem_alloc : memref<!tpu.dma_semaphore, #tpu.memory_space<semaphore_mem>>
          %dma_start3A_265 = arith.constant 0 : i32
          %dma_start3A_266 = arith.constant 0 : i32
          %dma_start3A_267 = tpu.memref_slice %run_scoped3A_8[%rem3A_197, %dma_start3A_265, %dma_start3A_266] : memref<2x128x256xf32, #tpu.memory_space<vmem>> -> memref<1x128x256xf32, #tpu.memory_space<vmem>>
          %dma_start3A_268 = tpu.memref_squeeze %dma_start3A_267 : memref<1x128x256xf32, #tpu.memory_space<vmem>> -> memref<128x256xf32, #tpu.memory_space<vmem>>
          %dma_start3A_269 = arith.constant 0 : i32
          %dma_start3A_270 = arith.constant 0 : i32
          %dma_start3A_271 = tpu.memref_slice %run_scoped3A[%rem3A_195, %dma_start3A_269, %dma_start3A_270] : memref<2x1x128xi32, #tpu.memory_space<vmem>> -> memref<1x1x128xi32, #tpu.memory_space<vmem>>
          %dma_start3A_272 = tpu.memref_squeeze %dma_start3A_271 : memref<1x1x128xi32, #tpu.memory_space<vmem>> -> memref<1x128xi32, #tpu.memory_space<vmem>>
          %dma_start3A_273 = arith.constant 0 : i32
          %dma_start3A_274 = tpu.memref_slice %dma_start3A_272[%run_scoped3A_198, %dma_start3A_273] : memref<1x128xi32, #tpu.memory_space<vmem>> -> memref<1x128xi32, #tpu.memory_space<vmem>>
          %dma_start3A_275 = tpu.memref_squeeze %dma_start3A_274 : memref<1x128xi32, #tpu.memory_space<vmem>> -> memref<128xi32, #tpu.memory_space<vmem>>
          %dma_start3A_276 = arith.constant 0 : i32
          %dma_start3A_277 = arith.constant 0 : i32
          %dma_start3A_278 = tpu.memref_slice %arg2[%dma_start3A_276, %dma_start3A_277] : memref<81920x256xf32, #tpu.memory_space<hbm>> -> memref<81920x256xf32, #tpu.memory_space<hbm>>
          tpu.enqueue_indirect_dma source(%dma_start3A_278 : memref<81920x256xf32, #tpu.memory_space<hbm>>) target(%dma_start3A_268 : memref<128x256xf32, #tpu.memory_space<vmem>>) offsets(%dma_start3A_275 : memref<128xi32, #tpu.memory_space<vmem>>) semaphore(%run_scoped3A_264 : memref<!tpu.dma_semaphore, #tpu.memory_space<semaphore_mem>>)
          %dma_wait3A_279 = arith.constant 0 : i32
          %dma_wait3A_280 = arith.constant 0 : i32
          %dma_wait3A_281 = tpu.memref_slice %run_scoped3A_8[%rem3A_197, %dma_wait3A_279, %dma_wait3A_280] : memref<2x128x256xf32, #tpu.memory_space<vmem>> -> memref<1x128x256xf32, #tpu.memory_space<vmem>>
          %dma_wait3A_282 = tpu.memref_squeeze %dma_wait3A_281 : memref<1x128x256xf32, #tpu.memory_space<vmem>> -> memref<128x256xf32, #tpu.memory_space<vmem>>
          %dma_wait3A_283 = arith.constant 0 : i32
          %dma_wait3A_284 = arith.constant 0 : i32
          %dma_wait3A_285 = tpu.memref_slice %run_scoped3A[%rem3A_195, %dma_wait3A_283, %dma_wait3A_284] : memref<2x1x128xi32, #tpu.memory_space<vmem>> -> memref<1x1x128xi32, #tpu.memory_space<vmem>>
          %dma_wait3A_286 = tpu.memref_squeeze %dma_wait3A_285 : memref<1x1x128xi32, #tpu.memory_space<vmem>> -> memref<1x128xi32, #tpu.memory_space<vmem>>
          %dma_wait3A_287 = arith.constant 0 : i32
          %dma_wait3A_288 = tpu.memref_slice %dma_wait3A_286[%run_scoped3A_198, %dma_wait3A_287] : memref<1x128xi32, #tpu.memory_space<vmem>> -> memref<1x128xi32, #tpu.memory_space<vmem>>
          %dma_wait3A_289 = tpu.memref_squeeze %dma_wait3A_288 : memref<1x128xi32, #tpu.memory_space<vmem>> -> memref<128xi32, #tpu.memory_space<vmem>>
          %dma_wait3A_290 = arith.constant 0 : i32
          %dma_wait3A_291 = arith.constant 0 : i32
          %dma_wait3A_292 = tpu.memref_slice %arg2[%dma_wait3A_290, %dma_wait3A_291] : memref<81920x256xf32, #tpu.memory_space<hbm>> -> memref<81920x256xf32, #tpu.memory_space<hbm>>
          tpu.wait_indirect_dma semaphore(%run_scoped3A_264 : memref<!tpu.dma_semaphore, #tpu.memory_space<semaphore_mem>>) src(%dma_wait3A_292 : memref<81920x256xf32, #tpu.memory_space<hbm>>) dst(%dma_wait3A_282 : memref<128x256xf32, #tpu.memory_space<vmem>>)
          tpu.yield
        }) : () -> ()
        "tpu.trace_stop"() : () -> ()
        %ne3A_199 = arith.cmpi ne, %add3A_131, %add3A_149 : i32
        %or3A_200 = arith.constant false
        %or3A_201 = arith.ori %or3A_200, %ne3A_199 : i1
        %or3A_202 = arith.ori %or3A_201, %eq3A_130 : i1
        %convert_element_type3A_203 = arith.extui %or3A_202 : i1 to i32
        %cond3A_204 = arith.constant 0 : i32
        %cond3A_205 = arith.cmpi ne, %convert_element_type3A_203, %cond3A_204 : i32
        scf.if %cond3A_205 {
        } else {
        }
        %and3A_206 = arith.constant false
        %and3A_207 = arith.andi %or3A_202, %and3A_206 : i1
        %ne3A_208 = arith.cmpi ne, %add3A_131, %add3A_149 : i32
        %or3A_209 = arith.constant false
        %or3A_210 = arith.ori %or3A_209, %ne3A_208 : i1
        %or3A_211 = arith.constant false
        %or3A_212 = arith.ori %or3A_210, %or3A_211 : i1
        %or3A_213 = arith.ori %or3A_212, %eq3A_130 : i1
        %convert_element_type3A_214 = arith.extui %or3A_213 : i1 to i32
        %cond3A_215 = arith.constant 0 : i32
        %cond3A_216 = arith.cmpi ne, %convert_element_type3A_214, %cond3A_215 : i32
        scf.if %cond3A_216 {
          "tpu.trace_start"() <{level = 10 : i32, message = "ep_copy_out"}> : () -> ()
          %rem3A_264 = arith.constant 2 : i32
          %rem3A_265 = arith.remui %scan3A_124, %rem3A_264 : i32
          %mul3A_266 = arith.constant 128 : i32
          %mul3A_267 = arith.muli %mul3A_266, %add3A_131 : i32
          %dma_start3A_268 = arith.constant 0 : i32
          %dma_start3A_269 = arith.constant 0 : i32
          %dma_start3A_270 = tpu.memref_slice %run_scoped3A_8[%rem3A_265, %dma_start3A_268, %dma_start3A_269] : memref<2x128x256xf32, #tpu.memory_space<vmem>> -> memref<1x128x256xf32, #tpu.memory_space<vmem>>
          %dma_start3A_271 = tpu.memref_squeeze %dma_start3A_270 : memref<1x128x256xf32, #tpu.memory_space<vmem>> -> memref<128x256xf32, #tpu.memory_space<vmem>>
          %dma_start3A_272 = arith.constant 0 : i32
          %dma_start3A_273 = tpu.memref_slice %arg4[%mul3A_267, %dma_start3A_272] : memref<65536x256xf32, #tpu.memory_space<hbm>> -> memref<128x256xf32, #tpu.memory_space<hbm>>
          %dma_start3A_274 = tpu.memref_slice %run_scoped3A_9[%rem3A_265] : memref<2x!tpu.dma_semaphore, #tpu.memory_space<semaphore_mem>> -> memref<1x!tpu.dma_semaphore, #tpu.memory_space<semaphore_mem>>
          %dma_start3A_275 = tpu.memref_squeeze %dma_start3A_274 : memref<1x!tpu.dma_semaphore, #tpu.memory_space<semaphore_mem>> -> memref<!tpu.dma_semaphore, #tpu.memory_space<semaphore_mem>>
          %dma_start3A_276 = arith.constant 0 : i32
          %dma_start3A_277 = tpu.memref_slice %arg4[%mul3A_267, %dma_start3A_276] : memref<65536x256xf32, #tpu.memory_space<hbm>> -> memref<128x256xf32, #tpu.memory_space<hbm>>
          %dma_start3A_278 = arith.constant 0 : i32
          %dma_start3A_279 = arith.constant 0 : i32
          %dma_start3A_280 = tpu.memref_slice %run_scoped3A_8[%rem3A_265, %dma_start3A_278, %dma_start3A_279] : memref<2x128x256xf32, #tpu.memory_space<vmem>> -> memref<1x128x256xf32, #tpu.memory_space<vmem>>
          %dma_start3A_281 = tpu.memref_squeeze %dma_start3A_280 : memref<1x128x256xf32, #tpu.memory_space<vmem>> -> memref<128x256xf32, #tpu.memory_space<vmem>>
          tpu.enqueue_dma source(%dma_start3A_281 : memref<128x256xf32, #tpu.memory_space<vmem>>) target(%dma_start3A_277 : memref<128x256xf32, #tpu.memory_space<hbm>>) target_semaphore(%dma_start3A_275 : memref<!tpu.dma_semaphore, #tpu.memory_space<semaphore_mem>>)
          "tpu.trace_stop"() : () -> ()
        } else {
        }
        %and3A_217 = arith.constant true
        %and3A_218 = arith.andi %or3A_213, %and3A_217 : i1
        %add3A_219 = arith.constant 1 : i32
        %add3A_220 = arith.addi %scan3A_124, %add3A_219 : i32
        %select_n3A_221 = arith.select %and3A_218, %add3A_220, %scan3A_124 : i32
        %ne3A_222 = arith.cmpi ne, %add3A_131, %add3A_140 : i32
        %or3A_223 = arith.constant false
        %or3A_224 = arith.ori %or3A_223, %ne3A_222 : i1
        %not3A_225 = arith.constant true
        %not3A_226 = arith.xori %eq3A_128, %not3A_225 : i1
        %and3A_227 = arith.andi %or3A_224, %not3A_226 : i1
        %convert_element_type3A_228 = arith.extui %and3A_227 : i1 to i32
        %cond3A_229 = arith.constant 0 : i32
        %cond3A_230 = arith.cmpi ne, %convert_element_type3A_228, %cond3A_229 : i32
        scf.if %cond3A_230 {
        } else {
        }
        %and3A_231 = arith.constant false
        %and3A_232 = arith.andi %and3A_227, %and3A_231 : i1
        %ne3A_233 = arith.cmpi ne, %add3A_131, %add3A_140 : i32
        %or3A_234 = arith.constant false
        %or3A_235 = arith.ori %or3A_234, %ne3A_233 : i1
        %or3A_236 = arith.constant false
        %or3A_237 = arith.ori %or3A_235, %or3A_236 : i1
        %not3A_238 = arith.constant true
        %not3A_239 = arith.xori %eq3A_128, %not3A_238 : i1
        %and3A_240 = arith.andi %or3A_237, %not3A_239 : i1
        %convert_element_type3A_241 = arith.extui %and3A_240 : i1 to i32
        %cond3A_242 = arith.constant 0 : i32
        %cond3A_243 = arith.cmpi ne, %convert_element_type3A_241, %cond3A_242 : i32
        scf.if %cond3A_243 {
          "tpu.trace_start"() <{level = 10 : i32, message = "ep_wait_out"}> : () -> ()
          %rem3A_264 = arith.constant 2 : i32
          %rem3A_265 = arith.remui %scan3A_125, %rem3A_264 : i32
          %mul3A_266 = arith.constant 128 : i32
          %mul3A_267 = arith.muli %mul3A_266, %add3A_140 : i32
          %dma_wait3A_268 = arith.constant 0 : i32
          %dma_wait3A_269 = arith.constant 0 : i32
          %dma_wait3A_270 = tpu.memref_slice %run_scoped3A_8[%rem3A_265, %dma_wait3A_268, %dma_wait3A_269] : memref<2x128x256xf32, #tpu.memory_space<vmem>> -> memref<1x128x256xf32, #tpu.memory_space<vmem>>
          %dma_wait3A_271 = tpu.memref_squeeze %dma_wait3A_270 : memref<1x128x256xf32, #tpu.memory_space<vmem>> -> memref<128x256xf32, #tpu.memory_space<vmem>>
          %dma_wait3A_272 = arith.constant 0 : i32
          %dma_wait3A_273 = tpu.memref_slice %arg4[%mul3A_267, %dma_wait3A_272] : memref<65536x256xf32, #tpu.memory_space<hbm>> -> memref<128x256xf32, #tpu.memory_space<hbm>>
          %dma_wait3A_274 = tpu.memref_slice %run_scoped3A_9[%rem3A_265] : memref<2x!tpu.dma_semaphore, #tpu.memory_space<semaphore_mem>> -> memref<1x!tpu.dma_semaphore, #tpu.memory_space<semaphore_mem>>
          %dma_wait3A_275 = tpu.memref_squeeze %dma_wait3A_274 : memref<1x!tpu.dma_semaphore, #tpu.memory_space<semaphore_mem>> -> memref<!tpu.dma_semaphore, #tpu.memory_space<semaphore_mem>>
          %dma_wait3A_276 = arith.constant 0 : i32
          %dma_wait3A_277 = tpu.memref_slice %arg4[%mul3A_267, %dma_wait3A_276] : memref<65536x256xf32, #tpu.memory_space<hbm>> -> memref<128x256xf32, #tpu.memory_space<hbm>>
          %dma_wait3A_278 = arith.constant 0 : i32
          %dma_wait3A_279 = arith.constant 0 : i32
          %dma_wait3A_280 = tpu.memref_slice %run_scoped3A_8[%rem3A_265, %dma_wait3A_278, %dma_wait3A_279] : memref<2x128x256xf32, #tpu.memory_space<vmem>> -> memref<1x128x256xf32, #tpu.memory_space<vmem>>
          %dma_wait3A_281 = tpu.memref_squeeze %dma_wait3A_280 : memref<1x128x256xf32, #tpu.memory_space<vmem>> -> memref<128x256xf32, #tpu.memory_space<vmem>>
          tpu.wait_dma2 semaphore(%dma_wait3A_275 : memref<!tpu.dma_semaphore, #tpu.memory_space<semaphore_mem>>) src(%dma_wait3A_281 : memref<128x256xf32, #tpu.memory_space<vmem>>) dst(%dma_wait3A_277 : memref<128x256xf32, #tpu.memory_space<hbm>>)
          "tpu.trace_stop"() : () -> ()
        } else {
        }
        %and3A_244 = arith.constant true
        %and3A_245 = arith.andi %and3A_240, %and3A_244 : i1
        %add3A_246 = arith.constant 1 : i32
        %add3A_247 = arith.addi %scan3A_125, %add3A_246 : i32
        %select_n3A_248 = arith.select %and3A_245, %add3A_247, %scan3A_125 : i32
        %ne3A_249 = arith.cmpi ne, %add3A_131, %add3A_149 : i32
        %or3A_250 = arith.constant false
        %or3A_251 = arith.ori %or3A_250, %ne3A_249 : i1
        %or3A_252 = arith.ori %or3A_251, %eq3A_130 : i1
        %add3A_253 = arith.constant 1 : i32
        %add3A_254 = arith.addi %scan3A_123, %add3A_253 : i32
        %select_n3A_255 = arith.select %or3A_252, %add3A_254, %scan3A_123 : i32
        %add3A_256 = arith.constant 1 : i32
        %add3A_257 = arith.addi %scan3A_126, %add3A_256 : i32
        %select_n3A_258 = arith.constant true
        %select_n3A_259 = arith.select %select_n3A_258, %add3A_257, %scan3A_126 : i32
        %eq3A_260 = arith.constant 16 : i32
        %eq3A_261 = arith.cmpi eq, %select_n3A_259, %eq3A_260 : i32
        %select_n3A_262 = arith.constant 0 : i32
        %select_n3A_263 = arith.select %eq3A_261, %select_n3A_262, %select_n3A_259 : i32
        scf.yield %select_n3A_167, %select_n3A_255, %select_n3A_221, %select_n3A_248, %select_n3A_263 : i32, i32, i32, i32, i32
      }
      %scan3A_68 = arith.constant 16 : i32
      %sub3A = arith.constant 1 : i32
      %sub3A_69 = arith.subi %scan3A_67#4, %sub3A : i32
      %select_n3A_70 = arith.constant true
      %select_n3A_71 = arith.select %select_n3A_70, %sub3A_69, %scan3A_67#4 : i32
      %eq3A_72 = arith.constant -1 : i32
      %eq3A_73 = arith.cmpi eq, %select_n3A_71, %eq3A_72 : i32
      %select_n3A_74 = arith.constant 15 : i32
      %select_n3A_75 = arith.select %eq3A_73, %select_n3A_74, %select_n3A_71 : i32
      %add3A_76 = arith.addi %select_n3A_75, %mul3A_6 : i32
      %sub3A_77 = arith.constant 1 : i32
      %sub3A_78 = arith.subi %select_n3A_75, %sub3A_77 : i32
      %select_n3A_79 = arith.constant true
      %select_n3A_80 = arith.select %select_n3A_79, %sub3A_78, %select_n3A_75 : i32
      %eq3A_81 = arith.constant -1 : i32
      %eq3A_82 = arith.cmpi eq, %select_n3A_80, %eq3A_81 : i32
      %select_n3A_83 = arith.constant 15 : i32
      %select_n3A_84 = arith.select %eq3A_82, %select_n3A_83, %select_n3A_80 : i32
      %add3A_85 = arith.addi %select_n3A_84, %mul3A_6 : i32
      %add3A_86 = arith.constant 1 : i32
      %add3A_87 = arith.addi %select_n3A_75, %add3A_86 : i32
      %select_n3A_88 = arith.constant true
      %select_n3A_89 = arith.select %select_n3A_88, %add3A_87, %select_n3A_75 : i32
      %eq3A_90 = arith.constant 16 : i32
      %eq3A_91 = arith.cmpi eq, %select_n3A_89, %eq3A_90 : i32
      %select_n3A_92 = arith.constant 0 : i32
      %select_n3A_93 = arith.select %eq3A_91, %select_n3A_92, %select_n3A_89 : i32
      %add3A_94 = arith.addi %select_n3A_93, %mul3A_6 : i32
      %add3A_95 = arith.constant 1 : i32
      %add3A_96 = arith.addi %select_n3A_93, %add3A_95 : i32
      %select_n3A_97 = arith.constant true
      %select_n3A_98 = arith.select %select_n3A_97, %add3A_96, %select_n3A_93 : i32
      %eq3A_99 = arith.constant 16 : i32
      %eq3A_100 = arith.cmpi eq, %select_n3A_98, %eq3A_99 : i32
      %select_n3A_101 = arith.constant 0 : i32
      %select_n3A_102 = arith.select %eq3A_100, %select_n3A_101, %select_n3A_98 : i32
      %add3A_103 = arith.addi %select_n3A_102, %mul3A_6 : i32
      "tpu.trace_start"() <{level = 10 : i32, message = "ep_finalize"}> : () -> ()
      %rem3A_104 = arith.constant 2 : i32
      %rem3A_105 = arith.remui %scan3A_67#3, %rem3A_104 : i32
      %mul3A_106 = arith.constant 128 : i32
      %mul3A_107 = arith.muli %mul3A_106, %add3A_76 : i32
      %dma_wait3A = arith.constant 0 : i32
      %dma_wait3A_108 = arith.constant 0 : i32
      %dma_wait3A_109 = tpu.memref_slice %run_scoped3A_8[%rem3A_105, %dma_wait3A, %dma_wait3A_108] : memref<2x128x256xf32, #tpu.memory_space<vmem>> -> memref<1x128x256xf32, #tpu.memory_space<vmem>>
      %dma_wait3A_110 = tpu.memref_squeeze %dma_wait3A_109 : memref<1x128x256xf32, #tpu.memory_space<vmem>> -> memref<128x256xf32, #tpu.memory_space<vmem>>
      %dma_wait3A_111 = arith.constant 0 : i32
      %dma_wait3A_112 = tpu.memref_slice %arg4[%mul3A_107, %dma_wait3A_111] : memref<65536x256xf32, #tpu.memory_space<hbm>> -> memref<128x256xf32, #tpu.memory_space<hbm>>
      %dma_wait3A_113 = tpu.memref_slice %run_scoped3A_9[%rem3A_105] : memref<2x!tpu.dma_semaphore, #tpu.memory_space<semaphore_mem>> -> memref<1x!tpu.dma_semaphore, #tpu.memory_space<semaphore_mem>>
      %dma_wait3A_114 = tpu.memref_squeeze %dma_wait3A_113 : memref<1x!tpu.dma_semaphore, #tpu.memory_space<semaphore_mem>> -> memref<!tpu.dma_semaphore, #tpu.memory_space<semaphore_mem>>
      %dma_wait3A_115 = arith.constant 0 : i32
      %dma_wait3A_116 = tpu.memref_slice %arg4[%mul3A_107, %dma_wait3A_115] : memref<65536x256xf32, #tpu.memory_space<hbm>> -> memref<128x256xf32, #tpu.memory_space<hbm>>
      %dma_wait3A_117 = arith.constant 0 : i32
      %dma_wait3A_118 = arith.constant 0 : i32
      %dma_wait3A_119 = tpu.memref_slice %run_scoped3A_8[%rem3A_105, %dma_wait3A_117, %dma_wait3A_118] : memref<2x128x256xf32, #tpu.memory_space<vmem>> -> memref<1x128x256xf32, #tpu.memory_space<vmem>>
      %dma_wait3A_120 = tpu.memref_squeeze %dma_wait3A_119 : memref<1x128x256xf32, #tpu.memory_space<vmem>> -> memref<128x256xf32, #tpu.memory_space<vmem>>
      tpu.wait_dma2 semaphore(%dma_wait3A_114 : memref<!tpu.dma_semaphore, #tpu.memory_space<semaphore_mem>>) src(%dma_wait3A_120 : memref<128x256xf32, #tpu.memory_space<vmem>>) dst(%dma_wait3A_116 : memref<128x256xf32, #tpu.memory_space<hbm>>)
      "tpu.trace_stop"() : () -> ()
      tpu.yield
    }) : () -> ()
    return
  }
}

#map = affine_map<(d0, d1) -> (0, 0)>
module attributes {stable_mosaic.version = 14 : i64} {
  func.func @sc_kernel(%arg0: i32, %arg1: i32, %arg2: memref<32768x256xf32, #tpu.memory_space<hbm>>, %arg3: memref<1x65536xi32, #tpu.memory_space<hbm>>, %arg4: memref<81920x256xf32, #tpu.memory_space<hbm>>) attributes {dimension_semantics = [#tpu.dimension_semantics<core_parallel>, #tpu.dimension_semantics<subcore_parallel>], iteration_bounds = array<i64: 2, 16>, scalar_prefetch = 0 : i64, scratch_operands = 0 : i64, tpu.core_type = #tpu.core_type<sc_vector_subcore>, window_params = [{transform_indices = #map}, {transform_indices = #map}, {transform_indices = #map}]} {
    %mul3A = arith.constant 1 : i32
    %mul3A_0 = arith.muli %arg1, %mul3A : i32
    %add3A = arith.constant 0 : i32
    %add3A_1 = arith.addi %add3A, %mul3A_0 : i32
    %mul3A_2 = arith.constant 16 : i32
    %mul3A_3 = arith.muli %arg0, %mul3A_2 : i32
    %add3A_4 = arith.addi %add3A_1, %mul3A_3 : i32
    %mul3A_5 = arith.constant 16 : i32
    %mul3A_6 = arith.muli %add3A_4, %mul3A_5 : i32
    "tpu.region"() ({
      %run_scoped3A = memref.alloca() : memref<2x128x256xf32, #tpu.memory_space<vmem>>
      %run_scoped3A_7 = tpu.sem_alloc : memref<2x!tpu.dma_semaphore, #tpu.memory_space<semaphore_mem>>
      %run_scoped3A_8 = memref.alloca() : memref<2x1x128xi32, #tpu.memory_space<vmem>>
      %run_scoped3A_9 = tpu.sem_alloc : memref<2x!tpu.dma_semaphore, #tpu.memory_space<semaphore_mem>>
      %add3A_10 = arith.constant 0 : i32
      %add3A_11 = arith.addi %add3A_10, %mul3A_6 : i32
      %select_n3A = arith.constant true
      %select_n3A_12 = arith.constant 0 : i32
      %select_n3A_13 = arith.constant -1 : i32
      %select_n3A_14 = arith.select %select_n3A, %select_n3A_13, %select_n3A_12 : i32
      %eq3A = arith.constant -1 : i32
      %eq3A_15 = arith.cmpi eq, %select_n3A_14, %eq3A : i32
      %select_n3A_16 = arith.constant 15 : i32
      %select_n3A_17 = arith.select %eq3A_15, %select_n3A_16, %select_n3A_14 : i32
      %add3A_18 = arith.addi %select_n3A_17, %mul3A_6 : i32
      %select_n3A_19 = arith.constant true
      %select_n3A_20 = arith.constant 0 : i32
      %select_n3A_21 = arith.constant 1 : i32
      %select_n3A_22 = arith.select %select_n3A_19, %select_n3A_21, %select_n3A_20 : i32
      %eq3A_23 = arith.constant 16 : i32
      %eq3A_24 = arith.cmpi eq, %select_n3A_22, %eq3A_23 : i32
      %select_n3A_25 = arith.constant 0 : i32
      %select_n3A_26 = arith.select %eq3A_24, %select_n3A_25, %select_n3A_22 : i32
      %add3A_27 = arith.addi %select_n3A_26, %mul3A_6 : i32
      %add3A_28 = arith.constant 1 : i32
      %add3A_29 = arith.addi %select_n3A_26, %add3A_28 : i32
      %select_n3A_30 = arith.constant true
      %select_n3A_31 = arith.select %select_n3A_30, %add3A_29, %select_n3A_26 : i32
      %eq3A_32 = arith.constant 16 : i32
      %eq3A_33 = arith.cmpi eq, %select_n3A_31, %eq3A_32 : i32
      %select_n3A_34 = arith.constant 0 : i32
      %select_n3A_35 = arith.select %eq3A_33, %select_n3A_34, %select_n3A_31 : i32
      %add3A_36 = arith.addi %select_n3A_35, %mul3A_6 : i32
      "tpu.trace_start"() <{level = 10 : i32, message = "ep_initialize_0"}> : () -> ()
      %rem3A = arith.constant 0 : i32
      %rem3A_37 = arith.constant 2 : i32
      %rem3A_38 = arith.remui %rem3A, %rem3A_37 : i32
      %jit3A = arith.constant 128 : i32
      %div3A = arith.divsi %add3A_11, %jit3A : i32
      %sign3A = arith.constant 0 : i32
      %sign3A_39 = arith.cmpi sgt, %add3A_11, %sign3A : i32
      %sign3A_40 = arith.extui %sign3A_39 : i1 to i32
      %sign3A_41 = arith.constant 0 : i32
      %sign3A_42 = arith.cmpi slt, %add3A_11, %sign3A_41 : i32
      %sign3A_43 = arith.extui %sign3A_42 : i1 to i32
      %sign3A_44 = arith.subi %sign3A_40, %sign3A_43 : i32
      %sign3A_45 = arith.constant 0 : i32
      %sign3A_46 = arith.cmpi sgt, %jit3A, %sign3A_45 : i32
      %sign3A_47 = arith.extui %sign3A_46 : i1 to i32
      %sign3A_48 = arith.constant 0 : i32
      %sign3A_49 = arith.cmpi slt, %jit3A, %sign3A_48 : i32
      %sign3A_50 = arith.extui %sign3A_49 : i1 to i32
      %sign3A_51 = arith.subi %sign3A_47, %sign3A_50 : i32
      %ne3A = arith.cmpi ne, %sign3A_44, %sign3A_51 : i32
      %rem3A_52 = arith.remsi %add3A_11, %jit3A : i32
      %ne3A_53 = arith.constant 0 : i32
      %ne3A_54 = arith.cmpi ne, %rem3A_52, %ne3A_53 : i32
      %and3A = arith.andi %ne3A, %ne3A_54 : i1
      %sub3A = arith.constant 1 : i32
      %sub3A_55 = arith.subi %div3A, %sub3A : i32
      %select_n3A_56 = arith.select %and3A, %sub3A_55, %div3A : i32
      %jit3A_57 = arith.constant 128 : i32
      %eq3A_58 = arith.constant 0 : i32
      %eq3A_59 = arith.cmpi eq, %jit3A_57, %eq3A_58 : i32
      %jit3A_60 = arith.constant 1 : i32
      %select_n3A_61 = arith.select %eq3A_59, %jit3A_60, %jit3A_57 : i32
      %rem3A_62 = arith.remsi %add3A_11, %select_n3A_61 : i32
      %ne3A_63 = arith.constant 0 : i32
      %ne3A_64 = arith.cmpi ne, %rem3A_62, %ne3A_63 : i32
      %lt3A = arith.constant 0 : i32
      %lt3A_65 = arith.cmpi slt, %rem3A_62, %lt3A : i32
      %lt3A_66 = arith.constant 0 : i32
      %lt3A_67 = arith.cmpi slt, %select_n3A_61, %lt3A_66 : i32
      %ne3A_68 = arith.xori %lt3A_65, %lt3A_67 : i1
      %and3A_69 = arith.andi %ne3A_68, %ne3A_64 : i1
      %add3A_70 = arith.addi %rem3A_62, %select_n3A_61 : i32
      %select_n3A_71 = arith.select %and3A_69, %add3A_70, %rem3A_62 : i32
      %mul3A_72 = arith.constant 64 : i32
      %mul3A_73 = arith.muli %select_n3A_56, %mul3A_72 : i32
      %jit3A_74 = arith.constant 32 : i32
      %div3A_75 = arith.divsi %select_n3A_71, %jit3A_74 : i32
      %sign3A_76 = arith.constant 0 : i32
      %sign3A_77 = arith.cmpi sgt, %select_n3A_71, %sign3A_76 : i32
      %sign3A_78 = arith.extui %sign3A_77 : i1 to i32
      %sign3A_79 = arith.constant 0 : i32
      %sign3A_80 = arith.cmpi slt, %select_n3A_71, %sign3A_79 : i32
      %sign3A_81 = arith.extui %sign3A_80 : i1 to i32
      %sign3A_82 = arith.subi %sign3A_78, %sign3A_81 : i32
      %sign3A_83 = arith.constant 0 : i32
      %sign3A_84 = arith.cmpi sgt, %jit3A_74, %sign3A_83 : i32
      %sign3A_85 = arith.extui %sign3A_84 : i1 to i32
      %sign3A_86 = arith.constant 0 : i32
      %sign3A_87 = arith.cmpi slt, %jit3A_74, %sign3A_86 : i32
      %sign3A_88 = arith.extui %sign3A_87 : i1 to i32
      %sign3A_89 = arith.subi %sign3A_85, %sign3A_88 : i32
      %ne3A_90 = arith.cmpi ne, %sign3A_82, %sign3A_89 : i32
      %rem3A_91 = arith.remsi %select_n3A_71, %jit3A_74 : i32
      %ne3A_92 = arith.constant 0 : i32
      %ne3A_93 = arith.cmpi ne, %rem3A_91, %ne3A_92 : i32
      %and3A_94 = arith.andi %ne3A_90, %ne3A_93 : i1
      %sub3A_95 = arith.constant 1 : i32
      %sub3A_96 = arith.subi %div3A_75, %sub3A_95 : i32
      %select_n3A_97 = arith.select %and3A_94, %sub3A_96, %div3A_75 : i32
      %jit3A_98 = arith.constant 2 : i32
      %div3A_99 = arith.divsi %select_n3A_97, %jit3A_98 : i32
      %sign3A_100 = arith.constant 0 : i32
      %sign3A_101 = arith.cmpi sgt, %select_n3A_97, %sign3A_100 : i32
      %sign3A_102 = arith.extui %sign3A_101 : i1 to i32
      %sign3A_103 = arith.constant 0 : i32
      %sign3A_104 = arith.cmpi slt, %select_n3A_97, %sign3A_103 : i32
      %sign3A_105 = arith.extui %sign3A_104 : i1 to i32
      %sign3A_106 = arith.subi %sign3A_102, %sign3A_105 : i32
      %sign3A_107 = arith.constant 0 : i32
      %sign3A_108 = arith.cmpi sgt, %jit3A_98, %sign3A_107 : i32
      %sign3A_109 = arith.extui %sign3A_108 : i1 to i32
      %sign3A_110 = arith.constant 0 : i32
      %sign3A_111 = arith.cmpi slt, %jit3A_98, %sign3A_110 : i32
      %sign3A_112 = arith.extui %sign3A_111 : i1 to i32
      %sign3A_113 = arith.subi %sign3A_109, %sign3A_112 : i32
      %ne3A_114 = arith.cmpi ne, %sign3A_106, %sign3A_113 : i32
      %rem3A_115 = arith.remsi %select_n3A_97, %jit3A_98 : i32
      %ne3A_116 = arith.constant 0 : i32
      %ne3A_117 = arith.cmpi ne, %rem3A_115, %ne3A_116 : i32
      %and3A_118 = arith.andi %ne3A_114, %ne3A_117 : i1
      %sub3A_119 = arith.constant 1 : i32
      %sub3A_120 = arith.subi %div3A_99, %sub3A_119 : i32
      %select_n3A_121 = arith.select %and3A_118, %sub3A_120, %div3A_99 : i32
      %mul3A_122 = arith.constant 32 : i32
      %mul3A_123 = arith.muli %select_n3A_121, %mul3A_122 : i32
      %add3A_124 = arith.addi %mul3A_73, %mul3A_123 : i32
      %jit3A_125 = arith.constant 32 : i32
      %eq3A_126 = arith.constant 0 : i32
      %eq3A_127 = arith.cmpi eq, %jit3A_125, %eq3A_126 : i32
      %jit3A_128 = arith.constant 1 : i32
      %select_n3A_129 = arith.select %eq3A_127, %jit3A_128, %jit3A_125 : i32
      %rem3A_130 = arith.remsi %select_n3A_71, %select_n3A_129 : i32
      %ne3A_131 = arith.constant 0 : i32
      %ne3A_132 = arith.cmpi ne, %rem3A_130, %ne3A_131 : i32
      %lt3A_133 = arith.constant 0 : i32
      %lt3A_134 = arith.cmpi slt, %rem3A_130, %lt3A_133 : i32
      %lt3A_135 = arith.constant 0 : i32
      %lt3A_136 = arith.cmpi slt, %select_n3A_129, %lt3A_135 : i32
      %ne3A_137 = arith.xori %lt3A_134, %lt3A_136 : i1
      %and3A_138 = arith.andi %ne3A_137, %ne3A_132 : i1
      %add3A_139 = arith.addi %rem3A_130, %select_n3A_129 : i32
      %select_n3A_140 = arith.select %and3A_138, %add3A_139, %rem3A_130 : i32
      %add3A_141 = arith.addi %add3A_124, %select_n3A_140 : i32
      %mul3A_142 = arith.constant 128 : i32
      %mul3A_143 = arith.muli %mul3A_142, %add3A_141 : i32
      %dma_start3A = arith.constant 0 : i32
      %dma_start3A_144 = arith.constant 0 : i32
      %dma_start3A_145 = tpu.memref_slice %run_scoped3A[%rem3A_38, %dma_start3A, %dma_start3A_144] : memref<2x128x256xf32, #tpu.memory_space<vmem>> -> memref<1x128x256xf32, #tpu.memory_space<vmem>>
      %dma_start3A_146 = tpu.memref_squeeze %dma_start3A_145 : memref<1x128x256xf32, #tpu.memory_space<vmem>> -> memref<128x256xf32, #tpu.memory_space<vmem>>
      %dma_start3A_147 = arith.constant 0 : i32
      %dma_start3A_148 = tpu.memref_slice %arg2[%mul3A_143, %dma_start3A_147] : memref<32768x256xf32, #tpu.memory_space<hbm>> -> memref<128x256xf32, #tpu.memory_space<hbm>>
      %dma_start3A_149 = tpu.memref_slice %run_scoped3A_7[%rem3A_38] : memref<2x!tpu.dma_semaphore, #tpu.memory_space<semaphore_mem>> -> memref<1x!tpu.dma_semaphore, #tpu.memory_space<semaphore_mem>>
      %dma_start3A_150 = tpu.memref_squeeze %dma_start3A_149 : memref<1x!tpu.dma_semaphore, #tpu.memory_space<semaphore_mem>> -> memref<!tpu.dma_semaphore, #tpu.memory_space<semaphore_mem>>
      %dma_start3A_151 = arith.constant 0 : i32
      %dma_start3A_152 = arith.constant 0 : i32
      %dma_start3A_153 = tpu.memref_slice %run_scoped3A[%rem3A_38, %dma_start3A_151, %dma_start3A_152] : memref<2x128x256xf32, #tpu.memory_space<vmem>> -> memref<1x128x256xf32, #tpu.memory_space<vmem>>
      %dma_start3A_154 = tpu.memref_squeeze %dma_start3A_153 : memref<1x128x256xf32, #tpu.memory_space<vmem>> -> memref<128x256xf32, #tpu.memory_space<vmem>>
      %dma_start3A_155 = arith.constant 0 : i32
      %dma_start3A_156 = tpu.memref_slice %arg2[%mul3A_143, %dma_start3A_155] : memref<32768x256xf32, #tpu.memory_space<hbm>> -> memref<128x256xf32, #tpu.memory_space<hbm>>
      tpu.enqueue_dma source(%dma_start3A_156 : memref<128x256xf32, #tpu.memory_space<hbm>>) target(%dma_start3A_154 : memref<128x256xf32, #tpu.memory_space<vmem>>) target_semaphore(%dma_start3A_150 : memref<!tpu.dma_semaphore, #tpu.memory_space<semaphore_mem>>)
      %add3A_157 = arith.constant 0 : i32
      %add3A_158 = arith.constant 1 : i32
      %add3A_159 = arith.addi %add3A_157, %add3A_158 : i32
      %select_n3A_160 = arith.constant true
      %select_n3A_161 = arith.constant 0 : i32
      %select_n3A_162 = arith.select %select_n3A_160, %add3A_159, %select_n3A_161 : i32
      %rem3A_163 = arith.constant 0 : i32
      %rem3A_164 = arith.constant 2 : i32
      %rem3A_165 = arith.remui %rem3A_163, %rem3A_164 : i32
      %mul3A_166 = arith.constant 128 : i32
      %mul3A_167 = arith.muli %mul3A_166, %add3A_11 : i32
      %dma_start3A_168 = arith.constant 0 : i32
      %dma_start3A_169 = arith.constant 0 : i32
      %dma_start3A_170 = tpu.memref_slice %run_scoped3A_8[%rem3A_165, %dma_start3A_168, %dma_start3A_169] : memref<2x1x128xi32, #tpu.memory_space<vmem>> -> memref<1x1x128xi32, #tpu.memory_space<vmem>>
      %dma_start3A_171 = tpu.memref_squeeze %dma_start3A_170 : memref<1x1x128xi32, #tpu.memory_space<vmem>> -> memref<1x128xi32, #tpu.memory_space<vmem>>
      %dma_start3A_172 = arith.constant 0 : i32
      %dma_start3A_173 = tpu.memref_slice %arg3[%dma_start3A_172, %mul3A_167] : memref<1x65536xi32, #tpu.memory_space<hbm>> -> memref<1x128xi32, #tpu.memory_space<hbm>>
      %dma_start3A_174 = tpu.memref_slice %run_scoped3A_9[%rem3A_165] : memref<2x!tpu.dma_semaphore, #tpu.memory_space<semaphore_mem>> -> memref<1x!tpu.dma_semaphore, #tpu.memory_space<semaphore_mem>>
      %dma_start3A_175 = tpu.memref_squeeze %dma_start3A_174 : memref<1x!tpu.dma_semaphore, #tpu.memory_space<semaphore_mem>> -> memref<!tpu.dma_semaphore, #tpu.memory_space<semaphore_mem>>
      %dma_start3A_176 = arith.constant 0 : i32
      %dma_start3A_177 = arith.constant 0 : i32
      %dma_start3A_178 = tpu.memref_slice %run_scoped3A_8[%rem3A_165, %dma_start3A_176, %dma_start3A_177] : memref<2x1x128xi32, #tpu.memory_space<vmem>> -> memref<1x1x128xi32, #tpu.memory_space<vmem>>
      %dma_start3A_179 = tpu.memref_squeeze %dma_start3A_178 : memref<1x1x128xi32, #tpu.memory_space<vmem>> -> memref<1x128xi32, #tpu.memory_space<vmem>>
      %dma_start3A_180 = arith.constant 0 : i32
      %dma_start3A_181 = tpu.memref_slice %arg3[%dma_start3A_180, %mul3A_167] : memref<1x65536xi32, #tpu.memory_space<hbm>> -> memref<1x128xi32, #tpu.memory_space<hbm>>
      tpu.enqueue_dma source(%dma_start3A_181 : memref<1x128xi32, #tpu.memory_space<hbm>>) target(%dma_start3A_179 : memref<1x128xi32, #tpu.memory_space<vmem>>) target_semaphore(%dma_start3A_175 : memref<!tpu.dma_semaphore, #tpu.memory_space<semaphore_mem>>)
      %add3A_182 = arith.constant 0 : i32
      %add3A_183 = arith.constant 1 : i32
      %add3A_184 = arith.addi %add3A_182, %add3A_183 : i32
      %select_n3A_185 = arith.constant true
      %select_n3A_186 = arith.constant 0 : i32
      %select_n3A_187 = arith.select %select_n3A_185, %add3A_184, %select_n3A_186 : i32
      "tpu.trace_stop"() : () -> ()
      %scan3A = arith.constant 0 : i32
      %scan3A_188 = arith.constant 0 : i32
      %scan3A_189 = arith.constant 0 : i32
      %scan3A_190 = arith.constant 0 : i32
      %scan3A_191 = arith.constant 16 : i32
      %scan3A_192 = arith.addi %scan3A_190, %scan3A_191 : i32
      %scan3A_193 = arith.constant 1 : i32
      %scan3A_194:5 = scf.for %scan3A_232 = %scan3A_190 to %scan3A_192 step %scan3A_193 iter_args(%scan3A_233 = %select_n3A_162, %scan3A_234 = %scan3A, %scan3A_235 = %select_n3A_187, %scan3A_236 = %scan3A_188, %scan3A_237 = %scan3A_189) -> (i32, i32, i32, i32, i32)  : i32 {
        %eq3A_238 = arith.constant 0 : i32
        %eq3A_239 = arith.cmpi eq, %scan3A_232, %eq3A_238 : i32
        %eq3A_240 = arith.constant 15 : i32
        %eq3A_241 = arith.cmpi eq, %scan3A_232, %eq3A_240 : i32
        %add3A_242 = arith.addi %scan3A_237, %mul3A_6 : i32
        %sub3A_243 = arith.constant 1 : i32
        %sub3A_244 = arith.subi %scan3A_237, %sub3A_243 : i32
        %select_n3A_245 = arith.constant true
        %select_n3A_246 = arith.select %select_n3A_245, %sub3A_244, %scan3A_237 : i32
        %eq3A_247 = arith.constant -1 : i32
        %eq3A_248 = arith.cmpi eq, %select_n3A_246, %eq3A_247 : i32
        %select_n3A_249 = arith.constant 15 : i32
        %select_n3A_250 = arith.select %eq3A_248, %select_n3A_249, %select_n3A_246 : i32
        %add3A_251 = arith.addi %select_n3A_250, %mul3A_6 : i32
        %add3A_252 = arith.constant 1 : i32
        %add3A_253 = arith.addi %scan3A_237, %add3A_252 : i32
        %select_n3A_254 = arith.constant true
        %select_n3A_255 = arith.select %select_n3A_254, %add3A_253, %scan3A_237 : i32
        %eq3A_256 = arith.constant 16 : i32
        %eq3A_257 = arith.cmpi eq, %select_n3A_255, %eq3A_256 : i32
        %select_n3A_258 = arith.constant 0 : i32
        %select_n3A_259 = arith.select %eq3A_257, %select_n3A_258, %select_n3A_255 : i32
        %add3A_260 = arith.addi %select_n3A_259, %mul3A_6 : i32
        %add3A_261 = arith.constant 1 : i32
        %add3A_262 = arith.addi %select_n3A_259, %add3A_261 : i32
        %select_n3A_263 = arith.constant true
        %select_n3A_264 = arith.select %select_n3A_263, %add3A_262, %select_n3A_259 : i32
        %eq3A_265 = arith.constant 16 : i32
        %eq3A_266 = arith.cmpi eq, %select_n3A_264, %eq3A_265 : i32
        %select_n3A_267 = arith.constant 0 : i32
        %select_n3A_268 = arith.select %eq3A_266, %select_n3A_267, %select_n3A_264 : i32
        %add3A_269 = arith.addi %select_n3A_268, %mul3A_6 : i32
        %jit3A_270 = arith.constant 128 : i32
        %div3A_271 = arith.divsi %add3A_242, %jit3A_270 : i32
        %sign3A_272 = arith.constant 0 : i32
        %sign3A_273 = arith.cmpi sgt, %add3A_242, %sign3A_272 : i32
        %sign3A_274 = arith.extui %sign3A_273 : i1 to i32
        %sign3A_275 = arith.constant 0 : i32
        %sign3A_276 = arith.cmpi slt, %add3A_242, %sign3A_275 : i32
        %sign3A_277 = arith.extui %sign3A_276 : i1 to i32
        %sign3A_278 = arith.subi %sign3A_274, %sign3A_277 : i32
        %sign3A_279 = arith.constant 0 : i32
        %sign3A_280 = arith.cmpi sgt, %jit3A_270, %sign3A_279 : i32
        %sign3A_281 = arith.extui %sign3A_280 : i1 to i32
        %sign3A_282 = arith.constant 0 : i32
        %sign3A_283 = arith.cmpi slt, %jit3A_270, %sign3A_282 : i32
        %sign3A_284 = arith.extui %sign3A_283 : i1 to i32
        %sign3A_285 = arith.subi %sign3A_281, %sign3A_284 : i32
        %ne3A_286 = arith.cmpi ne, %sign3A_278, %sign3A_285 : i32
        %rem3A_287 = arith.remsi %add3A_242, %jit3A_270 : i32
        %ne3A_288 = arith.constant 0 : i32
        %ne3A_289 = arith.cmpi ne, %rem3A_287, %ne3A_288 : i32
        %and3A_290 = arith.andi %ne3A_286, %ne3A_289 : i1
        %sub3A_291 = arith.constant 1 : i32
        %sub3A_292 = arith.subi %div3A_271, %sub3A_291 : i32
        %select_n3A_293 = arith.select %and3A_290, %sub3A_292, %div3A_271 : i32
        %jit3A_294 = arith.constant 128 : i32
        %eq3A_295 = arith.constant 0 : i32
        %eq3A_296 = arith.cmpi eq, %jit3A_294, %eq3A_295 : i32
        %jit3A_297 = arith.constant 1 : i32
        %select_n3A_298 = arith.select %eq3A_296, %jit3A_297, %jit3A_294 : i32
        %rem3A_299 = arith.remsi %add3A_242, %select_n3A_298 : i32
        %ne3A_300 = arith.constant 0 : i32
        %ne3A_301 = arith.cmpi ne, %rem3A_299, %ne3A_300 : i32
        %lt3A_302 = arith.constant 0 : i32
        %lt3A_303 = arith.cmpi slt, %rem3A_299, %lt3A_302 : i32
        %lt3A_304 = arith.constant 0 : i32
        %lt3A_305 = arith.cmpi slt, %select_n3A_298, %lt3A_304 : i32
        %ne3A_306 = arith.xori %lt3A_303, %lt3A_305 : i1
        %and3A_307 = arith.andi %ne3A_306, %ne3A_301 : i1
        %add3A_308 = arith.addi %rem3A_299, %select_n3A_298 : i32
        %select_n3A_309 = arith.select %and3A_307, %add3A_308, %rem3A_299 : i32
        %mul3A_310 = arith.constant 64 : i32
        %mul3A_311 = arith.muli %select_n3A_293, %mul3A_310 : i32
        %jit3A_312 = arith.constant 32 : i32
        %div3A_313 = arith.divsi %select_n3A_309, %jit3A_312 : i32
        %sign3A_314 = arith.constant 0 : i32
        %sign3A_315 = arith.cmpi sgt, %select_n3A_309, %sign3A_314 : i32
        %sign3A_316 = arith.extui %sign3A_315 : i1 to i32
        %sign3A_317 = arith.constant 0 : i32
        %sign3A_318 = arith.cmpi slt, %select_n3A_309, %sign3A_317 : i32
        %sign3A_319 = arith.extui %sign3A_318 : i1 to i32
        %sign3A_320 = arith.subi %sign3A_316, %sign3A_319 : i32
        %sign3A_321 = arith.constant 0 : i32
        %sign3A_322 = arith.cmpi sgt, %jit3A_312, %sign3A_321 : i32
        %sign3A_323 = arith.extui %sign3A_322 : i1 to i32
        %sign3A_324 = arith.constant 0 : i32
        %sign3A_325 = arith.cmpi slt, %jit3A_312, %sign3A_324 : i32
        %sign3A_326 = arith.extui %sign3A_325 : i1 to i32
        %sign3A_327 = arith.subi %sign3A_323, %sign3A_326 : i32
        %ne3A_328 = arith.cmpi ne, %sign3A_320, %sign3A_327 : i32
        %rem3A_329 = arith.remsi %select_n3A_309, %jit3A_312 : i32
        %ne3A_330 = arith.constant 0 : i32
        %ne3A_331 = arith.cmpi ne, %rem3A_329, %ne3A_330 : i32
        %and3A_332 = arith.andi %ne3A_328, %ne3A_331 : i1
        %sub3A_333 = arith.constant 1 : i32
        %sub3A_334 = arith.subi %div3A_313, %sub3A_333 : i32
        %select_n3A_335 = arith.select %and3A_332, %sub3A_334, %div3A_313 : i32
        %jit3A_336 = arith.constant 2 : i32
        %div3A_337 = arith.divsi %select_n3A_335, %jit3A_336 : i32
        %sign3A_338 = arith.constant 0 : i32
        %sign3A_339 = arith.cmpi sgt, %select_n3A_335, %sign3A_338 : i32
        %sign3A_340 = arith.extui %sign3A_339 : i1 to i32
        %sign3A_341 = arith.constant 0 : i32
        %sign3A_342 = arith.cmpi slt, %select_n3A_335, %sign3A_341 : i32
        %sign3A_343 = arith.extui %sign3A_342 : i1 to i32
        %sign3A_344 = arith.subi %sign3A_340, %sign3A_343 : i32
        %sign3A_345 = arith.constant 0 : i32
        %sign3A_346 = arith.cmpi sgt, %jit3A_336, %sign3A_345 : i32
        %sign3A_347 = arith.extui %sign3A_346 : i1 to i32
        %sign3A_348 = arith.constant 0 : i32
        %sign3A_349 = arith.cmpi slt, %jit3A_336, %sign3A_348 : i32
        %sign3A_350 = arith.extui %sign3A_349 : i1 to i32
        %sign3A_351 = arith.subi %sign3A_347, %sign3A_350 : i32
        %ne3A_352 = arith.cmpi ne, %sign3A_344, %sign3A_351 : i32
        %rem3A_353 = arith.remsi %select_n3A_335, %jit3A_336 : i32
        %ne3A_354 = arith.constant 0 : i32
        %ne3A_355 = arith.cmpi ne, %rem3A_353, %ne3A_354 : i32
        %and3A_356 = arith.andi %ne3A_352, %ne3A_355 : i1
        %sub3A_357 = arith.constant 1 : i32
        %sub3A_358 = arith.subi %div3A_337, %sub3A_357 : i32
        %select_n3A_359 = arith.select %and3A_356, %sub3A_358, %div3A_337 : i32
        %mul3A_360 = arith.constant 32 : i32
        %mul3A_361 = arith.muli %select_n3A_359, %mul3A_360 : i32
        %add3A_362 = arith.addi %mul3A_311, %mul3A_361 : i32
        %jit3A_363 = arith.constant 32 : i32
        %eq3A_364 = arith.constant 0 : i32
        %eq3A_365 = arith.cmpi eq, %jit3A_363, %eq3A_364 : i32
        %jit3A_366 = arith.constant 1 : i32
        %select_n3A_367 = arith.select %eq3A_365, %jit3A_366, %jit3A_363 : i32
        %rem3A_368 = arith.remsi %select_n3A_309, %select_n3A_367 : i32
        %ne3A_369 = arith.constant 0 : i32
        %ne3A_370 = arith.cmpi ne, %rem3A_368, %ne3A_369 : i32
        %lt3A_371 = arith.constant 0 : i32
        %lt3A_372 = arith.cmpi slt, %rem3A_368, %lt3A_371 : i32
        %lt3A_373 = arith.constant 0 : i32
        %lt3A_374 = arith.cmpi slt, %select_n3A_367, %lt3A_373 : i32
        %ne3A_375 = arith.xori %lt3A_372, %lt3A_374 : i1
        %and3A_376 = arith.andi %ne3A_375, %ne3A_370 : i1
        %add3A_377 = arith.addi %rem3A_368, %select_n3A_367 : i32
        %select_n3A_378 = arith.select %and3A_376, %add3A_377, %rem3A_368 : i32
        %add3A_379 = arith.addi %add3A_362, %select_n3A_378 : i32
        %jit3A_380 = arith.constant 128 : i32
        %div3A_381 = arith.divsi %add3A_260, %jit3A_380 : i32
        %sign3A_382 = arith.constant 0 : i32
        %sign3A_383 = arith.cmpi sgt, %add3A_260, %sign3A_382 : i32
        %sign3A_384 = arith.extui %sign3A_383 : i1 to i32
        %sign3A_385 = arith.constant 0 : i32
        %sign3A_386 = arith.cmpi slt, %add3A_260, %sign3A_385 : i32
        %sign3A_387 = arith.extui %sign3A_386 : i1 to i32
        %sign3A_388 = arith.subi %sign3A_384, %sign3A_387 : i32
        %sign3A_389 = arith.constant 0 : i32
        %sign3A_390 = arith.cmpi sgt, %jit3A_380, %sign3A_389 : i32
        %sign3A_391 = arith.extui %sign3A_390 : i1 to i32
        %sign3A_392 = arith.constant 0 : i32
        %sign3A_393 = arith.cmpi slt, %jit3A_380, %sign3A_392 : i32
        %sign3A_394 = arith.extui %sign3A_393 : i1 to i32
        %sign3A_395 = arith.subi %sign3A_391, %sign3A_394 : i32
        %ne3A_396 = arith.cmpi ne, %sign3A_388, %sign3A_395 : i32
        %rem3A_397 = arith.remsi %add3A_260, %jit3A_380 : i32
        %ne3A_398 = arith.constant 0 : i32
        %ne3A_399 = arith.cmpi ne, %rem3A_397, %ne3A_398 : i32
        %and3A_400 = arith.andi %ne3A_396, %ne3A_399 : i1
        %sub3A_401 = arith.constant 1 : i32
        %sub3A_402 = arith.subi %div3A_381, %sub3A_401 : i32
        %select_n3A_403 = arith.select %and3A_400, %sub3A_402, %div3A_381 : i32
        %jit3A_404 = arith.constant 128 : i32
        %eq3A_405 = arith.constant 0 : i32
        %eq3A_406 = arith.cmpi eq, %jit3A_404, %eq3A_405 : i32
        %jit3A_407 = arith.constant 1 : i32
        %select_n3A_408 = arith.select %eq3A_406, %jit3A_407, %jit3A_404 : i32
        %rem3A_409 = arith.remsi %add3A_260, %select_n3A_408 : i32
        %ne3A_410 = arith.constant 0 : i32
        %ne3A_411 = arith.cmpi ne, %rem3A_409, %ne3A_410 : i32
        %lt3A_412 = arith.constant 0 : i32
        %lt3A_413 = arith.cmpi slt, %rem3A_409, %lt3A_412 : i32
        %lt3A_414 = arith.constant 0 : i32
        %lt3A_415 = arith.cmpi slt, %select_n3A_408, %lt3A_414 : i32
        %ne3A_416 = arith.xori %lt3A_413, %lt3A_415 : i1
        %and3A_417 = arith.andi %ne3A_416, %ne3A_411 : i1
        %add3A_418 = arith.addi %rem3A_409, %select_n3A_408 : i32
        %select_n3A_419 = arith.select %and3A_417, %add3A_418, %rem3A_409 : i32
        %mul3A_420 = arith.constant 64 : i32
        %mul3A_421 = arith.muli %select_n3A_403, %mul3A_420 : i32
        %jit3A_422 = arith.constant 32 : i32
        %div3A_423 = arith.divsi %select_n3A_419, %jit3A_422 : i32
        %sign3A_424 = arith.constant 0 : i32
        %sign3A_425 = arith.cmpi sgt, %select_n3A_419, %sign3A_424 : i32
        %sign3A_426 = arith.extui %sign3A_425 : i1 to i32
        %sign3A_427 = arith.constant 0 : i32
        %sign3A_428 = arith.cmpi slt, %select_n3A_419, %sign3A_427 : i32
        %sign3A_429 = arith.extui %sign3A_428 : i1 to i32
        %sign3A_430 = arith.subi %sign3A_426, %sign3A_429 : i32
        %sign3A_431 = arith.constant 0 : i32
        %sign3A_432 = arith.cmpi sgt, %jit3A_422, %sign3A_431 : i32
        %sign3A_433 = arith.extui %sign3A_432 : i1 to i32
        %sign3A_434 = arith.constant 0 : i32
        %sign3A_435 = arith.cmpi slt, %jit3A_422, %sign3A_434 : i32
        %sign3A_436 = arith.extui %sign3A_435 : i1 to i32
        %sign3A_437 = arith.subi %sign3A_433, %sign3A_436 : i32
        %ne3A_438 = arith.cmpi ne, %sign3A_430, %sign3A_437 : i32
        %rem3A_439 = arith.remsi %select_n3A_419, %jit3A_422 : i32
        %ne3A_440 = arith.constant 0 : i32
        %ne3A_441 = arith.cmpi ne, %rem3A_439, %ne3A_440 : i32
        %and3A_442 = arith.andi %ne3A_438, %ne3A_441 : i1
        %sub3A_443 = arith.constant 1 : i32
        %sub3A_444 = arith.subi %div3A_423, %sub3A_443 : i32
        %select_n3A_445 = arith.select %and3A_442, %sub3A_444, %div3A_423 : i32
        %jit3A_446 = arith.constant 2 : i32
        %div3A_447 = arith.divsi %select_n3A_445, %jit3A_446 : i32
        %sign3A_448 = arith.constant 0 : i32
        %sign3A_449 = arith.cmpi sgt, %select_n3A_445, %sign3A_448 : i32
        %sign3A_450 = arith.extui %sign3A_449 : i1 to i32
        %sign3A_451 = arith.constant 0 : i32
        %sign3A_452 = arith.cmpi slt, %select_n3A_445, %sign3A_451 : i32
        %sign3A_453 = arith.extui %sign3A_452 : i1 to i32
        %sign3A_454 = arith.subi %sign3A_450, %sign3A_453 : i32
        %sign3A_455 = arith.constant 0 : i32
        %sign3A_456 = arith.cmpi sgt, %jit3A_446, %sign3A_455 : i32
        %sign3A_457 = arith.extui %sign3A_456 : i1 to i32
        %sign3A_458 = arith.constant 0 : i32
        %sign3A_459 = arith.cmpi slt, %jit3A_446, %sign3A_458 : i32
        %sign3A_460 = arith.extui %sign3A_459 : i1 to i32
        %sign3A_461 = arith.subi %sign3A_457, %sign3A_460 : i32
        %ne3A_462 = arith.cmpi ne, %sign3A_454, %sign3A_461 : i32
        %rem3A_463 = arith.remsi %select_n3A_445, %jit3A_446 : i32
        %ne3A_464 = arith.constant 0 : i32
        %ne3A_465 = arith.cmpi ne, %rem3A_463, %ne3A_464 : i32
        %and3A_466 = arith.andi %ne3A_462, %ne3A_465 : i1
        %sub3A_467 = arith.constant 1 : i32
        %sub3A_468 = arith.subi %div3A_447, %sub3A_467 : i32
        %select_n3A_469 = arith.select %and3A_466, %sub3A_468, %div3A_447 : i32
        %mul3A_470 = arith.constant 32 : i32
        %mul3A_471 = arith.muli %select_n3A_469, %mul3A_470 : i32
        %add3A_472 = arith.addi %mul3A_421, %mul3A_471 : i32
        %jit3A_473 = arith.constant 32 : i32
        %eq3A_474 = arith.constant 0 : i32
        %eq3A_475 = arith.cmpi eq, %jit3A_473, %eq3A_474 : i32
        %jit3A_476 = arith.constant 1 : i32
        %select_n3A_477 = arith.select %eq3A_475, %jit3A_476, %jit3A_473 : i32
        %rem3A_478 = arith.remsi %select_n3A_419, %select_n3A_477 : i32
        %ne3A_479 = arith.constant 0 : i32
        %ne3A_480 = arith.cmpi ne, %rem3A_478, %ne3A_479 : i32
        %lt3A_481 = arith.constant 0 : i32
        %lt3A_482 = arith.cmpi slt, %rem3A_478, %lt3A_481 : i32
        %lt3A_483 = arith.constant 0 : i32
        %lt3A_484 = arith.cmpi slt, %select_n3A_477, %lt3A_483 : i32
        %ne3A_485 = arith.xori %lt3A_482, %lt3A_484 : i1
        %and3A_486 = arith.andi %ne3A_485, %ne3A_480 : i1
        %add3A_487 = arith.addi %rem3A_478, %select_n3A_477 : i32
        %select_n3A_488 = arith.select %and3A_486, %add3A_487, %rem3A_478 : i32
        %add3A_489 = arith.addi %add3A_472, %select_n3A_488 : i32
        %ne3A_490 = arith.cmpi ne, %add3A_379, %add3A_489 : i32
        %or3A = arith.constant false
        %or3A_491 = arith.ori %or3A, %ne3A_490 : i1
        %or3A_492 = arith.constant false
        %or3A_493 = arith.ori %or3A_491, %or3A_492 : i1
        %ge3A = arith.constant 15 : i32
        %ge3A_494 = arith.cmpi sge, %scan3A_232, %ge3A : i32
        %not3A = arith.constant true
        %not3A_495 = arith.xori %ge3A_494, %not3A : i1
        %and3A_496 = arith.andi %or3A_493, %not3A_495 : i1
        %convert_element_type3A = arith.extui %and3A_496 : i1 to i32
        %cond3A = arith.constant 0 : i32
        %cond3A_497 = arith.cmpi ne, %convert_element_type3A, %cond3A : i32
        scf.if %cond3A_497 {
          "tpu.trace_start"() <{level = 10 : i32, message = "ep_copy_in"}> : () -> ()
          %rem3A_1488 = arith.constant 2 : i32
          %rem3A_1489 = arith.remui %scan3A_233, %rem3A_1488 : i32
          %jit3A_1490 = arith.constant 128 : i32
          %div3A_1491 = arith.divsi %add3A_260, %jit3A_1490 : i32
          %sign3A_1492 = arith.constant 0 : i32
          %sign3A_1493 = arith.cmpi sgt, %add3A_260, %sign3A_1492 : i32
          %sign3A_1494 = arith.extui %sign3A_1493 : i1 to i32
          %sign3A_1495 = arith.constant 0 : i32
          %sign3A_1496 = arith.cmpi slt, %add3A_260, %sign3A_1495 : i32
          %sign3A_1497 = arith.extui %sign3A_1496 : i1 to i32
          %sign3A_1498 = arith.subi %sign3A_1494, %sign3A_1497 : i32
          %sign3A_1499 = arith.constant 0 : i32
          %sign3A_1500 = arith.cmpi sgt, %jit3A_1490, %sign3A_1499 : i32
          %sign3A_1501 = arith.extui %sign3A_1500 : i1 to i32
          %sign3A_1502 = arith.constant 0 : i32
          %sign3A_1503 = arith.cmpi slt, %jit3A_1490, %sign3A_1502 : i32
          %sign3A_1504 = arith.extui %sign3A_1503 : i1 to i32
          %sign3A_1505 = arith.subi %sign3A_1501, %sign3A_1504 : i32
          %ne3A_1506 = arith.cmpi ne, %sign3A_1498, %sign3A_1505 : i32
          %rem3A_1507 = arith.remsi %add3A_260, %jit3A_1490 : i32
          %ne3A_1508 = arith.constant 0 : i32
          %ne3A_1509 = arith.cmpi ne, %rem3A_1507, %ne3A_1508 : i32
          %and3A_1510 = arith.andi %ne3A_1506, %ne3A_1509 : i1
          %sub3A_1511 = arith.constant 1 : i32
          %sub3A_1512 = arith.subi %div3A_1491, %sub3A_1511 : i32
          %select_n3A_1513 = arith.select %and3A_1510, %sub3A_1512, %div3A_1491 : i32
          %jit3A_1514 = arith.constant 128 : i32
          %eq3A_1515 = arith.constant 0 : i32
          %eq3A_1516 = arith.cmpi eq, %jit3A_1514, %eq3A_1515 : i32
          %jit3A_1517 = arith.constant 1 : i32
          %select_n3A_1518 = arith.select %eq3A_1516, %jit3A_1517, %jit3A_1514 : i32
          %rem3A_1519 = arith.remsi %add3A_260, %select_n3A_1518 : i32
          %ne3A_1520 = arith.constant 0 : i32
          %ne3A_1521 = arith.cmpi ne, %rem3A_1519, %ne3A_1520 : i32
          %lt3A_1522 = arith.constant 0 : i32
          %lt3A_1523 = arith.cmpi slt, %rem3A_1519, %lt3A_1522 : i32
          %lt3A_1524 = arith.constant 0 : i32
          %lt3A_1525 = arith.cmpi slt, %select_n3A_1518, %lt3A_1524 : i32
          %ne3A_1526 = arith.xori %lt3A_1523, %lt3A_1525 : i1
          %and3A_1527 = arith.andi %ne3A_1526, %ne3A_1521 : i1
          %add3A_1528 = arith.addi %rem3A_1519, %select_n3A_1518 : i32
          %select_n3A_1529 = arith.select %and3A_1527, %add3A_1528, %rem3A_1519 : i32
          %mul3A_1530 = arith.constant 64 : i32
          %mul3A_1531 = arith.muli %select_n3A_1513, %mul3A_1530 : i32
          %jit3A_1532 = arith.constant 32 : i32
          %div3A_1533 = arith.divsi %select_n3A_1529, %jit3A_1532 : i32
          %sign3A_1534 = arith.constant 0 : i32
          %sign3A_1535 = arith.cmpi sgt, %select_n3A_1529, %sign3A_1534 : i32
          %sign3A_1536 = arith.extui %sign3A_1535 : i1 to i32
          %sign3A_1537 = arith.constant 0 : i32
          %sign3A_1538 = arith.cmpi slt, %select_n3A_1529, %sign3A_1537 : i32
          %sign3A_1539 = arith.extui %sign3A_1538 : i1 to i32
          %sign3A_1540 = arith.subi %sign3A_1536, %sign3A_1539 : i32
          %sign3A_1541 = arith.constant 0 : i32
          %sign3A_1542 = arith.cmpi sgt, %jit3A_1532, %sign3A_1541 : i32
          %sign3A_1543 = arith.extui %sign3A_1542 : i1 to i32
          %sign3A_1544 = arith.constant 0 : i32
          %sign3A_1545 = arith.cmpi slt, %jit3A_1532, %sign3A_1544 : i32
          %sign3A_1546 = arith.extui %sign3A_1545 : i1 to i32
          %sign3A_1547 = arith.subi %sign3A_1543, %sign3A_1546 : i32
          %ne3A_1548 = arith.cmpi ne, %sign3A_1540, %sign3A_1547 : i32
          %rem3A_1549 = arith.remsi %select_n3A_1529, %jit3A_1532 : i32
          %ne3A_1550 = arith.constant 0 : i32
          %ne3A_1551 = arith.cmpi ne, %rem3A_1549, %ne3A_1550 : i32
          %and3A_1552 = arith.andi %ne3A_1548, %ne3A_1551 : i1
          %sub3A_1553 = arith.constant 1 : i32
          %sub3A_1554 = arith.subi %div3A_1533, %sub3A_1553 : i32
          %select_n3A_1555 = arith.select %and3A_1552, %sub3A_1554, %div3A_1533 : i32
          %jit3A_1556 = arith.constant 2 : i32
          %div3A_1557 = arith.divsi %select_n3A_1555, %jit3A_1556 : i32
          %sign3A_1558 = arith.constant 0 : i32
          %sign3A_1559 = arith.cmpi sgt, %select_n3A_1555, %sign3A_1558 : i32
          %sign3A_1560 = arith.extui %sign3A_1559 : i1 to i32
          %sign3A_1561 = arith.constant 0 : i32
          %sign3A_1562 = arith.cmpi slt, %select_n3A_1555, %sign3A_1561 : i32
          %sign3A_1563 = arith.extui %sign3A_1562 : i1 to i32
          %sign3A_1564 = arith.subi %sign3A_1560, %sign3A_1563 : i32
          %sign3A_1565 = arith.constant 0 : i32
          %sign3A_1566 = arith.cmpi sgt, %jit3A_1556, %sign3A_1565 : i32
          %sign3A_1567 = arith.extui %sign3A_1566 : i1 to i32
          %sign3A_1568 = arith.constant 0 : i32
          %sign3A_1569 = arith.cmpi slt, %jit3A_1556, %sign3A_1568 : i32
          %sign3A_1570 = arith.extui %sign3A_1569 : i1 to i32
          %sign3A_1571 = arith.subi %sign3A_1567, %sign3A_1570 : i32
          %ne3A_1572 = arith.cmpi ne, %sign3A_1564, %sign3A_1571 : i32
          %rem3A_1573 = arith.remsi %select_n3A_1555, %jit3A_1556 : i32
          %ne3A_1574 = arith.constant 0 : i32
          %ne3A_1575 = arith.cmpi ne, %rem3A_1573, %ne3A_1574 : i32
          %and3A_1576 = arith.andi %ne3A_1572, %ne3A_1575 : i1
          %sub3A_1577 = arith.constant 1 : i32
          %sub3A_1578 = arith.subi %div3A_1557, %sub3A_1577 : i32
          %select_n3A_1579 = arith.select %and3A_1576, %sub3A_1578, %div3A_1557 : i32
          %mul3A_1580 = arith.constant 32 : i32
          %mul3A_1581 = arith.muli %select_n3A_1579, %mul3A_1580 : i32
          %add3A_1582 = arith.addi %mul3A_1531, %mul3A_1581 : i32
          %jit3A_1583 = arith.constant 32 : i32
          %eq3A_1584 = arith.constant 0 : i32
          %eq3A_1585 = arith.cmpi eq, %jit3A_1583, %eq3A_1584 : i32
          %jit3A_1586 = arith.constant 1 : i32
          %select_n3A_1587 = arith.select %eq3A_1585, %jit3A_1586, %jit3A_1583 : i32
          %rem3A_1588 = arith.remsi %select_n3A_1529, %select_n3A_1587 : i32
          %ne3A_1589 = arith.constant 0 : i32
          %ne3A_1590 = arith.cmpi ne, %rem3A_1588, %ne3A_1589 : i32
          %lt3A_1591 = arith.constant 0 : i32
          %lt3A_1592 = arith.cmpi slt, %rem3A_1588, %lt3A_1591 : i32
          %lt3A_1593 = arith.constant 0 : i32
          %lt3A_1594 = arith.cmpi slt, %select_n3A_1587, %lt3A_1593 : i32
          %ne3A_1595 = arith.xori %lt3A_1592, %lt3A_1594 : i1
          %and3A_1596 = arith.andi %ne3A_1595, %ne3A_1590 : i1
          %add3A_1597 = arith.addi %rem3A_1588, %select_n3A_1587 : i32
          %select_n3A_1598 = arith.select %and3A_1596, %add3A_1597, %rem3A_1588 : i32
          %add3A_1599 = arith.addi %add3A_1582, %select_n3A_1598 : i32
          %mul3A_1600 = arith.constant 128 : i32
          %mul3A_1601 = arith.muli %mul3A_1600, %add3A_1599 : i32
          %dma_start3A_1602 = arith.constant 0 : i32
          %dma_start3A_1603 = arith.constant 0 : i32
          %dma_start3A_1604 = tpu.memref_slice %run_scoped3A[%rem3A_1489, %dma_start3A_1602, %dma_start3A_1603] : memref<2x128x256xf32, #tpu.memory_space<vmem>> -> memref<1x128x256xf32, #tpu.memory_space<vmem>>
          %dma_start3A_1605 = tpu.memref_squeeze %dma_start3A_1604 : memref<1x128x256xf32, #tpu.memory_space<vmem>> -> memref<128x256xf32, #tpu.memory_space<vmem>>
          %dma_start3A_1606 = arith.constant 0 : i32
          %dma_start3A_1607 = tpu.memref_slice %arg2[%mul3A_1601, %dma_start3A_1606] : memref<32768x256xf32, #tpu.memory_space<hbm>> -> memref<128x256xf32, #tpu.memory_space<hbm>>
          %dma_start3A_1608 = tpu.memref_slice %run_scoped3A_7[%rem3A_1489] : memref<2x!tpu.dma_semaphore, #tpu.memory_space<semaphore_mem>> -> memref<1x!tpu.dma_semaphore, #tpu.memory_space<semaphore_mem>>
          %dma_start3A_1609 = tpu.memref_squeeze %dma_start3A_1608 : memref<1x!tpu.dma_semaphore, #tpu.memory_space<semaphore_mem>> -> memref<!tpu.dma_semaphore, #tpu.memory_space<semaphore_mem>>
          %dma_start3A_1610 = arith.constant 0 : i32
          %dma_start3A_1611 = arith.constant 0 : i32
          %dma_start3A_1612 = tpu.memref_slice %run_scoped3A[%rem3A_1489, %dma_start3A_1610, %dma_start3A_1611] : memref<2x128x256xf32, #tpu.memory_space<vmem>> -> memref<1x128x256xf32, #tpu.memory_space<vmem>>
          %dma_start3A_1613 = tpu.memref_squeeze %dma_start3A_1612 : memref<1x128x256xf32, #tpu.memory_space<vmem>> -> memref<128x256xf32, #tpu.memory_space<vmem>>
          %dma_start3A_1614 = arith.constant 0 : i32
          %dma_start3A_1615 = tpu.memref_slice %arg2[%mul3A_1601, %dma_start3A_1614] : memref<32768x256xf32, #tpu.memory_space<hbm>> -> memref<128x256xf32, #tpu.memory_space<hbm>>
          tpu.enqueue_dma source(%dma_start3A_1615 : memref<128x256xf32, #tpu.memory_space<hbm>>) target(%dma_start3A_1613 : memref<128x256xf32, #tpu.memory_space<vmem>>) target_semaphore(%dma_start3A_1609 : memref<!tpu.dma_semaphore, #tpu.memory_space<semaphore_mem>>)
          "tpu.trace_stop"() : () -> ()
        } else {
        }
        %and3A_498 = arith.constant true
        %and3A_499 = arith.andi %and3A_496, %and3A_498 : i1
        %add3A_500 = arith.constant 1 : i32
        %add3A_501 = arith.addi %scan3A_233, %add3A_500 : i32
        %select_n3A_502 = arith.select %and3A_499, %add3A_501, %scan3A_233 : i32
        %ne3A_503 = arith.cmpi ne, %add3A_242, %add3A_260 : i32
        %or3A_504 = arith.constant false
        %or3A_505 = arith.ori %or3A_504, %ne3A_503 : i1
        %ge3A_506 = arith.constant 15 : i32
        %ge3A_507 = arith.cmpi sge, %scan3A_232, %ge3A_506 : i32
        %not3A_508 = arith.constant true
        %not3A_509 = arith.xori %ge3A_507, %not3A_508 : i1
        %and3A_510 = arith.andi %or3A_505, %not3A_509 : i1
        %convert_element_type3A_511 = arith.extui %and3A_510 : i1 to i32
        %cond3A_512 = arith.constant 0 : i32
        %cond3A_513 = arith.cmpi ne, %convert_element_type3A_511, %cond3A_512 : i32
        scf.if %cond3A_513 {
          "tpu.trace_start"() <{level = 10 : i32, message = "ep_copy_in"}> : () -> ()
          %rem3A_1488 = arith.constant 2 : i32
          %rem3A_1489 = arith.remui %scan3A_235, %rem3A_1488 : i32
          %mul3A_1490 = arith.constant 128 : i32
          %mul3A_1491 = arith.muli %mul3A_1490, %add3A_260 : i32
          %dma_start3A_1492 = arith.constant 0 : i32
          %dma_start3A_1493 = arith.constant 0 : i32
          %dma_start3A_1494 = tpu.memref_slice %run_scoped3A_8[%rem3A_1489, %dma_start3A_1492, %dma_start3A_1493] : memref<2x1x128xi32, #tpu.memory_space<vmem>> -> memref<1x1x128xi32, #tpu.memory_space<vmem>>
          %dma_start3A_1495 = tpu.memref_squeeze %dma_start3A_1494 : memref<1x1x128xi32, #tpu.memory_space<vmem>> -> memref<1x128xi32, #tpu.memory_space<vmem>>
          %dma_start3A_1496 = arith.constant 0 : i32
          %dma_start3A_1497 = tpu.memref_slice %arg3[%dma_start3A_1496, %mul3A_1491] : memref<1x65536xi32, #tpu.memory_space<hbm>> -> memref<1x128xi32, #tpu.memory_space<hbm>>
          %dma_start3A_1498 = tpu.memref_slice %run_scoped3A_9[%rem3A_1489] : memref<2x!tpu.dma_semaphore, #tpu.memory_space<semaphore_mem>> -> memref<1x!tpu.dma_semaphore, #tpu.memory_space<semaphore_mem>>
          %dma_start3A_1499 = tpu.memref_squeeze %dma_start3A_1498 : memref<1x!tpu.dma_semaphore, #tpu.memory_space<semaphore_mem>> -> memref<!tpu.dma_semaphore, #tpu.memory_space<semaphore_mem>>
          %dma_start3A_1500 = arith.constant 0 : i32
          %dma_start3A_1501 = arith.constant 0 : i32
          %dma_start3A_1502 = tpu.memref_slice %run_scoped3A_8[%rem3A_1489, %dma_start3A_1500, %dma_start3A_1501] : memref<2x1x128xi32, #tpu.memory_space<vmem>> -> memref<1x1x128xi32, #tpu.memory_space<vmem>>
          %dma_start3A_1503 = tpu.memref_squeeze %dma_start3A_1502 : memref<1x1x128xi32, #tpu.memory_space<vmem>> -> memref<1x128xi32, #tpu.memory_space<vmem>>
          %dma_start3A_1504 = arith.constant 0 : i32
          %dma_start3A_1505 = tpu.memref_slice %arg3[%dma_start3A_1504, %mul3A_1491] : memref<1x65536xi32, #tpu.memory_space<hbm>> -> memref<1x128xi32, #tpu.memory_space<hbm>>
          tpu.enqueue_dma source(%dma_start3A_1505 : memref<1x128xi32, #tpu.memory_space<hbm>>) target(%dma_start3A_1503 : memref<1x128xi32, #tpu.memory_space<vmem>>) target_semaphore(%dma_start3A_1499 : memref<!tpu.dma_semaphore, #tpu.memory_space<semaphore_mem>>)
          "tpu.trace_stop"() : () -> ()
        } else {
        }
        %and3A_514 = arith.constant true
        %and3A_515 = arith.andi %and3A_510, %and3A_514 : i1
        %add3A_516 = arith.constant 1 : i32
        %add3A_517 = arith.addi %scan3A_235, %add3A_516 : i32
        %select_n3A_518 = arith.select %and3A_515, %add3A_517, %scan3A_235 : i32
        %jit3A_519 = arith.constant 128 : i32
        %div3A_520 = arith.divsi %add3A_242, %jit3A_519 : i32
        %sign3A_521 = arith.constant 0 : i32
        %sign3A_522 = arith.cmpi sgt, %add3A_242, %sign3A_521 : i32
        %sign3A_523 = arith.extui %sign3A_522 : i1 to i32
        %sign3A_524 = arith.constant 0 : i32
        %sign3A_525 = arith.cmpi slt, %add3A_242, %sign3A_524 : i32
        %sign3A_526 = arith.extui %sign3A_525 : i1 to i32
        %sign3A_527 = arith.subi %sign3A_523, %sign3A_526 : i32
        %sign3A_528 = arith.constant 0 : i32
        %sign3A_529 = arith.cmpi sgt, %jit3A_519, %sign3A_528 : i32
        %sign3A_530 = arith.extui %sign3A_529 : i1 to i32
        %sign3A_531 = arith.constant 0 : i32
        %sign3A_532 = arith.cmpi slt, %jit3A_519, %sign3A_531 : i32
        %sign3A_533 = arith.extui %sign3A_532 : i1 to i32
        %sign3A_534 = arith.subi %sign3A_530, %sign3A_533 : i32
        %ne3A_535 = arith.cmpi ne, %sign3A_527, %sign3A_534 : i32
        %rem3A_536 = arith.remsi %add3A_242, %jit3A_519 : i32
        %ne3A_537 = arith.constant 0 : i32
        %ne3A_538 = arith.cmpi ne, %rem3A_536, %ne3A_537 : i32
        %and3A_539 = arith.andi %ne3A_535, %ne3A_538 : i1
        %sub3A_540 = arith.constant 1 : i32
        %sub3A_541 = arith.subi %div3A_520, %sub3A_540 : i32
        %select_n3A_542 = arith.select %and3A_539, %sub3A_541, %div3A_520 : i32
        %jit3A_543 = arith.constant 128 : i32
        %eq3A_544 = arith.constant 0 : i32
        %eq3A_545 = arith.cmpi eq, %jit3A_543, %eq3A_544 : i32
        %jit3A_546 = arith.constant 1 : i32
        %select_n3A_547 = arith.select %eq3A_545, %jit3A_546, %jit3A_543 : i32
        %rem3A_548 = arith.remsi %add3A_242, %select_n3A_547 : i32
        %ne3A_549 = arith.constant 0 : i32
        %ne3A_550 = arith.cmpi ne, %rem3A_548, %ne3A_549 : i32
        %lt3A_551 = arith.constant 0 : i32
        %lt3A_552 = arith.cmpi slt, %rem3A_548, %lt3A_551 : i32
        %lt3A_553 = arith.constant 0 : i32
        %lt3A_554 = arith.cmpi slt, %select_n3A_547, %lt3A_553 : i32
        %ne3A_555 = arith.xori %lt3A_552, %lt3A_554 : i1
        %and3A_556 = arith.andi %ne3A_555, %ne3A_550 : i1
        %add3A_557 = arith.addi %rem3A_548, %select_n3A_547 : i32
        %select_n3A_558 = arith.select %and3A_556, %add3A_557, %rem3A_548 : i32
        %mul3A_559 = arith.constant 64 : i32
        %mul3A_560 = arith.muli %select_n3A_542, %mul3A_559 : i32
        %jit3A_561 = arith.constant 32 : i32
        %div3A_562 = arith.divsi %select_n3A_558, %jit3A_561 : i32
        %sign3A_563 = arith.constant 0 : i32
        %sign3A_564 = arith.cmpi sgt, %select_n3A_558, %sign3A_563 : i32
        %sign3A_565 = arith.extui %sign3A_564 : i1 to i32
        %sign3A_566 = arith.constant 0 : i32
        %sign3A_567 = arith.cmpi slt, %select_n3A_558, %sign3A_566 : i32
        %sign3A_568 = arith.extui %sign3A_567 : i1 to i32
        %sign3A_569 = arith.subi %sign3A_565, %sign3A_568 : i32
        %sign3A_570 = arith.constant 0 : i32
        %sign3A_571 = arith.cmpi sgt, %jit3A_561, %sign3A_570 : i32
        %sign3A_572 = arith.extui %sign3A_571 : i1 to i32
        %sign3A_573 = arith.constant 0 : i32
        %sign3A_574 = arith.cmpi slt, %jit3A_561, %sign3A_573 : i32
        %sign3A_575 = arith.extui %sign3A_574 : i1 to i32
        %sign3A_576 = arith.subi %sign3A_572, %sign3A_575 : i32
        %ne3A_577 = arith.cmpi ne, %sign3A_569, %sign3A_576 : i32
        %rem3A_578 = arith.remsi %select_n3A_558, %jit3A_561 : i32
        %ne3A_579 = arith.constant 0 : i32
        %ne3A_580 = arith.cmpi ne, %rem3A_578, %ne3A_579 : i32
        %and3A_581 = arith.andi %ne3A_577, %ne3A_580 : i1
        %sub3A_582 = arith.constant 1 : i32
        %sub3A_583 = arith.subi %div3A_562, %sub3A_582 : i32
        %select_n3A_584 = arith.select %and3A_581, %sub3A_583, %div3A_562 : i32
        %jit3A_585 = arith.constant 2 : i32
        %div3A_586 = arith.divsi %select_n3A_584, %jit3A_585 : i32
        %sign3A_587 = arith.constant 0 : i32
        %sign3A_588 = arith.cmpi sgt, %select_n3A_584, %sign3A_587 : i32
        %sign3A_589 = arith.extui %sign3A_588 : i1 to i32
        %sign3A_590 = arith.constant 0 : i32
        %sign3A_591 = arith.cmpi slt, %select_n3A_584, %sign3A_590 : i32
        %sign3A_592 = arith.extui %sign3A_591 : i1 to i32
        %sign3A_593 = arith.subi %sign3A_589, %sign3A_592 : i32
        %sign3A_594 = arith.constant 0 : i32
        %sign3A_595 = arith.cmpi sgt, %jit3A_585, %sign3A_594 : i32
        %sign3A_596 = arith.extui %sign3A_595 : i1 to i32
        %sign3A_597 = arith.constant 0 : i32
        %sign3A_598 = arith.cmpi slt, %jit3A_585, %sign3A_597 : i32
        %sign3A_599 = arith.extui %sign3A_598 : i1 to i32
        %sign3A_600 = arith.subi %sign3A_596, %sign3A_599 : i32
        %ne3A_601 = arith.cmpi ne, %sign3A_593, %sign3A_600 : i32
        %rem3A_602 = arith.remsi %select_n3A_584, %jit3A_585 : i32
        %ne3A_603 = arith.constant 0 : i32
        %ne3A_604 = arith.cmpi ne, %rem3A_602, %ne3A_603 : i32
        %and3A_605 = arith.andi %ne3A_601, %ne3A_604 : i1
        %sub3A_606 = arith.constant 1 : i32
        %sub3A_607 = arith.subi %div3A_586, %sub3A_606 : i32
        %select_n3A_608 = arith.select %and3A_605, %sub3A_607, %div3A_586 : i32
        %mul3A_609 = arith.constant 32 : i32
        %mul3A_610 = arith.muli %select_n3A_608, %mul3A_609 : i32
        %add3A_611 = arith.addi %mul3A_560, %mul3A_610 : i32
        %jit3A_612 = arith.constant 32 : i32
        %eq3A_613 = arith.constant 0 : i32
        %eq3A_614 = arith.cmpi eq, %jit3A_612, %eq3A_613 : i32
        %jit3A_615 = arith.constant 1 : i32
        %select_n3A_616 = arith.select %eq3A_614, %jit3A_615, %jit3A_612 : i32
        %rem3A_617 = arith.remsi %select_n3A_558, %select_n3A_616 : i32
        %ne3A_618 = arith.constant 0 : i32
        %ne3A_619 = arith.cmpi ne, %rem3A_617, %ne3A_618 : i32
        %lt3A_620 = arith.constant 0 : i32
        %lt3A_621 = arith.cmpi slt, %rem3A_617, %lt3A_620 : i32
        %lt3A_622 = arith.constant 0 : i32
        %lt3A_623 = arith.cmpi slt, %select_n3A_616, %lt3A_622 : i32
        %ne3A_624 = arith.xori %lt3A_621, %lt3A_623 : i1
        %and3A_625 = arith.andi %ne3A_624, %ne3A_619 : i1
        %add3A_626 = arith.addi %rem3A_617, %select_n3A_616 : i32
        %select_n3A_627 = arith.select %and3A_625, %add3A_626, %rem3A_617 : i32
        %add3A_628 = arith.addi %add3A_611, %select_n3A_627 : i32
        %jit3A_629 = arith.constant 128 : i32
        %div3A_630 = arith.divsi %add3A_251, %jit3A_629 : i32
        %sign3A_631 = arith.constant 0 : i32
        %sign3A_632 = arith.cmpi sgt, %add3A_251, %sign3A_631 : i32
        %sign3A_633 = arith.extui %sign3A_632 : i1 to i32
        %sign3A_634 = arith.constant 0 : i32
        %sign3A_635 = arith.cmpi slt, %add3A_251, %sign3A_634 : i32
        %sign3A_636 = arith.extui %sign3A_635 : i1 to i32
        %sign3A_637 = arith.subi %sign3A_633, %sign3A_636 : i32
        %sign3A_638 = arith.constant 0 : i32
        %sign3A_639 = arith.cmpi sgt, %jit3A_629, %sign3A_638 : i32
        %sign3A_640 = arith.extui %sign3A_639 : i1 to i32
        %sign3A_641 = arith.constant 0 : i32
        %sign3A_642 = arith.cmpi slt, %jit3A_629, %sign3A_641 : i32
        %sign3A_643 = arith.extui %sign3A_642 : i1 to i32
        %sign3A_644 = arith.subi %sign3A_640, %sign3A_643 : i32
        %ne3A_645 = arith.cmpi ne, %sign3A_637, %sign3A_644 : i32
        %rem3A_646 = arith.remsi %add3A_251, %jit3A_629 : i32
        %ne3A_647 = arith.constant 0 : i32
        %ne3A_648 = arith.cmpi ne, %rem3A_646, %ne3A_647 : i32
        %and3A_649 = arith.andi %ne3A_645, %ne3A_648 : i1
        %sub3A_650 = arith.constant 1 : i32
        %sub3A_651 = arith.subi %div3A_630, %sub3A_650 : i32
        %select_n3A_652 = arith.select %and3A_649, %sub3A_651, %div3A_630 : i32
        %jit3A_653 = arith.constant 128 : i32
        %eq3A_654 = arith.constant 0 : i32
        %eq3A_655 = arith.cmpi eq, %jit3A_653, %eq3A_654 : i32
        %jit3A_656 = arith.constant 1 : i32
        %select_n3A_657 = arith.select %eq3A_655, %jit3A_656, %jit3A_653 : i32
        %rem3A_658 = arith.remsi %add3A_251, %select_n3A_657 : i32
        %ne3A_659 = arith.constant 0 : i32
        %ne3A_660 = arith.cmpi ne, %rem3A_658, %ne3A_659 : i32
        %lt3A_661 = arith.constant 0 : i32
        %lt3A_662 = arith.cmpi slt, %rem3A_658, %lt3A_661 : i32
        %lt3A_663 = arith.constant 0 : i32
        %lt3A_664 = arith.cmpi slt, %select_n3A_657, %lt3A_663 : i32
        %ne3A_665 = arith.xori %lt3A_662, %lt3A_664 : i1
        %and3A_666 = arith.andi %ne3A_665, %ne3A_660 : i1
        %add3A_667 = arith.addi %rem3A_658, %select_n3A_657 : i32
        %select_n3A_668 = arith.select %and3A_666, %add3A_667, %rem3A_658 : i32
        %mul3A_669 = arith.constant 64 : i32
        %mul3A_670 = arith.muli %select_n3A_652, %mul3A_669 : i32
        %jit3A_671 = arith.constant 32 : i32
        %div3A_672 = arith.divsi %select_n3A_668, %jit3A_671 : i32
        %sign3A_673 = arith.constant 0 : i32
        %sign3A_674 = arith.cmpi sgt, %select_n3A_668, %sign3A_673 : i32
        %sign3A_675 = arith.extui %sign3A_674 : i1 to i32
        %sign3A_676 = arith.constant 0 : i32
        %sign3A_677 = arith.cmpi slt, %select_n3A_668, %sign3A_676 : i32
        %sign3A_678 = arith.extui %sign3A_677 : i1 to i32
        %sign3A_679 = arith.subi %sign3A_675, %sign3A_678 : i32
        %sign3A_680 = arith.constant 0 : i32
        %sign3A_681 = arith.cmpi sgt, %jit3A_671, %sign3A_680 : i32
        %sign3A_682 = arith.extui %sign3A_681 : i1 to i32
        %sign3A_683 = arith.constant 0 : i32
        %sign3A_684 = arith.cmpi slt, %jit3A_671, %sign3A_683 : i32
        %sign3A_685 = arith.extui %sign3A_684 : i1 to i32
        %sign3A_686 = arith.subi %sign3A_682, %sign3A_685 : i32
        %ne3A_687 = arith.cmpi ne, %sign3A_679, %sign3A_686 : i32
        %rem3A_688 = arith.remsi %select_n3A_668, %jit3A_671 : i32
        %ne3A_689 = arith.constant 0 : i32
        %ne3A_690 = arith.cmpi ne, %rem3A_688, %ne3A_689 : i32
        %and3A_691 = arith.andi %ne3A_687, %ne3A_690 : i1
        %sub3A_692 = arith.constant 1 : i32
        %sub3A_693 = arith.subi %div3A_672, %sub3A_692 : i32
        %select_n3A_694 = arith.select %and3A_691, %sub3A_693, %div3A_672 : i32
        %jit3A_695 = arith.constant 2 : i32
        %div3A_696 = arith.divsi %select_n3A_694, %jit3A_695 : i32
        %sign3A_697 = arith.constant 0 : i32
        %sign3A_698 = arith.cmpi sgt, %select_n3A_694, %sign3A_697 : i32
        %sign3A_699 = arith.extui %sign3A_698 : i1 to i32
        %sign3A_700 = arith.constant 0 : i32
        %sign3A_701 = arith.cmpi slt, %select_n3A_694, %sign3A_700 : i32
        %sign3A_702 = arith.extui %sign3A_701 : i1 to i32
        %sign3A_703 = arith.subi %sign3A_699, %sign3A_702 : i32
        %sign3A_704 = arith.constant 0 : i32
        %sign3A_705 = arith.cmpi sgt, %jit3A_695, %sign3A_704 : i32
        %sign3A_706 = arith.extui %sign3A_705 : i1 to i32
        %sign3A_707 = arith.constant 0 : i32
        %sign3A_708 = arith.cmpi slt, %jit3A_695, %sign3A_707 : i32
        %sign3A_709 = arith.extui %sign3A_708 : i1 to i32
        %sign3A_710 = arith.subi %sign3A_706, %sign3A_709 : i32
        %ne3A_711 = arith.cmpi ne, %sign3A_703, %sign3A_710 : i32
        %rem3A_712 = arith.remsi %select_n3A_694, %jit3A_695 : i32
        %ne3A_713 = arith.constant 0 : i32
        %ne3A_714 = arith.cmpi ne, %rem3A_712, %ne3A_713 : i32
        %and3A_715 = arith.andi %ne3A_711, %ne3A_714 : i1
        %sub3A_716 = arith.constant 1 : i32
        %sub3A_717 = arith.subi %div3A_696, %sub3A_716 : i32
        %select_n3A_718 = arith.select %and3A_715, %sub3A_717, %div3A_696 : i32
        %mul3A_719 = arith.constant 32 : i32
        %mul3A_720 = arith.muli %select_n3A_718, %mul3A_719 : i32
        %add3A_721 = arith.addi %mul3A_670, %mul3A_720 : i32
        %jit3A_722 = arith.constant 32 : i32
        %eq3A_723 = arith.constant 0 : i32
        %eq3A_724 = arith.cmpi eq, %jit3A_722, %eq3A_723 : i32
        %jit3A_725 = arith.constant 1 : i32
        %select_n3A_726 = arith.select %eq3A_724, %jit3A_725, %jit3A_722 : i32
        %rem3A_727 = arith.remsi %select_n3A_668, %select_n3A_726 : i32
        %ne3A_728 = arith.constant 0 : i32
        %ne3A_729 = arith.cmpi ne, %rem3A_727, %ne3A_728 : i32
        %lt3A_730 = arith.constant 0 : i32
        %lt3A_731 = arith.cmpi slt, %rem3A_727, %lt3A_730 : i32
        %lt3A_732 = arith.constant 0 : i32
        %lt3A_733 = arith.cmpi slt, %select_n3A_726, %lt3A_732 : i32
        %ne3A_734 = arith.xori %lt3A_731, %lt3A_733 : i1
        %and3A_735 = arith.andi %ne3A_734, %ne3A_729 : i1
        %add3A_736 = arith.addi %rem3A_727, %select_n3A_726 : i32
        %select_n3A_737 = arith.select %and3A_735, %add3A_736, %rem3A_727 : i32
        %add3A_738 = arith.addi %add3A_721, %select_n3A_737 : i32
        %ne3A_739 = arith.cmpi ne, %add3A_628, %add3A_738 : i32
        %or3A_740 = arith.constant false
        %or3A_741 = arith.ori %or3A_740, %ne3A_739 : i1
        %or3A_742 = arith.constant false
        %or3A_743 = arith.ori %or3A_741, %or3A_742 : i1
        %or3A_744 = arith.ori %or3A_743, %eq3A_239 : i1
        %convert_element_type3A_745 = arith.extui %or3A_744 : i1 to i32
        %cond3A_746 = arith.constant 0 : i32
        %cond3A_747 = arith.cmpi ne, %convert_element_type3A_745, %cond3A_746 : i32
        scf.if %cond3A_747 {
          %jit3A_1488 = arith.constant 128 : i32
          "tpu.trace_start"() <{level = 10 : i32, message = "ep_wait_in"}> : () -> ()
          %div3A_1489 = arith.divsi %add3A_242, %jit3A_1488 : i32
          %sign3A_1490 = arith.constant 0 : i32
          %sign3A_1491 = arith.cmpi sgt, %add3A_242, %sign3A_1490 : i32
          %sign3A_1492 = arith.extui %sign3A_1491 : i1 to i32
          %sign3A_1493 = arith.constant 0 : i32
          %sign3A_1494 = arith.cmpi slt, %add3A_242, %sign3A_1493 : i32
          %sign3A_1495 = arith.extui %sign3A_1494 : i1 to i32
          %sign3A_1496 = arith.subi %sign3A_1492, %sign3A_1495 : i32
          %sign3A_1497 = arith.constant 0 : i32
          %sign3A_1498 = arith.cmpi sgt, %jit3A_1488, %sign3A_1497 : i32
          %sign3A_1499 = arith.extui %sign3A_1498 : i1 to i32
          %sign3A_1500 = arith.constant 0 : i32
          %sign3A_1501 = arith.cmpi slt, %jit3A_1488, %sign3A_1500 : i32
          %sign3A_1502 = arith.extui %sign3A_1501 : i1 to i32
          %sign3A_1503 = arith.subi %sign3A_1499, %sign3A_1502 : i32
          %ne3A_1504 = arith.cmpi ne, %sign3A_1496, %sign3A_1503 : i32
          %rem3A_1505 = arith.remsi %add3A_242, %jit3A_1488 : i32
          %ne3A_1506 = arith.constant 0 : i32
          %ne3A_1507 = arith.cmpi ne, %rem3A_1505, %ne3A_1506 : i32
          %and3A_1508 = arith.andi %ne3A_1504, %ne3A_1507 : i1
          %sub3A_1509 = arith.constant 1 : i32
          %sub3A_1510 = arith.subi %div3A_1489, %sub3A_1509 : i32
          %select_n3A_1511 = arith.select %and3A_1508, %sub3A_1510, %div3A_1489 : i32
          %jit3A_1512 = arith.constant 128 : i32
          %eq3A_1513 = arith.constant 0 : i32
          %eq3A_1514 = arith.cmpi eq, %jit3A_1512, %eq3A_1513 : i32
          %jit3A_1515 = arith.constant 1 : i32
          %select_n3A_1516 = arith.select %eq3A_1514, %jit3A_1515, %jit3A_1512 : i32
          %rem3A_1517 = arith.remsi %add3A_242, %select_n3A_1516 : i32
          %ne3A_1518 = arith.constant 0 : i32
          %ne3A_1519 = arith.cmpi ne, %rem3A_1517, %ne3A_1518 : i32
          %lt3A_1520 = arith.constant 0 : i32
          %lt3A_1521 = arith.cmpi slt, %rem3A_1517, %lt3A_1520 : i32
          %lt3A_1522 = arith.constant 0 : i32
          %lt3A_1523 = arith.cmpi slt, %select_n3A_1516, %lt3A_1522 : i32
          %ne3A_1524 = arith.xori %lt3A_1521, %lt3A_1523 : i1
          %and3A_1525 = arith.andi %ne3A_1524, %ne3A_1519 : i1
          %add3A_1526 = arith.addi %rem3A_1517, %select_n3A_1516 : i32
          %select_n3A_1527 = arith.select %and3A_1525, %add3A_1526, %rem3A_1517 : i32
          %mul3A_1528 = arith.constant 64 : i32
          %mul3A_1529 = arith.muli %select_n3A_1511, %mul3A_1528 : i32
          %jit3A_1530 = arith.constant 32 : i32
          %div3A_1531 = arith.divsi %select_n3A_1527, %jit3A_1530 : i32
          %sign3A_1532 = arith.constant 0 : i32
          %sign3A_1533 = arith.cmpi sgt, %select_n3A_1527, %sign3A_1532 : i32
          %sign3A_1534 = arith.extui %sign3A_1533 : i1 to i32
          %sign3A_1535 = arith.constant 0 : i32
          %sign3A_1536 = arith.cmpi slt, %select_n3A_1527, %sign3A_1535 : i32
          %sign3A_1537 = arith.extui %sign3A_1536 : i1 to i32
          %sign3A_1538 = arith.subi %sign3A_1534, %sign3A_1537 : i32
          %sign3A_1539 = arith.constant 0 : i32
          %sign3A_1540 = arith.cmpi sgt, %jit3A_1530, %sign3A_1539 : i32
          %sign3A_1541 = arith.extui %sign3A_1540 : i1 to i32
          %sign3A_1542 = arith.constant 0 : i32
          %sign3A_1543 = arith.cmpi slt, %jit3A_1530, %sign3A_1542 : i32
          %sign3A_1544 = arith.extui %sign3A_1543 : i1 to i32
          %sign3A_1545 = arith.subi %sign3A_1541, %sign3A_1544 : i32
          %ne3A_1546 = arith.cmpi ne, %sign3A_1538, %sign3A_1545 : i32
          %rem3A_1547 = arith.remsi %select_n3A_1527, %jit3A_1530 : i32
          %ne3A_1548 = arith.constant 0 : i32
          %ne3A_1549 = arith.cmpi ne, %rem3A_1547, %ne3A_1548 : i32
          %and3A_1550 = arith.andi %ne3A_1546, %ne3A_1549 : i1
          %sub3A_1551 = arith.constant 1 : i32
          %sub3A_1552 = arith.subi %div3A_1531, %sub3A_1551 : i32
          %select_n3A_1553 = arith.select %and3A_1550, %sub3A_1552, %div3A_1531 : i32
          %jit3A_1554 = arith.constant 2 : i32
          %div3A_1555 = arith.divsi %select_n3A_1553, %jit3A_1554 : i32
          %sign3A_1556 = arith.constant 0 : i32
          %sign3A_1557 = arith.cmpi sgt, %select_n3A_1553, %sign3A_1556 : i32
          %sign3A_1558 = arith.extui %sign3A_1557 : i1 to i32
          %sign3A_1559 = arith.constant 0 : i32
          %sign3A_1560 = arith.cmpi slt, %select_n3A_1553, %sign3A_1559 : i32
          %sign3A_1561 = arith.extui %sign3A_1560 : i1 to i32
          %sign3A_1562 = arith.subi %sign3A_1558, %sign3A_1561 : i32
          %sign3A_1563 = arith.constant 0 : i32
          %sign3A_1564 = arith.cmpi sgt, %jit3A_1554, %sign3A_1563 : i32
          %sign3A_1565 = arith.extui %sign3A_1564 : i1 to i32
          %sign3A_1566 = arith.constant 0 : i32
          %sign3A_1567 = arith.cmpi slt, %jit3A_1554, %sign3A_1566 : i32
          %sign3A_1568 = arith.extui %sign3A_1567 : i1 to i32
          %sign3A_1569 = arith.subi %sign3A_1565, %sign3A_1568 : i32
          %ne3A_1570 = arith.cmpi ne, %sign3A_1562, %sign3A_1569 : i32
          %rem3A_1571 = arith.remsi %select_n3A_1553, %jit3A_1554 : i32
          %ne3A_1572 = arith.constant 0 : i32
          %ne3A_1573 = arith.cmpi ne, %rem3A_1571, %ne3A_1572 : i32
          %and3A_1574 = arith.andi %ne3A_1570, %ne3A_1573 : i1
          %sub3A_1575 = arith.constant 1 : i32
          %sub3A_1576 = arith.subi %div3A_1555, %sub3A_1575 : i32
          %select_n3A_1577 = arith.select %and3A_1574, %sub3A_1576, %div3A_1555 : i32
          %mul3A_1578 = arith.constant 32 : i32
          %mul3A_1579 = arith.muli %select_n3A_1577, %mul3A_1578 : i32
          %add3A_1580 = arith.addi %mul3A_1529, %mul3A_1579 : i32
          %jit3A_1581 = arith.constant 32 : i32
          %eq3A_1582 = arith.constant 0 : i32
          %eq3A_1583 = arith.cmpi eq, %jit3A_1581, %eq3A_1582 : i32
          %jit3A_1584 = arith.constant 1 : i32
          %select_n3A_1585 = arith.select %eq3A_1583, %jit3A_1584, %jit3A_1581 : i32
          %rem3A_1586 = arith.remsi %select_n3A_1527, %select_n3A_1585 : i32
          %ne3A_1587 = arith.constant 0 : i32
          %ne3A_1588 = arith.cmpi ne, %rem3A_1586, %ne3A_1587 : i32
          %lt3A_1589 = arith.constant 0 : i32
          %lt3A_1590 = arith.cmpi slt, %rem3A_1586, %lt3A_1589 : i32
          %lt3A_1591 = arith.constant 0 : i32
          %lt3A_1592 = arith.cmpi slt, %select_n3A_1585, %lt3A_1591 : i32
          %ne3A_1593 = arith.xori %lt3A_1590, %lt3A_1592 : i1
          %and3A_1594 = arith.andi %ne3A_1593, %ne3A_1588 : i1
          %add3A_1595 = arith.addi %rem3A_1586, %select_n3A_1585 : i32
          %select_n3A_1596 = arith.select %and3A_1594, %add3A_1595, %rem3A_1586 : i32
          %add3A_1597 = arith.addi %add3A_1580, %select_n3A_1596 : i32
          %mul3A_1598 = arith.constant 128 : i32
          %mul3A_1599 = arith.muli %mul3A_1598, %add3A_1597 : i32
          %rem3A_1600 = arith.constant 2 : i32
          %rem3A_1601 = arith.remui %scan3A_234, %rem3A_1600 : i32
          %dma_wait3A = arith.constant 0 : i32
          %dma_wait3A_1602 = arith.constant 0 : i32
          %dma_wait3A_1603 = tpu.memref_slice %run_scoped3A[%rem3A_1601, %dma_wait3A, %dma_wait3A_1602] : memref<2x128x256xf32, #tpu.memory_space<vmem>> -> memref<1x128x256xf32, #tpu.memory_space<vmem>>
          %dma_wait3A_1604 = tpu.memref_squeeze %dma_wait3A_1603 : memref<1x128x256xf32, #tpu.memory_space<vmem>> -> memref<128x256xf32, #tpu.memory_space<vmem>>
          %dma_wait3A_1605 = arith.constant 0 : i32
          %dma_wait3A_1606 = tpu.memref_slice %arg2[%mul3A_1599, %dma_wait3A_1605] : memref<32768x256xf32, #tpu.memory_space<hbm>> -> memref<128x256xf32, #tpu.memory_space<hbm>>
          %dma_wait3A_1607 = tpu.memref_slice %run_scoped3A_7[%rem3A_1601] : memref<2x!tpu.dma_semaphore, #tpu.memory_space<semaphore_mem>> -> memref<1x!tpu.dma_semaphore, #tpu.memory_space<semaphore_mem>>
          %dma_wait3A_1608 = tpu.memref_squeeze %dma_wait3A_1607 : memref<1x!tpu.dma_semaphore, #tpu.memory_space<semaphore_mem>> -> memref<!tpu.dma_semaphore, #tpu.memory_space<semaphore_mem>>
          %dma_wait3A_1609 = arith.constant 0 : i32
          %dma_wait3A_1610 = arith.constant 0 : i32
          %dma_wait3A_1611 = tpu.memref_slice %run_scoped3A[%rem3A_1601, %dma_wait3A_1609, %dma_wait3A_1610] : memref<2x128x256xf32, #tpu.memory_space<vmem>> -> memref<1x128x256xf32, #tpu.memory_space<vmem>>
          %dma_wait3A_1612 = tpu.memref_squeeze %dma_wait3A_1611 : memref<1x128x256xf32, #tpu.memory_space<vmem>> -> memref<128x256xf32, #tpu.memory_space<vmem>>
          %dma_wait3A_1613 = arith.constant 0 : i32
          %dma_wait3A_1614 = tpu.memref_slice %arg2[%mul3A_1599, %dma_wait3A_1613] : memref<32768x256xf32, #tpu.memory_space<hbm>> -> memref<128x256xf32, #tpu.memory_space<hbm>>
          tpu.wait_dma2 semaphore(%dma_wait3A_1608 : memref<!tpu.dma_semaphore, #tpu.memory_space<semaphore_mem>>) src(%dma_wait3A_1614 : memref<128x256xf32, #tpu.memory_space<hbm>>) dst(%dma_wait3A_1612 : memref<128x256xf32, #tpu.memory_space<vmem>>)
          "tpu.trace_stop"() : () -> ()
        } else {
        }
        %ne3A_748 = arith.cmpi ne, %add3A_242, %add3A_251 : i32
        %or3A_749 = arith.constant false
        %or3A_750 = arith.ori %or3A_749, %ne3A_748 : i1
        %or3A_751 = arith.ori %or3A_750, %eq3A_239 : i1
        %convert_element_type3A_752 = arith.extui %or3A_751 : i1 to i32
        %cond3A_753 = arith.constant 0 : i32
        %cond3A_754 = arith.cmpi ne, %convert_element_type3A_752, %cond3A_753 : i32
        scf.if %cond3A_754 {
          "tpu.trace_start"() <{level = 10 : i32, message = "ep_wait_in"}> : () -> ()
          %mul3A_1488 = arith.constant 128 : i32
          %mul3A_1489 = arith.muli %mul3A_1488, %add3A_242 : i32
          %rem3A_1490 = arith.constant 2 : i32
          %rem3A_1491 = arith.remui %scan3A_236, %rem3A_1490 : i32
          %dma_wait3A = arith.constant 0 : i32
          %dma_wait3A_1492 = arith.constant 0 : i32
          %dma_wait3A_1493 = tpu.memref_slice %run_scoped3A_8[%rem3A_1491, %dma_wait3A, %dma_wait3A_1492] : memref<2x1x128xi32, #tpu.memory_space<vmem>> -> memref<1x1x128xi32, #tpu.memory_space<vmem>>
          %dma_wait3A_1494 = tpu.memref_squeeze %dma_wait3A_1493 : memref<1x1x128xi32, #tpu.memory_space<vmem>> -> memref<1x128xi32, #tpu.memory_space<vmem>>
          %dma_wait3A_1495 = arith.constant 0 : i32
          %dma_wait3A_1496 = tpu.memref_slice %arg3[%dma_wait3A_1495, %mul3A_1489] : memref<1x65536xi32, #tpu.memory_space<hbm>> -> memref<1x128xi32, #tpu.memory_space<hbm>>
          %dma_wait3A_1497 = tpu.memref_slice %run_scoped3A_9[%rem3A_1491] : memref<2x!tpu.dma_semaphore, #tpu.memory_space<semaphore_mem>> -> memref<1x!tpu.dma_semaphore, #tpu.memory_space<semaphore_mem>>
          %dma_wait3A_1498 = tpu.memref_squeeze %dma_wait3A_1497 : memref<1x!tpu.dma_semaphore, #tpu.memory_space<semaphore_mem>> -> memref<!tpu.dma_semaphore, #tpu.memory_space<semaphore_mem>>
          %dma_wait3A_1499 = arith.constant 0 : i32
          %dma_wait3A_1500 = arith.constant 0 : i32
          %dma_wait3A_1501 = tpu.memref_slice %run_scoped3A_8[%rem3A_1491, %dma_wait3A_1499, %dma_wait3A_1500] : memref<2x1x128xi32, #tpu.memory_space<vmem>> -> memref<1x1x128xi32, #tpu.memory_space<vmem>>
          %dma_wait3A_1502 = tpu.memref_squeeze %dma_wait3A_1501 : memref<1x1x128xi32, #tpu.memory_space<vmem>> -> memref<1x128xi32, #tpu.memory_space<vmem>>
          %dma_wait3A_1503 = arith.constant 0 : i32
          %dma_wait3A_1504 = tpu.memref_slice %arg3[%dma_wait3A_1503, %mul3A_1489] : memref<1x65536xi32, #tpu.memory_space<hbm>> -> memref<1x128xi32, #tpu.memory_space<hbm>>
          tpu.wait_dma2 semaphore(%dma_wait3A_1498 : memref<!tpu.dma_semaphore, #tpu.memory_space<semaphore_mem>>) src(%dma_wait3A_1504 : memref<1x128xi32, #tpu.memory_space<hbm>>) dst(%dma_wait3A_1502 : memref<1x128xi32, #tpu.memory_space<vmem>>)
          "tpu.trace_stop"() : () -> ()
        } else {
        }
        %rem3A_755 = arith.constant 2 : i32
        %rem3A_756 = arith.remui %scan3A_234, %rem3A_755 : i32
        %rem3A_757 = arith.constant 2 : i32
        %rem3A_758 = arith.remui %scan3A_236, %rem3A_757 : i32
        %run_scoped3A_759 = arith.constant 0 : i32
        "tpu.trace_start"() <{level = 10 : i32, message = "ep_run_kernel"}> : () -> ()
        "tpu.region"() ({
          %run_scoped3A_1488 = tpu.sem_alloc : memref<!tpu.dma_semaphore, #tpu.memory_space<semaphore_mem>>
          %dma_start3A_1489 = arith.constant 0 : i32
          %dma_start3A_1490 = arith.constant 0 : i32
          %dma_start3A_1491 = tpu.memref_slice %run_scoped3A[%rem3A_756, %dma_start3A_1489, %dma_start3A_1490] : memref<2x128x256xf32, #tpu.memory_space<vmem>> -> memref<1x128x256xf32, #tpu.memory_space<vmem>>
          %dma_start3A_1492 = tpu.memref_squeeze %dma_start3A_1491 : memref<1x128x256xf32, #tpu.memory_space<vmem>> -> memref<128x256xf32, #tpu.memory_space<vmem>>
          %dma_start3A_1493 = arith.constant 0 : i32
          %dma_start3A_1494 = arith.constant 0 : i32
          %dma_start3A_1495 = tpu.memref_slice %run_scoped3A_8[%rem3A_758, %dma_start3A_1493, %dma_start3A_1494] : memref<2x1x128xi32, #tpu.memory_space<vmem>> -> memref<1x1x128xi32, #tpu.memory_space<vmem>>
          %dma_start3A_1496 = tpu.memref_squeeze %dma_start3A_1495 : memref<1x1x128xi32, #tpu.memory_space<vmem>> -> memref<1x128xi32, #tpu.memory_space<vmem>>
          %dma_start3A_1497 = arith.constant 0 : i32
          %dma_start3A_1498 = tpu.memref_slice %dma_start3A_1496[%run_scoped3A_759, %dma_start3A_1497] : memref<1x128xi32, #tpu.memory_space<vmem>> -> memref<1x128xi32, #tpu.memory_space<vmem>>
          %dma_start3A_1499 = tpu.memref_squeeze %dma_start3A_1498 : memref<1x128xi32, #tpu.memory_space<vmem>> -> memref<128xi32, #tpu.memory_space<vmem>>
          %dma_start3A_1500 = arith.constant 0 : i32
          %dma_start3A_1501 = arith.constant 0 : i32
          %dma_start3A_1502 = tpu.memref_slice %arg4[%dma_start3A_1500, %dma_start3A_1501] : memref<81920x256xf32, #tpu.memory_space<hbm>> -> memref<81920x256xf32, #tpu.memory_space<hbm>>
          tpu.enqueue_indirect_dma source(%dma_start3A_1492 : memref<128x256xf32, #tpu.memory_space<vmem>>) target(%dma_start3A_1502 : memref<81920x256xf32, #tpu.memory_space<hbm>>) offsets(%dma_start3A_1499 : memref<128xi32, #tpu.memory_space<vmem>>) semaphore(%run_scoped3A_1488 : memref<!tpu.dma_semaphore, #tpu.memory_space<semaphore_mem>>)
          %dma_wait3A = arith.constant 0 : i32
          %dma_wait3A_1503 = arith.constant 0 : i32
          %dma_wait3A_1504 = tpu.memref_slice %run_scoped3A[%rem3A_756, %dma_wait3A, %dma_wait3A_1503] : memref<2x128x256xf32, #tpu.memory_space<vmem>> -> memref<1x128x256xf32, #tpu.memory_space<vmem>>
          %dma_wait3A_1505 = tpu.memref_squeeze %dma_wait3A_1504 : memref<1x128x256xf32, #tpu.memory_space<vmem>> -> memref<128x256xf32, #tpu.memory_space<vmem>>
          %dma_wait3A_1506 = arith.constant 0 : i32
          %dma_wait3A_1507 = arith.constant 0 : i32
          %dma_wait3A_1508 = tpu.memref_slice %run_scoped3A_8[%rem3A_758, %dma_wait3A_1506, %dma_wait3A_1507] : memref<2x1x128xi32, #tpu.memory_space<vmem>> -> memref<1x1x128xi32, #tpu.memory_space<vmem>>
          %dma_wait3A_1509 = tpu.memref_squeeze %dma_wait3A_1508 : memref<1x1x128xi32, #tpu.memory_space<vmem>> -> memref<1x128xi32, #tpu.memory_space<vmem>>
          %dma_wait3A_1510 = arith.constant 0 : i32
          %dma_wait3A_1511 = tpu.memref_slice %dma_wait3A_1509[%run_scoped3A_759, %dma_wait3A_1510] : memref<1x128xi32, #tpu.memory_space<vmem>> -> memref<1x128xi32, #tpu.memory_space<vmem>>
          %dma_wait3A_1512 = tpu.memref_squeeze %dma_wait3A_1511 : memref<1x128xi32, #tpu.memory_space<vmem>> -> memref<128xi32, #tpu.memory_space<vmem>>
          %dma_wait3A_1513 = arith.constant 0 : i32
          %dma_wait3A_1514 = arith.constant 0 : i32
          %dma_wait3A_1515 = tpu.memref_slice %arg4[%dma_wait3A_1513, %dma_wait3A_1514] : memref<81920x256xf32, #tpu.memory_space<hbm>> -> memref<81920x256xf32, #tpu.memory_space<hbm>>
          tpu.wait_indirect_dma semaphore(%run_scoped3A_1488 : memref<!tpu.dma_semaphore, #tpu.memory_space<semaphore_mem>>) src(%dma_wait3A_1505 : memref<128x256xf32, #tpu.memory_space<vmem>>) dst(%dma_wait3A_1515 : memref<81920x256xf32, #tpu.memory_space<hbm>>)
          tpu.yield
        }) : () -> ()
        %jit3A_760 = arith.constant 128 : i32
        "tpu.trace_stop"() : () -> ()
        %div3A_761 = arith.divsi %add3A_242, %jit3A_760 : i32
        %sign3A_762 = arith.constant 0 : i32
        %sign3A_763 = arith.cmpi sgt, %add3A_242, %sign3A_762 : i32
        %sign3A_764 = arith.extui %sign3A_763 : i1 to i32
        %sign3A_765 = arith.constant 0 : i32
        %sign3A_766 = arith.cmpi slt, %add3A_242, %sign3A_765 : i32
        %sign3A_767 = arith.extui %sign3A_766 : i1 to i32
        %sign3A_768 = arith.subi %sign3A_764, %sign3A_767 : i32
        %sign3A_769 = arith.constant 0 : i32
        %sign3A_770 = arith.cmpi sgt, %jit3A_760, %sign3A_769 : i32
        %sign3A_771 = arith.extui %sign3A_770 : i1 to i32
        %sign3A_772 = arith.constant 0 : i32
        %sign3A_773 = arith.cmpi slt, %jit3A_760, %sign3A_772 : i32
        %sign3A_774 = arith.extui %sign3A_773 : i1 to i32
        %sign3A_775 = arith.subi %sign3A_771, %sign3A_774 : i32
        %ne3A_776 = arith.cmpi ne, %sign3A_768, %sign3A_775 : i32
        %rem3A_777 = arith.remsi %add3A_242, %jit3A_760 : i32
        %ne3A_778 = arith.constant 0 : i32
        %ne3A_779 = arith.cmpi ne, %rem3A_777, %ne3A_778 : i32
        %and3A_780 = arith.andi %ne3A_776, %ne3A_779 : i1
        %sub3A_781 = arith.constant 1 : i32
        %sub3A_782 = arith.subi %div3A_761, %sub3A_781 : i32
        %select_n3A_783 = arith.select %and3A_780, %sub3A_782, %div3A_761 : i32
        %jit3A_784 = arith.constant 128 : i32
        %eq3A_785 = arith.constant 0 : i32
        %eq3A_786 = arith.cmpi eq, %jit3A_784, %eq3A_785 : i32
        %jit3A_787 = arith.constant 1 : i32
        %select_n3A_788 = arith.select %eq3A_786, %jit3A_787, %jit3A_784 : i32
        %rem3A_789 = arith.remsi %add3A_242, %select_n3A_788 : i32
        %ne3A_790 = arith.constant 0 : i32
        %ne3A_791 = arith.cmpi ne, %rem3A_789, %ne3A_790 : i32
        %lt3A_792 = arith.constant 0 : i32
        %lt3A_793 = arith.cmpi slt, %rem3A_789, %lt3A_792 : i32
        %lt3A_794 = arith.constant 0 : i32
        %lt3A_795 = arith.cmpi slt, %select_n3A_788, %lt3A_794 : i32
        %ne3A_796 = arith.xori %lt3A_793, %lt3A_795 : i1
        %and3A_797 = arith.andi %ne3A_796, %ne3A_791 : i1
        %add3A_798 = arith.addi %rem3A_789, %select_n3A_788 : i32
        %select_n3A_799 = arith.select %and3A_797, %add3A_798, %rem3A_789 : i32
        %mul3A_800 = arith.constant 64 : i32
        %mul3A_801 = arith.muli %select_n3A_783, %mul3A_800 : i32
        %jit3A_802 = arith.constant 32 : i32
        %div3A_803 = arith.divsi %select_n3A_799, %jit3A_802 : i32
        %sign3A_804 = arith.constant 0 : i32
        %sign3A_805 = arith.cmpi sgt, %select_n3A_799, %sign3A_804 : i32
        %sign3A_806 = arith.extui %sign3A_805 : i1 to i32
        %sign3A_807 = arith.constant 0 : i32
        %sign3A_808 = arith.cmpi slt, %select_n3A_799, %sign3A_807 : i32
        %sign3A_809 = arith.extui %sign3A_808 : i1 to i32
        %sign3A_810 = arith.subi %sign3A_806, %sign3A_809 : i32
        %sign3A_811 = arith.constant 0 : i32
        %sign3A_812 = arith.cmpi sgt, %jit3A_802, %sign3A_811 : i32
        %sign3A_813 = arith.extui %sign3A_812 : i1 to i32
        %sign3A_814 = arith.constant 0 : i32
        %sign3A_815 = arith.cmpi slt, %jit3A_802, %sign3A_814 : i32
        %sign3A_816 = arith.extui %sign3A_815 : i1 to i32
        %sign3A_817 = arith.subi %sign3A_813, %sign3A_816 : i32
        %ne3A_818 = arith.cmpi ne, %sign3A_810, %sign3A_817 : i32
        %rem3A_819 = arith.remsi %select_n3A_799, %jit3A_802 : i32
        %ne3A_820 = arith.constant 0 : i32
        %ne3A_821 = arith.cmpi ne, %rem3A_819, %ne3A_820 : i32
        %and3A_822 = arith.andi %ne3A_818, %ne3A_821 : i1
        %sub3A_823 = arith.constant 1 : i32
        %sub3A_824 = arith.subi %div3A_803, %sub3A_823 : i32
        %select_n3A_825 = arith.select %and3A_822, %sub3A_824, %div3A_803 : i32
        %jit3A_826 = arith.constant 2 : i32
        %div3A_827 = arith.divsi %select_n3A_825, %jit3A_826 : i32
        %sign3A_828 = arith.constant 0 : i32
        %sign3A_829 = arith.cmpi sgt, %select_n3A_825, %sign3A_828 : i32
        %sign3A_830 = arith.extui %sign3A_829 : i1 to i32
        %sign3A_831 = arith.constant 0 : i32
        %sign3A_832 = arith.cmpi slt, %select_n3A_825, %sign3A_831 : i32
        %sign3A_833 = arith.extui %sign3A_832 : i1 to i32
        %sign3A_834 = arith.subi %sign3A_830, %sign3A_833 : i32
        %sign3A_835 = arith.constant 0 : i32
        %sign3A_836 = arith.cmpi sgt, %jit3A_826, %sign3A_835 : i32
        %sign3A_837 = arith.extui %sign3A_836 : i1 to i32
        %sign3A_838 = arith.constant 0 : i32
        %sign3A_839 = arith.cmpi slt, %jit3A_826, %sign3A_838 : i32
        %sign3A_840 = arith.extui %sign3A_839 : i1 to i32
        %sign3A_841 = arith.subi %sign3A_837, %sign3A_840 : i32
        %ne3A_842 = arith.cmpi ne, %sign3A_834, %sign3A_841 : i32
        %rem3A_843 = arith.remsi %select_n3A_825, %jit3A_826 : i32
        %ne3A_844 = arith.constant 0 : i32
        %ne3A_845 = arith.cmpi ne, %rem3A_843, %ne3A_844 : i32
        %and3A_846 = arith.andi %ne3A_842, %ne3A_845 : i1
        %sub3A_847 = arith.constant 1 : i32
        %sub3A_848 = arith.subi %div3A_827, %sub3A_847 : i32
        %select_n3A_849 = arith.select %and3A_846, %sub3A_848, %div3A_827 : i32
        %mul3A_850 = arith.constant 32 : i32
        %mul3A_851 = arith.muli %select_n3A_849, %mul3A_850 : i32
        %add3A_852 = arith.addi %mul3A_801, %mul3A_851 : i32
        %jit3A_853 = arith.constant 32 : i32
        %eq3A_854 = arith.constant 0 : i32
        %eq3A_855 = arith.cmpi eq, %jit3A_853, %eq3A_854 : i32
        %jit3A_856 = arith.constant 1 : i32
        %select_n3A_857 = arith.select %eq3A_855, %jit3A_856, %jit3A_853 : i32
        %rem3A_858 = arith.remsi %select_n3A_799, %select_n3A_857 : i32
        %ne3A_859 = arith.constant 0 : i32
        %ne3A_860 = arith.cmpi ne, %rem3A_858, %ne3A_859 : i32
        %lt3A_861 = arith.constant 0 : i32
        %lt3A_862 = arith.cmpi slt, %rem3A_858, %lt3A_861 : i32
        %lt3A_863 = arith.constant 0 : i32
        %lt3A_864 = arith.cmpi slt, %select_n3A_857, %lt3A_863 : i32
        %ne3A_865 = arith.xori %lt3A_862, %lt3A_864 : i1
        %and3A_866 = arith.andi %ne3A_865, %ne3A_860 : i1
        %add3A_867 = arith.addi %rem3A_858, %select_n3A_857 : i32
        %select_n3A_868 = arith.select %and3A_866, %add3A_867, %rem3A_858 : i32
        %add3A_869 = arith.addi %add3A_852, %select_n3A_868 : i32
        %jit3A_870 = arith.constant 128 : i32
        %div3A_871 = arith.divsi %add3A_260, %jit3A_870 : i32
        %sign3A_872 = arith.constant 0 : i32
        %sign3A_873 = arith.cmpi sgt, %add3A_260, %sign3A_872 : i32
        %sign3A_874 = arith.extui %sign3A_873 : i1 to i32
        %sign3A_875 = arith.constant 0 : i32
        %sign3A_876 = arith.cmpi slt, %add3A_260, %sign3A_875 : i32
        %sign3A_877 = arith.extui %sign3A_876 : i1 to i32
        %sign3A_878 = arith.subi %sign3A_874, %sign3A_877 : i32
        %sign3A_879 = arith.constant 0 : i32
        %sign3A_880 = arith.cmpi sgt, %jit3A_870, %sign3A_879 : i32
        %sign3A_881 = arith.extui %sign3A_880 : i1 to i32
        %sign3A_882 = arith.constant 0 : i32
        %sign3A_883 = arith.cmpi slt, %jit3A_870, %sign3A_882 : i32
        %sign3A_884 = arith.extui %sign3A_883 : i1 to i32
        %sign3A_885 = arith.subi %sign3A_881, %sign3A_884 : i32
        %ne3A_886 = arith.cmpi ne, %sign3A_878, %sign3A_885 : i32
        %rem3A_887 = arith.remsi %add3A_260, %jit3A_870 : i32
        %ne3A_888 = arith.constant 0 : i32
        %ne3A_889 = arith.cmpi ne, %rem3A_887, %ne3A_888 : i32
        %and3A_890 = arith.andi %ne3A_886, %ne3A_889 : i1
        %sub3A_891 = arith.constant 1 : i32
        %sub3A_892 = arith.subi %div3A_871, %sub3A_891 : i32
        %select_n3A_893 = arith.select %and3A_890, %sub3A_892, %div3A_871 : i32
        %jit3A_894 = arith.constant 128 : i32
        %eq3A_895 = arith.constant 0 : i32
        %eq3A_896 = arith.cmpi eq, %jit3A_894, %eq3A_895 : i32
        %jit3A_897 = arith.constant 1 : i32
        %select_n3A_898 = arith.select %eq3A_896, %jit3A_897, %jit3A_894 : i32
        %rem3A_899 = arith.remsi %add3A_260, %select_n3A_898 : i32
        %ne3A_900 = arith.constant 0 : i32
        %ne3A_901 = arith.cmpi ne, %rem3A_899, %ne3A_900 : i32
        %lt3A_902 = arith.constant 0 : i32
        %lt3A_903 = arith.cmpi slt, %rem3A_899, %lt3A_902 : i32
        %lt3A_904 = arith.constant 0 : i32
        %lt3A_905 = arith.cmpi slt, %select_n3A_898, %lt3A_904 : i32
        %ne3A_906 = arith.xori %lt3A_903, %lt3A_905 : i1
        %and3A_907 = arith.andi %ne3A_906, %ne3A_901 : i1
        %add3A_908 = arith.addi %rem3A_899, %select_n3A_898 : i32
        %select_n3A_909 = arith.select %and3A_907, %add3A_908, %rem3A_899 : i32
        %mul3A_910 = arith.constant 64 : i32
        %mul3A_911 = arith.muli %select_n3A_893, %mul3A_910 : i32
        %jit3A_912 = arith.constant 32 : i32
        %div3A_913 = arith.divsi %select_n3A_909, %jit3A_912 : i32
        %sign3A_914 = arith.constant 0 : i32
        %sign3A_915 = arith.cmpi sgt, %select_n3A_909, %sign3A_914 : i32
        %sign3A_916 = arith.extui %sign3A_915 : i1 to i32
        %sign3A_917 = arith.constant 0 : i32
        %sign3A_918 = arith.cmpi slt, %select_n3A_909, %sign3A_917 : i32
        %sign3A_919 = arith.extui %sign3A_918 : i1 to i32
        %sign3A_920 = arith.subi %sign3A_916, %sign3A_919 : i32
        %sign3A_921 = arith.constant 0 : i32
        %sign3A_922 = arith.cmpi sgt, %jit3A_912, %sign3A_921 : i32
        %sign3A_923 = arith.extui %sign3A_922 : i1 to i32
        %sign3A_924 = arith.constant 0 : i32
        %sign3A_925 = arith.cmpi slt, %jit3A_912, %sign3A_924 : i32
        %sign3A_926 = arith.extui %sign3A_925 : i1 to i32
        %sign3A_927 = arith.subi %sign3A_923, %sign3A_926 : i32
        %ne3A_928 = arith.cmpi ne, %sign3A_920, %sign3A_927 : i32
        %rem3A_929 = arith.remsi %select_n3A_909, %jit3A_912 : i32
        %ne3A_930 = arith.constant 0 : i32
        %ne3A_931 = arith.cmpi ne, %rem3A_929, %ne3A_930 : i32
        %and3A_932 = arith.andi %ne3A_928, %ne3A_931 : i1
        %sub3A_933 = arith.constant 1 : i32
        %sub3A_934 = arith.subi %div3A_913, %sub3A_933 : i32
        %select_n3A_935 = arith.select %and3A_932, %sub3A_934, %div3A_913 : i32
        %jit3A_936 = arith.constant 2 : i32
        %div3A_937 = arith.divsi %select_n3A_935, %jit3A_936 : i32
        %sign3A_938 = arith.constant 0 : i32
        %sign3A_939 = arith.cmpi sgt, %select_n3A_935, %sign3A_938 : i32
        %sign3A_940 = arith.extui %sign3A_939 : i1 to i32
        %sign3A_941 = arith.constant 0 : i32
        %sign3A_942 = arith.cmpi slt, %select_n3A_935, %sign3A_941 : i32
        %sign3A_943 = arith.extui %sign3A_942 : i1 to i32
        %sign3A_944 = arith.subi %sign3A_940, %sign3A_943 : i32
        %sign3A_945 = arith.constant 0 : i32
        %sign3A_946 = arith.cmpi sgt, %jit3A_936, %sign3A_945 : i32
        %sign3A_947 = arith.extui %sign3A_946 : i1 to i32
        %sign3A_948 = arith.constant 0 : i32
        %sign3A_949 = arith.cmpi slt, %jit3A_936, %sign3A_948 : i32
        %sign3A_950 = arith.extui %sign3A_949 : i1 to i32
        %sign3A_951 = arith.subi %sign3A_947, %sign3A_950 : i32
        %ne3A_952 = arith.cmpi ne, %sign3A_944, %sign3A_951 : i32
        %rem3A_953 = arith.remsi %select_n3A_935, %jit3A_936 : i32
        %ne3A_954 = arith.constant 0 : i32
        %ne3A_955 = arith.cmpi ne, %rem3A_953, %ne3A_954 : i32
        %and3A_956 = arith.andi %ne3A_952, %ne3A_955 : i1
        %sub3A_957 = arith.constant 1 : i32
        %sub3A_958 = arith.subi %div3A_937, %sub3A_957 : i32
        %select_n3A_959 = arith.select %and3A_956, %sub3A_958, %div3A_937 : i32
        %mul3A_960 = arith.constant 32 : i32
        %mul3A_961 = arith.muli %select_n3A_959, %mul3A_960 : i32
        %add3A_962 = arith.addi %mul3A_911, %mul3A_961 : i32
        %jit3A_963 = arith.constant 32 : i32
        %eq3A_964 = arith.constant 0 : i32
        %eq3A_965 = arith.cmpi eq, %jit3A_963, %eq3A_964 : i32
        %jit3A_966 = arith.constant 1 : i32
        %select_n3A_967 = arith.select %eq3A_965, %jit3A_966, %jit3A_963 : i32
        %rem3A_968 = arith.remsi %select_n3A_909, %select_n3A_967 : i32
        %ne3A_969 = arith.constant 0 : i32
        %ne3A_970 = arith.cmpi ne, %rem3A_968, %ne3A_969 : i32
        %lt3A_971 = arith.constant 0 : i32
        %lt3A_972 = arith.cmpi slt, %rem3A_968, %lt3A_971 : i32
        %lt3A_973 = arith.constant 0 : i32
        %lt3A_974 = arith.cmpi slt, %select_n3A_967, %lt3A_973 : i32
        %ne3A_975 = arith.xori %lt3A_972, %lt3A_974 : i1
        %and3A_976 = arith.andi %ne3A_975, %ne3A_970 : i1
        %add3A_977 = arith.addi %rem3A_968, %select_n3A_967 : i32
        %select_n3A_978 = arith.select %and3A_976, %add3A_977, %rem3A_968 : i32
        %add3A_979 = arith.addi %add3A_962, %select_n3A_978 : i32
        %ne3A_980 = arith.cmpi ne, %add3A_869, %add3A_979 : i32
        %or3A_981 = arith.constant false
        %or3A_982 = arith.ori %or3A_981, %ne3A_980 : i1
        %or3A_983 = arith.constant false
        %or3A_984 = arith.ori %or3A_982, %or3A_983 : i1
        %or3A_985 = arith.ori %or3A_984, %eq3A_241 : i1
        %convert_element_type3A_986 = arith.extui %or3A_985 : i1 to i32
        %cond3A_987 = arith.constant 0 : i32
        %cond3A_988 = arith.cmpi ne, %convert_element_type3A_986, %cond3A_987 : i32
        scf.if %cond3A_988 {
        } else {
        }
        %and3A_989 = arith.constant false
        %and3A_990 = arith.andi %or3A_985, %and3A_989 : i1
        %ne3A_991 = arith.cmpi ne, %add3A_242, %add3A_260 : i32
        %or3A_992 = arith.constant false
        %or3A_993 = arith.ori %or3A_992, %ne3A_991 : i1
        %or3A_994 = arith.ori %or3A_993, %eq3A_241 : i1
        %convert_element_type3A_995 = arith.extui %or3A_994 : i1 to i32
        %cond3A_996 = arith.constant 0 : i32
        %cond3A_997 = arith.cmpi ne, %convert_element_type3A_995, %cond3A_996 : i32
        scf.if %cond3A_997 {
        } else {
        }
        %and3A_998 = arith.constant false
        %and3A_999 = arith.andi %or3A_994, %and3A_998 : i1
        %jit3A_1000 = arith.constant 128 : i32
        %div3A_1001 = arith.divsi %add3A_242, %jit3A_1000 : i32
        %sign3A_1002 = arith.constant 0 : i32
        %sign3A_1003 = arith.cmpi sgt, %add3A_242, %sign3A_1002 : i32
        %sign3A_1004 = arith.extui %sign3A_1003 : i1 to i32
        %sign3A_1005 = arith.constant 0 : i32
        %sign3A_1006 = arith.cmpi slt, %add3A_242, %sign3A_1005 : i32
        %sign3A_1007 = arith.extui %sign3A_1006 : i1 to i32
        %sign3A_1008 = arith.subi %sign3A_1004, %sign3A_1007 : i32
        %sign3A_1009 = arith.constant 0 : i32
        %sign3A_1010 = arith.cmpi sgt, %jit3A_1000, %sign3A_1009 : i32
        %sign3A_1011 = arith.extui %sign3A_1010 : i1 to i32
        %sign3A_1012 = arith.constant 0 : i32
        %sign3A_1013 = arith.cmpi slt, %jit3A_1000, %sign3A_1012 : i32
        %sign3A_1014 = arith.extui %sign3A_1013 : i1 to i32
        %sign3A_1015 = arith.subi %sign3A_1011, %sign3A_1014 : i32
        %ne3A_1016 = arith.cmpi ne, %sign3A_1008, %sign3A_1015 : i32
        %rem3A_1017 = arith.remsi %add3A_242, %jit3A_1000 : i32
        %ne3A_1018 = arith.constant 0 : i32
        %ne3A_1019 = arith.cmpi ne, %rem3A_1017, %ne3A_1018 : i32
        %and3A_1020 = arith.andi %ne3A_1016, %ne3A_1019 : i1
        %sub3A_1021 = arith.constant 1 : i32
        %sub3A_1022 = arith.subi %div3A_1001, %sub3A_1021 : i32
        %select_n3A_1023 = arith.select %and3A_1020, %sub3A_1022, %div3A_1001 : i32
        %jit3A_1024 = arith.constant 128 : i32
        %eq3A_1025 = arith.constant 0 : i32
        %eq3A_1026 = arith.cmpi eq, %jit3A_1024, %eq3A_1025 : i32
        %jit3A_1027 = arith.constant 1 : i32
        %select_n3A_1028 = arith.select %eq3A_1026, %jit3A_1027, %jit3A_1024 : i32
        %rem3A_1029 = arith.remsi %add3A_242, %select_n3A_1028 : i32
        %ne3A_1030 = arith.constant 0 : i32
        %ne3A_1031 = arith.cmpi ne, %rem3A_1029, %ne3A_1030 : i32
        %lt3A_1032 = arith.constant 0 : i32
        %lt3A_1033 = arith.cmpi slt, %rem3A_1029, %lt3A_1032 : i32
        %lt3A_1034 = arith.constant 0 : i32
        %lt3A_1035 = arith.cmpi slt, %select_n3A_1028, %lt3A_1034 : i32
        %ne3A_1036 = arith.xori %lt3A_1033, %lt3A_1035 : i1
        %and3A_1037 = arith.andi %ne3A_1036, %ne3A_1031 : i1
        %add3A_1038 = arith.addi %rem3A_1029, %select_n3A_1028 : i32
        %select_n3A_1039 = arith.select %and3A_1037, %add3A_1038, %rem3A_1029 : i32
        %mul3A_1040 = arith.constant 64 : i32
        %mul3A_1041 = arith.muli %select_n3A_1023, %mul3A_1040 : i32
        %jit3A_1042 = arith.constant 32 : i32
        %div3A_1043 = arith.divsi %select_n3A_1039, %jit3A_1042 : i32
        %sign3A_1044 = arith.constant 0 : i32
        %sign3A_1045 = arith.cmpi sgt, %select_n3A_1039, %sign3A_1044 : i32
        %sign3A_1046 = arith.extui %sign3A_1045 : i1 to i32
        %sign3A_1047 = arith.constant 0 : i32
        %sign3A_1048 = arith.cmpi slt, %select_n3A_1039, %sign3A_1047 : i32
        %sign3A_1049 = arith.extui %sign3A_1048 : i1 to i32
        %sign3A_1050 = arith.subi %sign3A_1046, %sign3A_1049 : i32
        %sign3A_1051 = arith.constant 0 : i32
        %sign3A_1052 = arith.cmpi sgt, %jit3A_1042, %sign3A_1051 : i32
        %sign3A_1053 = arith.extui %sign3A_1052 : i1 to i32
        %sign3A_1054 = arith.constant 0 : i32
        %sign3A_1055 = arith.cmpi slt, %jit3A_1042, %sign3A_1054 : i32
        %sign3A_1056 = arith.extui %sign3A_1055 : i1 to i32
        %sign3A_1057 = arith.subi %sign3A_1053, %sign3A_1056 : i32
        %ne3A_1058 = arith.cmpi ne, %sign3A_1050, %sign3A_1057 : i32
        %rem3A_1059 = arith.remsi %select_n3A_1039, %jit3A_1042 : i32
        %ne3A_1060 = arith.constant 0 : i32
        %ne3A_1061 = arith.cmpi ne, %rem3A_1059, %ne3A_1060 : i32
        %and3A_1062 = arith.andi %ne3A_1058, %ne3A_1061 : i1
        %sub3A_1063 = arith.constant 1 : i32
        %sub3A_1064 = arith.subi %div3A_1043, %sub3A_1063 : i32
        %select_n3A_1065 = arith.select %and3A_1062, %sub3A_1064, %div3A_1043 : i32
        %jit3A_1066 = arith.constant 2 : i32
        %div3A_1067 = arith.divsi %select_n3A_1065, %jit3A_1066 : i32
        %sign3A_1068 = arith.constant 0 : i32
        %sign3A_1069 = arith.cmpi sgt, %select_n3A_1065, %sign3A_1068 : i32
        %sign3A_1070 = arith.extui %sign3A_1069 : i1 to i32
        %sign3A_1071 = arith.constant 0 : i32
        %sign3A_1072 = arith.cmpi slt, %select_n3A_1065, %sign3A_1071 : i32
        %sign3A_1073 = arith.extui %sign3A_1072 : i1 to i32
        %sign3A_1074 = arith.subi %sign3A_1070, %sign3A_1073 : i32
        %sign3A_1075 = arith.constant 0 : i32
        %sign3A_1076 = arith.cmpi sgt, %jit3A_1066, %sign3A_1075 : i32
        %sign3A_1077 = arith.extui %sign3A_1076 : i1 to i32
        %sign3A_1078 = arith.constant 0 : i32
        %sign3A_1079 = arith.cmpi slt, %jit3A_1066, %sign3A_1078 : i32
        %sign3A_1080 = arith.extui %sign3A_1079 : i1 to i32
        %sign3A_1081 = arith.subi %sign3A_1077, %sign3A_1080 : i32
        %ne3A_1082 = arith.cmpi ne, %sign3A_1074, %sign3A_1081 : i32
        %rem3A_1083 = arith.remsi %select_n3A_1065, %jit3A_1066 : i32
        %ne3A_1084 = arith.constant 0 : i32
        %ne3A_1085 = arith.cmpi ne, %rem3A_1083, %ne3A_1084 : i32
        %and3A_1086 = arith.andi %ne3A_1082, %ne3A_1085 : i1
        %sub3A_1087 = arith.constant 1 : i32
        %sub3A_1088 = arith.subi %div3A_1067, %sub3A_1087 : i32
        %select_n3A_1089 = arith.select %and3A_1086, %sub3A_1088, %div3A_1067 : i32
        %mul3A_1090 = arith.constant 32 : i32
        %mul3A_1091 = arith.muli %select_n3A_1089, %mul3A_1090 : i32
        %add3A_1092 = arith.addi %mul3A_1041, %mul3A_1091 : i32
        %jit3A_1093 = arith.constant 32 : i32
        %eq3A_1094 = arith.constant 0 : i32
        %eq3A_1095 = arith.cmpi eq, %jit3A_1093, %eq3A_1094 : i32
        %jit3A_1096 = arith.constant 1 : i32
        %select_n3A_1097 = arith.select %eq3A_1095, %jit3A_1096, %jit3A_1093 : i32
        %rem3A_1098 = arith.remsi %select_n3A_1039, %select_n3A_1097 : i32
        %ne3A_1099 = arith.constant 0 : i32
        %ne3A_1100 = arith.cmpi ne, %rem3A_1098, %ne3A_1099 : i32
        %lt3A_1101 = arith.constant 0 : i32
        %lt3A_1102 = arith.cmpi slt, %rem3A_1098, %lt3A_1101 : i32
        %lt3A_1103 = arith.constant 0 : i32
        %lt3A_1104 = arith.cmpi slt, %select_n3A_1097, %lt3A_1103 : i32
        %ne3A_1105 = arith.xori %lt3A_1102, %lt3A_1104 : i1
        %and3A_1106 = arith.andi %ne3A_1105, %ne3A_1100 : i1
        %add3A_1107 = arith.addi %rem3A_1098, %select_n3A_1097 : i32
        %select_n3A_1108 = arith.select %and3A_1106, %add3A_1107, %rem3A_1098 : i32
        %add3A_1109 = arith.addi %add3A_1092, %select_n3A_1108 : i32
        %jit3A_1110 = arith.constant 128 : i32
        %div3A_1111 = arith.divsi %add3A_251, %jit3A_1110 : i32
        %sign3A_1112 = arith.constant 0 : i32
        %sign3A_1113 = arith.cmpi sgt, %add3A_251, %sign3A_1112 : i32
        %sign3A_1114 = arith.extui %sign3A_1113 : i1 to i32
        %sign3A_1115 = arith.constant 0 : i32
        %sign3A_1116 = arith.cmpi slt, %add3A_251, %sign3A_1115 : i32
        %sign3A_1117 = arith.extui %sign3A_1116 : i1 to i32
        %sign3A_1118 = arith.subi %sign3A_1114, %sign3A_1117 : i32
        %sign3A_1119 = arith.constant 0 : i32
        %sign3A_1120 = arith.cmpi sgt, %jit3A_1110, %sign3A_1119 : i32
        %sign3A_1121 = arith.extui %sign3A_1120 : i1 to i32
        %sign3A_1122 = arith.constant 0 : i32
        %sign3A_1123 = arith.cmpi slt, %jit3A_1110, %sign3A_1122 : i32
        %sign3A_1124 = arith.extui %sign3A_1123 : i1 to i32
        %sign3A_1125 = arith.subi %sign3A_1121, %sign3A_1124 : i32
        %ne3A_1126 = arith.cmpi ne, %sign3A_1118, %sign3A_1125 : i32
        %rem3A_1127 = arith.remsi %add3A_251, %jit3A_1110 : i32
        %ne3A_1128 = arith.constant 0 : i32
        %ne3A_1129 = arith.cmpi ne, %rem3A_1127, %ne3A_1128 : i32
        %and3A_1130 = arith.andi %ne3A_1126, %ne3A_1129 : i1
        %sub3A_1131 = arith.constant 1 : i32
        %sub3A_1132 = arith.subi %div3A_1111, %sub3A_1131 : i32
        %select_n3A_1133 = arith.select %and3A_1130, %sub3A_1132, %div3A_1111 : i32
        %jit3A_1134 = arith.constant 128 : i32
        %eq3A_1135 = arith.constant 0 : i32
        %eq3A_1136 = arith.cmpi eq, %jit3A_1134, %eq3A_1135 : i32
        %jit3A_1137 = arith.constant 1 : i32
        %select_n3A_1138 = arith.select %eq3A_1136, %jit3A_1137, %jit3A_1134 : i32
        %rem3A_1139 = arith.remsi %add3A_251, %select_n3A_1138 : i32
        %ne3A_1140 = arith.constant 0 : i32
        %ne3A_1141 = arith.cmpi ne, %rem3A_1139, %ne3A_1140 : i32
        %lt3A_1142 = arith.constant 0 : i32
        %lt3A_1143 = arith.cmpi slt, %rem3A_1139, %lt3A_1142 : i32
        %lt3A_1144 = arith.constant 0 : i32
        %lt3A_1145 = arith.cmpi slt, %select_n3A_1138, %lt3A_1144 : i32
        %ne3A_1146 = arith.xori %lt3A_1143, %lt3A_1145 : i1
        %and3A_1147 = arith.andi %ne3A_1146, %ne3A_1141 : i1
        %add3A_1148 = arith.addi %rem3A_1139, %select_n3A_1138 : i32
        %select_n3A_1149 = arith.select %and3A_1147, %add3A_1148, %rem3A_1139 : i32
        %mul3A_1150 = arith.constant 64 : i32
        %mul3A_1151 = arith.muli %select_n3A_1133, %mul3A_1150 : i32
        %jit3A_1152 = arith.constant 32 : i32
        %div3A_1153 = arith.divsi %select_n3A_1149, %jit3A_1152 : i32
        %sign3A_1154 = arith.constant 0 : i32
        %sign3A_1155 = arith.cmpi sgt, %select_n3A_1149, %sign3A_1154 : i32
        %sign3A_1156 = arith.extui %sign3A_1155 : i1 to i32
        %sign3A_1157 = arith.constant 0 : i32
        %sign3A_1158 = arith.cmpi slt, %select_n3A_1149, %sign3A_1157 : i32
        %sign3A_1159 = arith.extui %sign3A_1158 : i1 to i32
        %sign3A_1160 = arith.subi %sign3A_1156, %sign3A_1159 : i32
        %sign3A_1161 = arith.constant 0 : i32
        %sign3A_1162 = arith.cmpi sgt, %jit3A_1152, %sign3A_1161 : i32
        %sign3A_1163 = arith.extui %sign3A_1162 : i1 to i32
        %sign3A_1164 = arith.constant 0 : i32
        %sign3A_1165 = arith.cmpi slt, %jit3A_1152, %sign3A_1164 : i32
        %sign3A_1166 = arith.extui %sign3A_1165 : i1 to i32
        %sign3A_1167 = arith.subi %sign3A_1163, %sign3A_1166 : i32
        %ne3A_1168 = arith.cmpi ne, %sign3A_1160, %sign3A_1167 : i32
        %rem3A_1169 = arith.remsi %select_n3A_1149, %jit3A_1152 : i32
        %ne3A_1170 = arith.constant 0 : i32
        %ne3A_1171 = arith.cmpi ne, %rem3A_1169, %ne3A_1170 : i32
        %and3A_1172 = arith.andi %ne3A_1168, %ne3A_1171 : i1
        %sub3A_1173 = arith.constant 1 : i32
        %sub3A_1174 = arith.subi %div3A_1153, %sub3A_1173 : i32
        %select_n3A_1175 = arith.select %and3A_1172, %sub3A_1174, %div3A_1153 : i32
        %jit3A_1176 = arith.constant 2 : i32
        %div3A_1177 = arith.divsi %select_n3A_1175, %jit3A_1176 : i32
        %sign3A_1178 = arith.constant 0 : i32
        %sign3A_1179 = arith.cmpi sgt, %select_n3A_1175, %sign3A_1178 : i32
        %sign3A_1180 = arith.extui %sign3A_1179 : i1 to i32
        %sign3A_1181 = arith.constant 0 : i32
        %sign3A_1182 = arith.cmpi slt, %select_n3A_1175, %sign3A_1181 : i32
        %sign3A_1183 = arith.extui %sign3A_1182 : i1 to i32
        %sign3A_1184 = arith.subi %sign3A_1180, %sign3A_1183 : i32
        %sign3A_1185 = arith.constant 0 : i32
        %sign3A_1186 = arith.cmpi sgt, %jit3A_1176, %sign3A_1185 : i32
        %sign3A_1187 = arith.extui %sign3A_1186 : i1 to i32
        %sign3A_1188 = arith.constant 0 : i32
        %sign3A_1189 = arith.cmpi slt, %jit3A_1176, %sign3A_1188 : i32
        %sign3A_1190 = arith.extui %sign3A_1189 : i1 to i32
        %sign3A_1191 = arith.subi %sign3A_1187, %sign3A_1190 : i32
        %ne3A_1192 = arith.cmpi ne, %sign3A_1184, %sign3A_1191 : i32
        %rem3A_1193 = arith.remsi %select_n3A_1175, %jit3A_1176 : i32
        %ne3A_1194 = arith.constant 0 : i32
        %ne3A_1195 = arith.cmpi ne, %rem3A_1193, %ne3A_1194 : i32
        %and3A_1196 = arith.andi %ne3A_1192, %ne3A_1195 : i1
        %sub3A_1197 = arith.constant 1 : i32
        %sub3A_1198 = arith.subi %div3A_1177, %sub3A_1197 : i32
        %select_n3A_1199 = arith.select %and3A_1196, %sub3A_1198, %div3A_1177 : i32
        %mul3A_1200 = arith.constant 32 : i32
        %mul3A_1201 = arith.muli %select_n3A_1199, %mul3A_1200 : i32
        %add3A_1202 = arith.addi %mul3A_1151, %mul3A_1201 : i32
        %jit3A_1203 = arith.constant 32 : i32
        %eq3A_1204 = arith.constant 0 : i32
        %eq3A_1205 = arith.cmpi eq, %jit3A_1203, %eq3A_1204 : i32
        %jit3A_1206 = arith.constant 1 : i32
        %select_n3A_1207 = arith.select %eq3A_1205, %jit3A_1206, %jit3A_1203 : i32
        %rem3A_1208 = arith.remsi %select_n3A_1149, %select_n3A_1207 : i32
        %ne3A_1209 = arith.constant 0 : i32
        %ne3A_1210 = arith.cmpi ne, %rem3A_1208, %ne3A_1209 : i32
        %lt3A_1211 = arith.constant 0 : i32
        %lt3A_1212 = arith.cmpi slt, %rem3A_1208, %lt3A_1211 : i32
        %lt3A_1213 = arith.constant 0 : i32
        %lt3A_1214 = arith.cmpi slt, %select_n3A_1207, %lt3A_1213 : i32
        %ne3A_1215 = arith.xori %lt3A_1212, %lt3A_1214 : i1
        %and3A_1216 = arith.andi %ne3A_1215, %ne3A_1210 : i1
        %add3A_1217 = arith.addi %rem3A_1208, %select_n3A_1207 : i32
        %select_n3A_1218 = arith.select %and3A_1216, %add3A_1217, %rem3A_1208 : i32
        %add3A_1219 = arith.addi %add3A_1202, %select_n3A_1218 : i32
        %ne3A_1220 = arith.cmpi ne, %add3A_1109, %add3A_1219 : i32
        %or3A_1221 = arith.constant false
        %or3A_1222 = arith.ori %or3A_1221, %ne3A_1220 : i1
        %or3A_1223 = arith.constant false
        %or3A_1224 = arith.ori %or3A_1222, %or3A_1223 : i1
        %not3A_1225 = arith.constant true
        %not3A_1226 = arith.xori %eq3A_239, %not3A_1225 : i1
        %and3A_1227 = arith.andi %or3A_1224, %not3A_1226 : i1
        %convert_element_type3A_1228 = arith.extui %and3A_1227 : i1 to i32
        %cond3A_1229 = arith.constant 0 : i32
        %cond3A_1230 = arith.cmpi ne, %convert_element_type3A_1228, %cond3A_1229 : i32
        scf.if %cond3A_1230 {
        } else {
        }
        %and3A_1231 = arith.constant false
        %and3A_1232 = arith.andi %and3A_1227, %and3A_1231 : i1
        %ne3A_1233 = arith.cmpi ne, %add3A_242, %add3A_251 : i32
        %or3A_1234 = arith.constant false
        %or3A_1235 = arith.ori %or3A_1234, %ne3A_1233 : i1
        %not3A_1236 = arith.constant true
        %not3A_1237 = arith.xori %eq3A_239, %not3A_1236 : i1
        %and3A_1238 = arith.andi %or3A_1235, %not3A_1237 : i1
        %convert_element_type3A_1239 = arith.extui %and3A_1238 : i1 to i32
        %cond3A_1240 = arith.constant 0 : i32
        %cond3A_1241 = arith.cmpi ne, %convert_element_type3A_1239, %cond3A_1240 : i32
        scf.if %cond3A_1241 {
        } else {
        }
        %and3A_1242 = arith.constant false
        %and3A_1243 = arith.andi %and3A_1238, %and3A_1242 : i1
        %jit3A_1244 = arith.constant 128 : i32
        %div3A_1245 = arith.divsi %add3A_242, %jit3A_1244 : i32
        %sign3A_1246 = arith.constant 0 : i32
        %sign3A_1247 = arith.cmpi sgt, %add3A_242, %sign3A_1246 : i32
        %sign3A_1248 = arith.extui %sign3A_1247 : i1 to i32
        %sign3A_1249 = arith.constant 0 : i32
        %sign3A_1250 = arith.cmpi slt, %add3A_242, %sign3A_1249 : i32
        %sign3A_1251 = arith.extui %sign3A_1250 : i1 to i32
        %sign3A_1252 = arith.subi %sign3A_1248, %sign3A_1251 : i32
        %sign3A_1253 = arith.constant 0 : i32
        %sign3A_1254 = arith.cmpi sgt, %jit3A_1244, %sign3A_1253 : i32
        %sign3A_1255 = arith.extui %sign3A_1254 : i1 to i32
        %sign3A_1256 = arith.constant 0 : i32
        %sign3A_1257 = arith.cmpi slt, %jit3A_1244, %sign3A_1256 : i32
        %sign3A_1258 = arith.extui %sign3A_1257 : i1 to i32
        %sign3A_1259 = arith.subi %sign3A_1255, %sign3A_1258 : i32
        %ne3A_1260 = arith.cmpi ne, %sign3A_1252, %sign3A_1259 : i32
        %rem3A_1261 = arith.remsi %add3A_242, %jit3A_1244 : i32
        %ne3A_1262 = arith.constant 0 : i32
        %ne3A_1263 = arith.cmpi ne, %rem3A_1261, %ne3A_1262 : i32
        %and3A_1264 = arith.andi %ne3A_1260, %ne3A_1263 : i1
        %sub3A_1265 = arith.constant 1 : i32
        %sub3A_1266 = arith.subi %div3A_1245, %sub3A_1265 : i32
        %select_n3A_1267 = arith.select %and3A_1264, %sub3A_1266, %div3A_1245 : i32
        %jit3A_1268 = arith.constant 128 : i32
        %eq3A_1269 = arith.constant 0 : i32
        %eq3A_1270 = arith.cmpi eq, %jit3A_1268, %eq3A_1269 : i32
        %jit3A_1271 = arith.constant 1 : i32
        %select_n3A_1272 = arith.select %eq3A_1270, %jit3A_1271, %jit3A_1268 : i32
        %rem3A_1273 = arith.remsi %add3A_242, %select_n3A_1272 : i32
        %ne3A_1274 = arith.constant 0 : i32
        %ne3A_1275 = arith.cmpi ne, %rem3A_1273, %ne3A_1274 : i32
        %lt3A_1276 = arith.constant 0 : i32
        %lt3A_1277 = arith.cmpi slt, %rem3A_1273, %lt3A_1276 : i32
        %lt3A_1278 = arith.constant 0 : i32
        %lt3A_1279 = arith.cmpi slt, %select_n3A_1272, %lt3A_1278 : i32
        %ne3A_1280 = arith.xori %lt3A_1277, %lt3A_1279 : i1
        %and3A_1281 = arith.andi %ne3A_1280, %ne3A_1275 : i1
        %add3A_1282 = arith.addi %rem3A_1273, %select_n3A_1272 : i32
        %select_n3A_1283 = arith.select %and3A_1281, %add3A_1282, %rem3A_1273 : i32
        %mul3A_1284 = arith.constant 64 : i32
        %mul3A_1285 = arith.muli %select_n3A_1267, %mul3A_1284 : i32
        %jit3A_1286 = arith.constant 32 : i32
        %div3A_1287 = arith.divsi %select_n3A_1283, %jit3A_1286 : i32
        %sign3A_1288 = arith.constant 0 : i32
        %sign3A_1289 = arith.cmpi sgt, %select_n3A_1283, %sign3A_1288 : i32
        %sign3A_1290 = arith.extui %sign3A_1289 : i1 to i32
        %sign3A_1291 = arith.constant 0 : i32
        %sign3A_1292 = arith.cmpi slt, %select_n3A_1283, %sign3A_1291 : i32
        %sign3A_1293 = arith.extui %sign3A_1292 : i1 to i32
        %sign3A_1294 = arith.subi %sign3A_1290, %sign3A_1293 : i32
        %sign3A_1295 = arith.constant 0 : i32
        %sign3A_1296 = arith.cmpi sgt, %jit3A_1286, %sign3A_1295 : i32
        %sign3A_1297 = arith.extui %sign3A_1296 : i1 to i32
        %sign3A_1298 = arith.constant 0 : i32
        %sign3A_1299 = arith.cmpi slt, %jit3A_1286, %sign3A_1298 : i32
        %sign3A_1300 = arith.extui %sign3A_1299 : i1 to i32
        %sign3A_1301 = arith.subi %sign3A_1297, %sign3A_1300 : i32
        %ne3A_1302 = arith.cmpi ne, %sign3A_1294, %sign3A_1301 : i32
        %rem3A_1303 = arith.remsi %select_n3A_1283, %jit3A_1286 : i32
        %ne3A_1304 = arith.constant 0 : i32
        %ne3A_1305 = arith.cmpi ne, %rem3A_1303, %ne3A_1304 : i32
        %and3A_1306 = arith.andi %ne3A_1302, %ne3A_1305 : i1
        %sub3A_1307 = arith.constant 1 : i32
        %sub3A_1308 = arith.subi %div3A_1287, %sub3A_1307 : i32
        %select_n3A_1309 = arith.select %and3A_1306, %sub3A_1308, %div3A_1287 : i32
        %jit3A_1310 = arith.constant 2 : i32
        %div3A_1311 = arith.divsi %select_n3A_1309, %jit3A_1310 : i32
        %sign3A_1312 = arith.constant 0 : i32
        %sign3A_1313 = arith.cmpi sgt, %select_n3A_1309, %sign3A_1312 : i32
        %sign3A_1314 = arith.extui %sign3A_1313 : i1 to i32
        %sign3A_1315 = arith.constant 0 : i32
        %sign3A_1316 = arith.cmpi slt, %select_n3A_1309, %sign3A_1315 : i32
        %sign3A_1317 = arith.extui %sign3A_1316 : i1 to i32
        %sign3A_1318 = arith.subi %sign3A_1314, %sign3A_1317 : i32
        %sign3A_1319 = arith.constant 0 : i32
        %sign3A_1320 = arith.cmpi sgt, %jit3A_1310, %sign3A_1319 : i32
        %sign3A_1321 = arith.extui %sign3A_1320 : i1 to i32
        %sign3A_1322 = arith.constant 0 : i32
        %sign3A_1323 = arith.cmpi slt, %jit3A_1310, %sign3A_1322 : i32
        %sign3A_1324 = arith.extui %sign3A_1323 : i1 to i32
        %sign3A_1325 = arith.subi %sign3A_1321, %sign3A_1324 : i32
        %ne3A_1326 = arith.cmpi ne, %sign3A_1318, %sign3A_1325 : i32
        %rem3A_1327 = arith.remsi %select_n3A_1309, %jit3A_1310 : i32
        %ne3A_1328 = arith.constant 0 : i32
        %ne3A_1329 = arith.cmpi ne, %rem3A_1327, %ne3A_1328 : i32
        %and3A_1330 = arith.andi %ne3A_1326, %ne3A_1329 : i1
        %sub3A_1331 = arith.constant 1 : i32
        %sub3A_1332 = arith.subi %div3A_1311, %sub3A_1331 : i32
        %select_n3A_1333 = arith.select %and3A_1330, %sub3A_1332, %div3A_1311 : i32
        %mul3A_1334 = arith.constant 32 : i32
        %mul3A_1335 = arith.muli %select_n3A_1333, %mul3A_1334 : i32
        %add3A_1336 = arith.addi %mul3A_1285, %mul3A_1335 : i32
        %jit3A_1337 = arith.constant 32 : i32
        %eq3A_1338 = arith.constant 0 : i32
        %eq3A_1339 = arith.cmpi eq, %jit3A_1337, %eq3A_1338 : i32
        %jit3A_1340 = arith.constant 1 : i32
        %select_n3A_1341 = arith.select %eq3A_1339, %jit3A_1340, %jit3A_1337 : i32
        %rem3A_1342 = arith.remsi %select_n3A_1283, %select_n3A_1341 : i32
        %ne3A_1343 = arith.constant 0 : i32
        %ne3A_1344 = arith.cmpi ne, %rem3A_1342, %ne3A_1343 : i32
        %lt3A_1345 = arith.constant 0 : i32
        %lt3A_1346 = arith.cmpi slt, %rem3A_1342, %lt3A_1345 : i32
        %lt3A_1347 = arith.constant 0 : i32
        %lt3A_1348 = arith.cmpi slt, %select_n3A_1341, %lt3A_1347 : i32
        %ne3A_1349 = arith.xori %lt3A_1346, %lt3A_1348 : i1
        %and3A_1350 = arith.andi %ne3A_1349, %ne3A_1344 : i1
        %add3A_1351 = arith.addi %rem3A_1342, %select_n3A_1341 : i32
        %select_n3A_1352 = arith.select %and3A_1350, %add3A_1351, %rem3A_1342 : i32
        %add3A_1353 = arith.addi %add3A_1336, %select_n3A_1352 : i32
        %jit3A_1354 = arith.constant 128 : i32
        %div3A_1355 = arith.divsi %add3A_260, %jit3A_1354 : i32
        %sign3A_1356 = arith.constant 0 : i32
        %sign3A_1357 = arith.cmpi sgt, %add3A_260, %sign3A_1356 : i32
        %sign3A_1358 = arith.extui %sign3A_1357 : i1 to i32
        %sign3A_1359 = arith.constant 0 : i32
        %sign3A_1360 = arith.cmpi slt, %add3A_260, %sign3A_1359 : i32
        %sign3A_1361 = arith.extui %sign3A_1360 : i1 to i32
        %sign3A_1362 = arith.subi %sign3A_1358, %sign3A_1361 : i32
        %sign3A_1363 = arith.constant 0 : i32
        %sign3A_1364 = arith.cmpi sgt, %jit3A_1354, %sign3A_1363 : i32
        %sign3A_1365 = arith.extui %sign3A_1364 : i1 to i32
        %sign3A_1366 = arith.constant 0 : i32
        %sign3A_1367 = arith.cmpi slt, %jit3A_1354, %sign3A_1366 : i32
        %sign3A_1368 = arith.extui %sign3A_1367 : i1 to i32
        %sign3A_1369 = arith.subi %sign3A_1365, %sign3A_1368 : i32
        %ne3A_1370 = arith.cmpi ne, %sign3A_1362, %sign3A_1369 : i32
        %rem3A_1371 = arith.remsi %add3A_260, %jit3A_1354 : i32
        %ne3A_1372 = arith.constant 0 : i32
        %ne3A_1373 = arith.cmpi ne, %rem3A_1371, %ne3A_1372 : i32
        %and3A_1374 = arith.andi %ne3A_1370, %ne3A_1373 : i1
        %sub3A_1375 = arith.constant 1 : i32
        %sub3A_1376 = arith.subi %div3A_1355, %sub3A_1375 : i32
        %select_n3A_1377 = arith.select %and3A_1374, %sub3A_1376, %div3A_1355 : i32
        %jit3A_1378 = arith.constant 128 : i32
        %eq3A_1379 = arith.constant 0 : i32
        %eq3A_1380 = arith.cmpi eq, %jit3A_1378, %eq3A_1379 : i32
        %jit3A_1381 = arith.constant 1 : i32
        %select_n3A_1382 = arith.select %eq3A_1380, %jit3A_1381, %jit3A_1378 : i32
        %rem3A_1383 = arith.remsi %add3A_260, %select_n3A_1382 : i32
        %ne3A_1384 = arith.constant 0 : i32
        %ne3A_1385 = arith.cmpi ne, %rem3A_1383, %ne3A_1384 : i32
        %lt3A_1386 = arith.constant 0 : i32
        %lt3A_1387 = arith.cmpi slt, %rem3A_1383, %lt3A_1386 : i32
        %lt3A_1388 = arith.constant 0 : i32
        %lt3A_1389 = arith.cmpi slt, %select_n3A_1382, %lt3A_1388 : i32
        %ne3A_1390 = arith.xori %lt3A_1387, %lt3A_1389 : i1
        %and3A_1391 = arith.andi %ne3A_1390, %ne3A_1385 : i1
        %add3A_1392 = arith.addi %rem3A_1383, %select_n3A_1382 : i32
        %select_n3A_1393 = arith.select %and3A_1391, %add3A_1392, %rem3A_1383 : i32
        %mul3A_1394 = arith.constant 64 : i32
        %mul3A_1395 = arith.muli %select_n3A_1377, %mul3A_1394 : i32
        %jit3A_1396 = arith.constant 32 : i32
        %div3A_1397 = arith.divsi %select_n3A_1393, %jit3A_1396 : i32
        %sign3A_1398 = arith.constant 0 : i32
        %sign3A_1399 = arith.cmpi sgt, %select_n3A_1393, %sign3A_1398 : i32
        %sign3A_1400 = arith.extui %sign3A_1399 : i1 to i32
        %sign3A_1401 = arith.constant 0 : i32
        %sign3A_1402 = arith.cmpi slt, %select_n3A_1393, %sign3A_1401 : i32
        %sign3A_1403 = arith.extui %sign3A_1402 : i1 to i32
        %sign3A_1404 = arith.subi %sign3A_1400, %sign3A_1403 : i32
        %sign3A_1405 = arith.constant 0 : i32
        %sign3A_1406 = arith.cmpi sgt, %jit3A_1396, %sign3A_1405 : i32
        %sign3A_1407 = arith.extui %sign3A_1406 : i1 to i32
        %sign3A_1408 = arith.constant 0 : i32
        %sign3A_1409 = arith.cmpi slt, %jit3A_1396, %sign3A_1408 : i32
        %sign3A_1410 = arith.extui %sign3A_1409 : i1 to i32
        %sign3A_1411 = arith.subi %sign3A_1407, %sign3A_1410 : i32
        %ne3A_1412 = arith.cmpi ne, %sign3A_1404, %sign3A_1411 : i32
        %rem3A_1413 = arith.remsi %select_n3A_1393, %jit3A_1396 : i32
        %ne3A_1414 = arith.constant 0 : i32
        %ne3A_1415 = arith.cmpi ne, %rem3A_1413, %ne3A_1414 : i32
        %and3A_1416 = arith.andi %ne3A_1412, %ne3A_1415 : i1
        %sub3A_1417 = arith.constant 1 : i32
        %sub3A_1418 = arith.subi %div3A_1397, %sub3A_1417 : i32
        %select_n3A_1419 = arith.select %and3A_1416, %sub3A_1418, %div3A_1397 : i32
        %jit3A_1420 = arith.constant 2 : i32
        %div3A_1421 = arith.divsi %select_n3A_1419, %jit3A_1420 : i32
        %sign3A_1422 = arith.constant 0 : i32
        %sign3A_1423 = arith.cmpi sgt, %select_n3A_1419, %sign3A_1422 : i32
        %sign3A_1424 = arith.extui %sign3A_1423 : i1 to i32
        %sign3A_1425 = arith.constant 0 : i32
        %sign3A_1426 = arith.cmpi slt, %select_n3A_1419, %sign3A_1425 : i32
        %sign3A_1427 = arith.extui %sign3A_1426 : i1 to i32
        %sign3A_1428 = arith.subi %sign3A_1424, %sign3A_1427 : i32
        %sign3A_1429 = arith.constant 0 : i32
        %sign3A_1430 = arith.cmpi sgt, %jit3A_1420, %sign3A_1429 : i32
        %sign3A_1431 = arith.extui %sign3A_1430 : i1 to i32
        %sign3A_1432 = arith.constant 0 : i32
        %sign3A_1433 = arith.cmpi slt, %jit3A_1420, %sign3A_1432 : i32
        %sign3A_1434 = arith.extui %sign3A_1433 : i1 to i32
        %sign3A_1435 = arith.subi %sign3A_1431, %sign3A_1434 : i32
        %ne3A_1436 = arith.cmpi ne, %sign3A_1428, %sign3A_1435 : i32
        %rem3A_1437 = arith.remsi %select_n3A_1419, %jit3A_1420 : i32
        %ne3A_1438 = arith.constant 0 : i32
        %ne3A_1439 = arith.cmpi ne, %rem3A_1437, %ne3A_1438 : i32
        %and3A_1440 = arith.andi %ne3A_1436, %ne3A_1439 : i1
        %sub3A_1441 = arith.constant 1 : i32
        %sub3A_1442 = arith.subi %div3A_1421, %sub3A_1441 : i32
        %select_n3A_1443 = arith.select %and3A_1440, %sub3A_1442, %div3A_1421 : i32
        %mul3A_1444 = arith.constant 32 : i32
        %mul3A_1445 = arith.muli %select_n3A_1443, %mul3A_1444 : i32
        %add3A_1446 = arith.addi %mul3A_1395, %mul3A_1445 : i32
        %jit3A_1447 = arith.constant 32 : i32
        %eq3A_1448 = arith.constant 0 : i32
        %eq3A_1449 = arith.cmpi eq, %jit3A_1447, %eq3A_1448 : i32
        %jit3A_1450 = arith.constant 1 : i32
        %select_n3A_1451 = arith.select %eq3A_1449, %jit3A_1450, %jit3A_1447 : i32
        %rem3A_1452 = arith.remsi %select_n3A_1393, %select_n3A_1451 : i32
        %ne3A_1453 = arith.constant 0 : i32
        %ne3A_1454 = arith.cmpi ne, %rem3A_1452, %ne3A_1453 : i32
        %lt3A_1455 = arith.constant 0 : i32
        %lt3A_1456 = arith.cmpi slt, %rem3A_1452, %lt3A_1455 : i32
        %lt3A_1457 = arith.constant 0 : i32
        %lt3A_1458 = arith.cmpi slt, %select_n3A_1451, %lt3A_1457 : i32
        %ne3A_1459 = arith.xori %lt3A_1456, %lt3A_1458 : i1
        %and3A_1460 = arith.andi %ne3A_1459, %ne3A_1454 : i1
        %add3A_1461 = arith.addi %rem3A_1452, %select_n3A_1451 : i32
        %select_n3A_1462 = arith.select %and3A_1460, %add3A_1461, %rem3A_1452 : i32
        %add3A_1463 = arith.addi %add3A_1446, %select_n3A_1462 : i32
        %ne3A_1464 = arith.cmpi ne, %add3A_1353, %add3A_1463 : i32
        %or3A_1465 = arith.constant false
        %or3A_1466 = arith.ori %or3A_1465, %ne3A_1464 : i1
        %or3A_1467 = arith.constant false
        %or3A_1468 = arith.ori %or3A_1466, %or3A_1467 : i1
        %or3A_1469 = arith.ori %or3A_1468, %eq3A_241 : i1
        %add3A_1470 = arith.constant 1 : i32
        %add3A_1471 = arith.addi %scan3A_234, %add3A_1470 : i32
        %select_n3A_1472 = arith.select %or3A_1469, %add3A_1471, %scan3A_234 : i32
        %ne3A_1473 = arith.cmpi ne, %add3A_242, %add3A_260 : i32
        %or3A_1474 = arith.constant false
        %or3A_1475 = arith.ori %or3A_1474, %ne3A_1473 : i1
        %or3A_1476 = arith.ori %or3A_1475, %eq3A_241 : i1
        %add3A_1477 = arith.constant 1 : i32
        %add3A_1478 = arith.addi %scan3A_236, %add3A_1477 : i32
        %select_n3A_1479 = arith.select %or3A_1476, %add3A_1478, %scan3A_236 : i32
        %add3A_1480 = arith.constant 1 : i32
        %add3A_1481 = arith.addi %scan3A_237, %add3A_1480 : i32
        %select_n3A_1482 = arith.constant true
        %select_n3A_1483 = arith.select %select_n3A_1482, %add3A_1481, %scan3A_237 : i32
        %eq3A_1484 = arith.constant 16 : i32
        %eq3A_1485 = arith.cmpi eq, %select_n3A_1483, %eq3A_1484 : i32
        %select_n3A_1486 = arith.constant 0 : i32
        %select_n3A_1487 = arith.select %eq3A_1485, %select_n3A_1486, %select_n3A_1483 : i32
        scf.yield %select_n3A_502, %select_n3A_1472, %select_n3A_518, %select_n3A_1479, %select_n3A_1487 : i32, i32, i32, i32, i32
      }
      %scan3A_195 = arith.constant 16 : i32
      %sub3A_196 = arith.constant 1 : i32
      %sub3A_197 = arith.subi %scan3A_194#4, %sub3A_196 : i32
      %select_n3A_198 = arith.constant true
      %select_n3A_199 = arith.select %select_n3A_198, %sub3A_197, %scan3A_194#4 : i32
      %eq3A_200 = arith.constant -1 : i32
      %eq3A_201 = arith.cmpi eq, %select_n3A_199, %eq3A_200 : i32
      %select_n3A_202 = arith.constant 15 : i32
      %select_n3A_203 = arith.select %eq3A_201, %select_n3A_202, %select_n3A_199 : i32
      %add3A_204 = arith.addi %select_n3A_203, %mul3A_6 : i32
      %sub3A_205 = arith.constant 1 : i32
      %sub3A_206 = arith.subi %select_n3A_203, %sub3A_205 : i32
      %select_n3A_207 = arith.constant true
      %select_n3A_208 = arith.select %select_n3A_207, %sub3A_206, %select_n3A_203 : i32
      %eq3A_209 = arith.constant -1 : i32
      %eq3A_210 = arith.cmpi eq, %select_n3A_208, %eq3A_209 : i32
      %select_n3A_211 = arith.constant 15 : i32
      %select_n3A_212 = arith.select %eq3A_210, %select_n3A_211, %select_n3A_208 : i32
      %add3A_213 = arith.addi %select_n3A_212, %mul3A_6 : i32
      %add3A_214 = arith.constant 1 : i32
      %add3A_215 = arith.addi %select_n3A_203, %add3A_214 : i32
      %select_n3A_216 = arith.constant true
      %select_n3A_217 = arith.select %select_n3A_216, %add3A_215, %select_n3A_203 : i32
      %eq3A_218 = arith.constant 16 : i32
      %eq3A_219 = arith.cmpi eq, %select_n3A_217, %eq3A_218 : i32
      %select_n3A_220 = arith.constant 0 : i32
      %select_n3A_221 = arith.select %eq3A_219, %select_n3A_220, %select_n3A_217 : i32
      %add3A_222 = arith.addi %select_n3A_221, %mul3A_6 : i32
      %add3A_223 = arith.constant 1 : i32
      %add3A_224 = arith.addi %select_n3A_221, %add3A_223 : i32
      %select_n3A_225 = arith.constant true
      %select_n3A_226 = arith.select %select_n3A_225, %add3A_224, %select_n3A_221 : i32
      %eq3A_227 = arith.constant 16 : i32
      %eq3A_228 = arith.cmpi eq, %select_n3A_226, %eq3A_227 : i32
      %select_n3A_229 = arith.constant 0 : i32
      %select_n3A_230 = arith.select %eq3A_228, %select_n3A_229, %select_n3A_226 : i32
      %add3A_231 = arith.addi %select_n3A_230, %mul3A_6 : i32
      tpu.yield
    }) : () -> ()
    return
  }
}

module attributes {stable_mosaic.version = 14 : i64} {
  func.func @_gate_kernel(%arg0: i32, %arg1: memref<256x1024xf32, #tpu.memory_space<vmem>>, %arg2: memref<1x1024xf32, #tpu.memory_space<vmem>>, %arg3: memref<1x1024xf32, #tpu.memory_space<vmem>>, %arg4: memref<1024x8xf32, #tpu.memory_space<vmem>>, %arg5: memref<1x8xf32, #tpu.memory_space<vmem>>, %arg6: memref<1x1024xf32, #tpu.memory_space<vmem>>, %arg7: memref<1x1024xf32, #tpu.memory_space<vmem>>, %arg8: memref<1024x8xf32, #tpu.memory_space<vmem>>, %arg9: memref<1x8xf32, #tpu.memory_space<vmem>>, %arg10: memref<4x2x256x256xf32, #tpu.memory_space<vmem>>, %arg11: memref<256x8xi32, #tpu.memory_space<vmem>>, %arg12: memref<256x8xf32, #tpu.memory_space<vmem>>) attributes {dimension_semantics = [#tpu.dimension_semantics<arbitrary>], iteration_bounds = array<i64: 16>, scalar_prefetch = 0 : i64, scratch_operands = 0 : i64, tpu.core_type = #tpu.core_type<tc>, window_params = [{transform_indices = @transform_0, window_bounds = array<i64: 256, 1024>}, {pipeline_mode = #tpu.pipeline_mode<synchronous>, transform_indices = @transform_1, window_bounds = array<i64: 1, 1024>}, {pipeline_mode = #tpu.pipeline_mode<synchronous>, transform_indices = @transform_2, window_bounds = array<i64: 1, 1024>}, {pipeline_mode = #tpu.pipeline_mode<synchronous>, transform_indices = @transform_3, window_bounds = array<i64: 1024, 8>}, {pipeline_mode = #tpu.pipeline_mode<synchronous>, transform_indices = @transform_4, window_bounds = array<i64: 1, 8>}, {pipeline_mode = #tpu.pipeline_mode<synchronous>, transform_indices = @transform_5, window_bounds = array<i64: 1, 1024>}, {pipeline_mode = #tpu.pipeline_mode<synchronous>, transform_indices = @transform_6, window_bounds = array<i64: 1, 1024>}, {pipeline_mode = #tpu.pipeline_mode<synchronous>, transform_indices = @transform_7, window_bounds = array<i64: 1024, 8>}, {pipeline_mode = #tpu.pipeline_mode<synchronous>, transform_indices = @transform_8, window_bounds = array<i64: 1, 8>}, {transform_indices = @transform_9, window_bounds = array<i64: 4, 2, 256, 256>}, {transform_indices = @transform_10, window_bounds = array<i64: 256, 8>}, {transform_indices = @transform_11, window_bounds = array<i64: 256, 8>}]} {
    %get3A = arith.constant 0 : index
    %get3A_0 = arith.constant 0 : index
    %get3A_1 = vector.load %arg1[%get3A, %get3A_0] : memref<256x1024xf32, #tpu.memory_space<vmem>>, vector<256x1024xf32>
    %reduce_sum3A = arith.constant dense<0.000000e+00> : vector<256xf32>
    %reduce_sum3A_2 = vector.multi_reduction <add>, %get3A_1, %reduce_sum3A [1] : vector<256x1024xf32> to vector<256xf32>
    %broadcast_in_dim3A = vector.shape_cast %reduce_sum3A_2 : vector<256xf32> to vector<256x1xf32>
    %div3A = arith.constant 1.024000e+03 : f32
    %div3A_3 = vector.broadcast %div3A : f32 to vector<256x1xf32>
    %div3A_4 = arith.divf %broadcast_in_dim3A, %div3A_3 : vector<256x1xf32>
    %sub3A = vector.broadcast %div3A_4 : vector<256x1xf32> to vector<256x1024xf32>
    %sub3A_5 = arith.subf %get3A_1, %sub3A : vector<256x1024xf32>
    %mul3A = arith.mulf %sub3A_5, %sub3A_5 : vector<256x1024xf32>
    %reduce_sum3A_6 = arith.constant dense<0.000000e+00> : vector<256xf32>
    %reduce_sum3A_7 = vector.multi_reduction <add>, %mul3A, %reduce_sum3A_6 [1] : vector<256x1024xf32> to vector<256xf32>
    %broadcast_in_dim3A_8 = vector.shape_cast %reduce_sum3A_7 : vector<256xf32> to vector<256x1xf32>
    %div3A_9 = arith.constant 1.024000e+03 : f32
    %div3A_10 = vector.broadcast %div3A_9 : f32 to vector<256x1xf32>
    %div3A_11 = arith.divf %broadcast_in_dim3A_8, %div3A_10 : vector<256x1xf32>
    %add3A = arith.constant 9.99999974E-6 : f32
    %add3A_12 = vector.broadcast %add3A : f32 to vector<256x1xf32>
    %add3A_13 = arith.addf %div3A_11, %add3A_12 : vector<256x1xf32>
    %rsqrt3A = math.rsqrt %add3A_13 : vector<256x1xf32>
    %mul3A_14 = vector.broadcast %rsqrt3A : vector<256x1xf32> to vector<256x1024xf32>
    %mul3A_15 = arith.mulf %sub3A_5, %mul3A_14 : vector<256x1024xf32>
    %iota3A = tpu.iota {dimensions = array<i32: 1>} : vector<256x8xi32>
    %iota3A_16 = tpu.iota {dimensions = array<i32: 1>} : vector<256x8xi32>
    %broadcast_in_dim3A_17 = arith.constant 0 : i32
    %broadcast_in_dim3A_18 = vector.broadcast %broadcast_in_dim3A_17 : i32 to vector<256x8xi32>
    %broadcast_in_dim3A_19 = arith.constant 0.000000e+00 : f32
    %broadcast_in_dim3A_20 = vector.broadcast %broadcast_in_dim3A_19 : f32 to vector<256x8xf32>
    %get3A_21 = arith.constant 0 : index
    %get3A_22 = arith.constant 0 : index
    %get3A_23 = vector.load %arg2[%get3A_21, %get3A_22] : memref<1x1024xf32, #tpu.memory_space<vmem>>, vector<1x1024xf32>
    %mul3A_24 = vector.broadcast %get3A_23 : vector<1x1024xf32> to vector<256x1024xf32>
    %mul3A_25 = arith.mulf %mul3A_15, %mul3A_24 : vector<256x1024xf32>
    %get3A_26 = arith.constant 0 : index
    %get3A_27 = arith.constant 0 : index
    %get3A_28 = vector.load %arg3[%get3A_26, %get3A_27] : memref<1x1024xf32, #tpu.memory_space<vmem>>, vector<1x1024xf32>
    %add3A_29 = vector.broadcast %get3A_28 : vector<1x1024xf32> to vector<256x1024xf32>
    %add3A_30 = arith.addf %mul3A_25, %add3A_29 : vector<256x1024xf32>
    %slice3A = vector.extract_strided_slice %add3A_30 {offsets = [0, 0], sizes = [256, 256], strides = [1, 1]} : vector<256x1024xf32> to vector<256x256xf32>
    %swap3A = arith.constant 0 : index
    %swap3A_31 = arith.constant 0 : index
    %swap3A_32 = arith.constant 0 : index
    %swap3A_33 = arith.constant 0 : index
    %swap3A_34 = vector.load %arg10[%swap3A, %swap3A_31, %swap3A_32, %swap3A_33] : memref<4x2x256x256xf32, #tpu.memory_space<vmem>>, vector<1x1x256x256xf32>
    %swap3A_35 = vector.shape_cast %swap3A_34 : vector<1x1x256x256xf32> to vector<256x256xf32>
    %swap3A_36 = vector.shape_cast %slice3A : vector<256x256xf32> to vector<1x1x256x256xf32>
    tpu.vector_store %arg10[%swap3A, %swap3A_31, %swap3A_32, %swap3A_33], %swap3A_36 {strides = array<i32>} : memref<4x2x256x256xf32, #tpu.memory_space<vmem>>, vector<1x1x256x256xf32>,
    %slice3A_37 = vector.extract_strided_slice %add3A_30 {offsets = [0, 256], sizes = [256, 256], strides = [1, 1]} : vector<256x1024xf32> to vector<256x256xf32>
    %swap3A_38 = arith.constant 1 : index
    %swap3A_39 = arith.constant 0 : index
    %swap3A_40 = arith.constant 0 : index
    %swap3A_41 = arith.constant 0 : index
    %swap3A_42 = vector.load %arg10[%swap3A_38, %swap3A_39, %swap3A_40, %swap3A_41] : memref<4x2x256x256xf32, #tpu.memory_space<vmem>>, vector<1x1x256x256xf32>
    %swap3A_43 = vector.shape_cast %swap3A_42 : vector<1x1x256x256xf32> to vector<256x256xf32>
    %swap3A_44 = vector.shape_cast %slice3A_37 : vector<256x256xf32> to vector<1x1x256x256xf32>
    tpu.vector_store %arg10[%swap3A_38, %swap3A_39, %swap3A_40, %swap3A_41], %swap3A_44 {strides = array<i32>} : memref<4x2x256x256xf32, #tpu.memory_space<vmem>>, vector<1x1x256x256xf32>,
    %slice3A_45 = vector.extract_strided_slice %add3A_30 {offsets = [0, 512], sizes = [256, 256], strides = [1, 1]} : vector<256x1024xf32> to vector<256x256xf32>
    %swap3A_46 = arith.constant 2 : index
    %swap3A_47 = arith.constant 0 : index
    %swap3A_48 = arith.constant 0 : index
    %swap3A_49 = arith.constant 0 : index
    %swap3A_50 = vector.load %arg10[%swap3A_46, %swap3A_47, %swap3A_48, %swap3A_49] : memref<4x2x256x256xf32, #tpu.memory_space<vmem>>, vector<1x1x256x256xf32>
    %swap3A_51 = vector.shape_cast %swap3A_50 : vector<1x1x256x256xf32> to vector<256x256xf32>
    %swap3A_52 = vector.shape_cast %slice3A_45 : vector<256x256xf32> to vector<1x1x256x256xf32>
    tpu.vector_store %arg10[%swap3A_46, %swap3A_47, %swap3A_48, %swap3A_49], %swap3A_52 {strides = array<i32>} : memref<4x2x256x256xf32, #tpu.memory_space<vmem>>, vector<1x1x256x256xf32>,
    %slice3A_53 = vector.extract_strided_slice %add3A_30 {offsets = [0, 768], sizes = [256, 256], strides = [1, 1]} : vector<256x1024xf32> to vector<256x256xf32>
    %swap3A_54 = arith.constant 3 : index
    %swap3A_55 = arith.constant 0 : index
    %swap3A_56 = arith.constant 0 : index
    %swap3A_57 = arith.constant 0 : index
    %swap3A_58 = vector.load %arg10[%swap3A_54, %swap3A_55, %swap3A_56, %swap3A_57] : memref<4x2x256x256xf32, #tpu.memory_space<vmem>>, vector<1x1x256x256xf32>
    %swap3A_59 = vector.shape_cast %swap3A_58 : vector<1x1x256x256xf32> to vector<256x256xf32>
    %swap3A_60 = vector.shape_cast %slice3A_53 : vector<256x256xf32> to vector<1x1x256x256xf32>
    tpu.vector_store %arg10[%swap3A_54, %swap3A_55, %swap3A_56, %swap3A_57], %swap3A_60 {strides = array<i32>} : memref<4x2x256x256xf32, #tpu.memory_space<vmem>>, vector<1x1x256x256xf32>,
    %get3A_61 = arith.constant 0 : index
    %get3A_62 = arith.constant 0 : index
    %get3A_63 = vector.load %arg4[%get3A_61, %get3A_62] : memref<1024x8xf32, #tpu.memory_space<vmem>>, vector<1024x8xf32>
    %dot_general3A = arith.constant dense<0.000000e+00> : vector<256x8xf32>
    %dot_general3A_64 = tpu.matmul %add3A_30, %get3A_63, %dot_general3A {dimension_numbers = #tpu.dot_dimension_numbers<[1], [0], [0], [1], [0, 0, 1, 1], [], []>, transpose_lhs_hint = false} : vector<256x1024xf32>, vector<1024x8xf32>, vector<256x8xf32> -> vector<256x8xf32>
    %get3A_65 = arith.constant 0 : index
    %get3A_66 = arith.constant 0 : index
    %get3A_67 = vector.load %arg5[%get3A_65, %get3A_66] : memref<1x8xf32, #tpu.memory_space<vmem>>, vector<1x8xf32>
    %add3A_68 = vector.broadcast %get3A_67 : vector<1x8xf32> to vector<256x8xf32>
    %add3A_69 = arith.addf %dot_general3A_64, %add3A_68 : vector<256x8xf32>
    %reduce_max3A = arith.constant dense<0xFF800000> : vector<256xf32>
    %reduce_max3A_70 = vector.multi_reduction <maximumf>, %add3A_69, %reduce_max3A [1] : vector<256x8xf32> to vector<256xf32>
    %broadcast_in_dim3A_71 = vector.shape_cast %reduce_max3A_70 : vector<256xf32> to vector<256x1xf32>
    %sub3A_72 = vector.broadcast %broadcast_in_dim3A_71 : vector<256x1xf32> to vector<256x8xf32>
    %sub3A_73 = arith.subf %add3A_69, %sub3A_72 : vector<256x8xf32>
    %exp3A = math.exp %sub3A_73 : vector<256x8xf32>
    %reduce_sum3A_74 = arith.constant dense<0.000000e+00> : vector<256xf32>
    %reduce_sum3A_75 = vector.multi_reduction <add>, %exp3A, %reduce_sum3A_74 [1] : vector<256x8xf32> to vector<256xf32>
    %broadcast_in_dim3A_76 = vector.shape_cast %reduce_sum3A_75 : vector<256xf32> to vector<256x1xf32>
    %div3A_77 = vector.broadcast %broadcast_in_dim3A_76 : vector<256x1xf32> to vector<256x8xf32>
    %div3A_78 = arith.divf %exp3A, %div3A_77 : vector<256x8xf32>
    %reduce_max3A_79 = arith.constant dense<0xFF800000> : vector<256xf32>
    %reduce_max3A_80 = vector.multi_reduction <maximumf>, %div3A_78, %reduce_max3A_79 [1] : vector<256x8xf32> to vector<256xf32>
    %broadcast_in_dim3A_81 = vector.shape_cast %reduce_max3A_80 : vector<256xf32> to vector<256x1xf32>
    %ge3A = vector.broadcast %broadcast_in_dim3A_81 : vector<256x1xf32> to vector<256x8xf32>
    %ge3A_82 = arith.cmpf oge, %div3A_78, %ge3A : vector<256x8xf32>
    %jit3A = arith.constant 8 : i32
    %broadcast_in_dim3A_83 = vector.broadcast %jit3A : i32 to vector<256x8xi32>
    %select_n3A = arith.select %ge3A_82, %iota3A, %broadcast_in_dim3A_83 : vector<256x8xi1>, vector<256x8xi32>
    %reduce_min3A = arith.constant dense<2147483647> : vector<256xi32>
    %reduce_min3A_84 = vector.multi_reduction <minsi>, %select_n3A, %reduce_min3A [1] : vector<256x8xi32> to vector<256xi32>
    %broadcast_in_dim3A_85 = vector.shape_cast %reduce_min3A_84 : vector<256xi32> to vector<256x1xi32>
    %eq3A = vector.broadcast %broadcast_in_dim3A_85 : vector<256x1xi32> to vector<256x8xi32>
    %eq3A_86 = arith.cmpi eq, %iota3A, %eq3A : vector<256x8xi32>
    %jit3A_87 = arith.constant -1.000000e+30 : f32
    %broadcast_in_dim3A_88 = vector.broadcast %jit3A_87 : f32 to vector<256x8xf32>
    %select_n3A_89 = arith.select %eq3A_86, %broadcast_in_dim3A_88, %div3A_78 : vector<256x8xi1>, vector<256x8xf32>
    %reduce_max3A_90 = arith.constant dense<0xFF800000> : vector<256xf32>
    %reduce_max3A_91 = vector.multi_reduction <maximumf>, %select_n3A_89, %reduce_max3A_90 [1] : vector<256x8xf32> to vector<256xf32>
    %broadcast_in_dim3A_92 = vector.shape_cast %reduce_max3A_91 : vector<256xf32> to vector<256x1xf32>
    %ge3A_93 = vector.broadcast %broadcast_in_dim3A_92 : vector<256x1xf32> to vector<256x8xf32>
    %ge3A_94 = arith.cmpf oge, %select_n3A_89, %ge3A_93 : vector<256x8xf32>
    %jit3A_95 = arith.constant 8 : i32
    %broadcast_in_dim3A_96 = vector.broadcast %jit3A_95 : i32 to vector<256x8xi32>
    %select_n3A_97 = arith.select %ge3A_94, %iota3A, %broadcast_in_dim3A_96 : vector<256x8xi1>, vector<256x8xi32>
    %reduce_min3A_98 = arith.constant dense<2147483647> : vector<256xi32>
    %reduce_min3A_99 = vector.multi_reduction <minsi>, %select_n3A_97, %reduce_min3A_98 [1] : vector<256x8xi32> to vector<256xi32>
    %broadcast_in_dim3A_100 = vector.shape_cast %reduce_min3A_99 : vector<256xi32> to vector<256x1xi32>
    %eq3A_101 = arith.constant 0 : i32
    %eq3A_102 = vector.broadcast %eq3A_101 : i32 to vector<256x8xi32>
    %eq3A_103 = arith.cmpi eq, %iota3A_16, %eq3A_102 : vector<256x8xi32>
    %add3A_104 = arith.constant 0 : i32
    %add3A_105 = vector.broadcast %add3A_104 : i32 to vector<256x1xi32>
    %add3A_106 = arith.addi %broadcast_in_dim3A_85, %add3A_105 : vector<256x1xi32>
    %jit3A_107 = arith.constant 0 : i32
    %broadcast_in_dim3A_108 = vector.shape_cast %add3A_106 : vector<256x1xi32> to vector<256x1xi32>
    %broadcast_in_dim3A_109 = vector.broadcast %broadcast_in_dim3A_108 : vector<256x1xi32> to vector<256x8xi32>
    %broadcast_in_dim3A_110 = vector.broadcast %jit3A_107 : i32 to vector<256x8xi32>
    %select_n3A_111 = arith.select %eq3A_103, %broadcast_in_dim3A_109, %broadcast_in_dim3A_110 : vector<256x8xi1>, vector<256x8xi32>
    %add3A_112 = arith.addi %broadcast_in_dim3A_18, %select_n3A_111 : vector<256x8xi32>
    %eq3A_113 = arith.constant 1 : i32
    %eq3A_114 = vector.broadcast %eq3A_113 : i32 to vector<256x8xi32>
    %eq3A_115 = arith.cmpi eq, %iota3A_16, %eq3A_114 : vector<256x8xi32>
    %add3A_116 = arith.constant 0 : i32
    %add3A_117 = vector.broadcast %add3A_116 : i32 to vector<256x1xi32>
    %add3A_118 = arith.addi %broadcast_in_dim3A_100, %add3A_117 : vector<256x1xi32>
    %jit3A_119 = arith.constant 0 : i32
    %broadcast_in_dim3A_120 = vector.shape_cast %add3A_118 : vector<256x1xi32> to vector<256x1xi32>
    %broadcast_in_dim3A_121 = vector.broadcast %broadcast_in_dim3A_120 : vector<256x1xi32> to vector<256x8xi32>
    %broadcast_in_dim3A_122 = vector.broadcast %jit3A_119 : i32 to vector<256x8xi32>
    %select_n3A_123 = arith.select %eq3A_115, %broadcast_in_dim3A_121, %broadcast_in_dim3A_122 : vector<256x8xi1>, vector<256x8xi32>
    %add3A_124 = arith.addi %add3A_112, %select_n3A_123 : vector<256x8xi32>
    %eq3A_125 = arith.constant 0 : i32
    %eq3A_126 = vector.broadcast %eq3A_125 : i32 to vector<256x8xi32>
    %eq3A_127 = arith.cmpi eq, %iota3A_16, %eq3A_126 : vector<256x8xi32>
    %jit3A_128 = arith.constant 0.000000e+00 : f32
    %broadcast_in_dim3A_129 = vector.shape_cast %broadcast_in_dim3A_81 : vector<256x1xf32> to vector<256x1xf32>
    %broadcast_in_dim3A_130 = vector.broadcast %broadcast_in_dim3A_129 : vector<256x1xf32> to vector<256x8xf32>
    %broadcast_in_dim3A_131 = vector.broadcast %jit3A_128 : f32 to vector<256x8xf32>
    %select_n3A_132 = arith.select %eq3A_127, %broadcast_in_dim3A_130, %broadcast_in_dim3A_131 : vector<256x8xi1>, vector<256x8xf32>
    %add3A_133 = arith.addf %broadcast_in_dim3A_20, %select_n3A_132 : vector<256x8xf32>
    %eq3A_134 = arith.constant 1 : i32
    %eq3A_135 = vector.broadcast %eq3A_134 : i32 to vector<256x8xi32>
    %eq3A_136 = arith.cmpi eq, %iota3A_16, %eq3A_135 : vector<256x8xi32>
    %jit3A_137 = arith.constant 0.000000e+00 : f32
    %broadcast_in_dim3A_138 = vector.shape_cast %broadcast_in_dim3A_92 : vector<256x1xf32> to vector<256x1xf32>
    %broadcast_in_dim3A_139 = vector.broadcast %broadcast_in_dim3A_138 : vector<256x1xf32> to vector<256x8xf32>
    %broadcast_in_dim3A_140 = vector.broadcast %jit3A_137 : f32 to vector<256x8xf32>
    %select_n3A_141 = arith.select %eq3A_136, %broadcast_in_dim3A_139, %broadcast_in_dim3A_140 : vector<256x8xi1>, vector<256x8xf32>
    %add3A_142 = arith.addf %add3A_133, %select_n3A_141 : vector<256x8xf32>
    %get3A_143 = arith.constant 0 : index
    %get3A_144 = arith.constant 0 : index
    %get3A_145 = vector.load %arg6[%get3A_143, %get3A_144] : memref<1x1024xf32, #tpu.memory_space<vmem>>, vector<1x1024xf32>
    %mul3A_146 = vector.broadcast %get3A_145 : vector<1x1024xf32> to vector<256x1024xf32>
    %mul3A_147 = arith.mulf %mul3A_15, %mul3A_146 : vector<256x1024xf32>
    %get3A_148 = arith.constant 0 : index
    %get3A_149 = arith.constant 0 : index
    %get3A_150 = vector.load %arg7[%get3A_148, %get3A_149] : memref<1x1024xf32, #tpu.memory_space<vmem>>, vector<1x1024xf32>
    %add3A_151 = vector.broadcast %get3A_150 : vector<1x1024xf32> to vector<256x1024xf32>
    %add3A_152 = arith.addf %mul3A_147, %add3A_151 : vector<256x1024xf32>
    %slice3A_153 = vector.extract_strided_slice %add3A_152 {offsets = [0, 0], sizes = [256, 256], strides = [1, 1]} : vector<256x1024xf32> to vector<256x256xf32>
    %swap3A_154 = arith.constant 0 : index
    %swap3A_155 = arith.constant 1 : index
    %swap3A_156 = arith.constant 0 : index
    %swap3A_157 = arith.constant 0 : index
    %swap3A_158 = vector.load %arg10[%swap3A_154, %swap3A_155, %swap3A_156, %swap3A_157] : memref<4x2x256x256xf32, #tpu.memory_space<vmem>>, vector<1x1x256x256xf32>
    %swap3A_159 = vector.shape_cast %swap3A_158 : vector<1x1x256x256xf32> to vector<256x256xf32>
    %swap3A_160 = vector.shape_cast %slice3A_153 : vector<256x256xf32> to vector<1x1x256x256xf32>
    tpu.vector_store %arg10[%swap3A_154, %swap3A_155, %swap3A_156, %swap3A_157], %swap3A_160 {strides = array<i32>} : memref<4x2x256x256xf32, #tpu.memory_space<vmem>>, vector<1x1x256x256xf32>,
    %slice3A_161 = vector.extract_strided_slice %add3A_152 {offsets = [0, 256], sizes = [256, 256], strides = [1, 1]} : vector<256x1024xf32> to vector<256x256xf32>
    %swap3A_162 = arith.constant 1 : index
    %swap3A_163 = arith.constant 1 : index
    %swap3A_164 = arith.constant 0 : index
    %swap3A_165 = arith.constant 0 : index
    %swap3A_166 = vector.load %arg10[%swap3A_162, %swap3A_163, %swap3A_164, %swap3A_165] : memref<4x2x256x256xf32, #tpu.memory_space<vmem>>, vector<1x1x256x256xf32>
    %swap3A_167 = vector.shape_cast %swap3A_166 : vector<1x1x256x256xf32> to vector<256x256xf32>
    %swap3A_168 = vector.shape_cast %slice3A_161 : vector<256x256xf32> to vector<1x1x256x256xf32>
    tpu.vector_store %arg10[%swap3A_162, %swap3A_163, %swap3A_164, %swap3A_165], %swap3A_168 {strides = array<i32>} : memref<4x2x256x256xf32, #tpu.memory_space<vmem>>, vector<1x1x256x256xf32>,
    %slice3A_169 = vector.extract_strided_slice %add3A_152 {offsets = [0, 512], sizes = [256, 256], strides = [1, 1]} : vector<256x1024xf32> to vector<256x256xf32>
    %swap3A_170 = arith.constant 2 : index
    %swap3A_171 = arith.constant 1 : index
    %swap3A_172 = arith.constant 0 : index
    %swap3A_173 = arith.constant 0 : index
    %swap3A_174 = vector.load %arg10[%swap3A_170, %swap3A_171, %swap3A_172, %swap3A_173] : memref<4x2x256x256xf32, #tpu.memory_space<vmem>>, vector<1x1x256x256xf32>
    %swap3A_175 = vector.shape_cast %swap3A_174 : vector<1x1x256x256xf32> to vector<256x256xf32>
    %swap3A_176 = vector.shape_cast %slice3A_169 : vector<256x256xf32> to vector<1x1x256x256xf32>
    tpu.vector_store %arg10[%swap3A_170, %swap3A_171, %swap3A_172, %swap3A_173], %swap3A_176 {strides = array<i32>} : memref<4x2x256x256xf32, #tpu.memory_space<vmem>>, vector<1x1x256x256xf32>,
    %slice3A_177 = vector.extract_strided_slice %add3A_152 {offsets = [0, 768], sizes = [256, 256], strides = [1, 1]} : vector<256x1024xf32> to vector<256x256xf32>
    %swap3A_178 = arith.constant 3 : index
    %swap3A_179 = arith.constant 1 : index
    %swap3A_180 = arith.constant 0 : index
    %swap3A_181 = arith.constant 0 : index
    %swap3A_182 = vector.load %arg10[%swap3A_178, %swap3A_179, %swap3A_180, %swap3A_181] : memref<4x2x256x256xf32, #tpu.memory_space<vmem>>, vector<1x1x256x256xf32>
    %swap3A_183 = vector.shape_cast %swap3A_182 : vector<1x1x256x256xf32> to vector<256x256xf32>
    %swap3A_184 = vector.shape_cast %slice3A_177 : vector<256x256xf32> to vector<1x1x256x256xf32>
    tpu.vector_store %arg10[%swap3A_178, %swap3A_179, %swap3A_180, %swap3A_181], %swap3A_184 {strides = array<i32>} : memref<4x2x256x256xf32, #tpu.memory_space<vmem>>, vector<1x1x256x256xf32>,
    %get3A_185 = arith.constant 0 : index
    %get3A_186 = arith.constant 0 : index
    %get3A_187 = vector.load %arg8[%get3A_185, %get3A_186] : memref<1024x8xf32, #tpu.memory_space<vmem>>, vector<1024x8xf32>
    %dot_general3A_188 = arith.constant dense<0.000000e+00> : vector<256x8xf32>
    %dot_general3A_189 = tpu.matmul %add3A_152, %get3A_187, %dot_general3A_188 {dimension_numbers = #tpu.dot_dimension_numbers<[1], [0], [0], [1], [0, 0, 1, 1], [], []>, transpose_lhs_hint = false} : vector<256x1024xf32>, vector<1024x8xf32>, vector<256x8xf32> -> vector<256x8xf32>
    %get3A_190 = arith.constant 0 : index
    %get3A_191 = arith.constant 0 : index
    %get3A_192 = vector.load %arg9[%get3A_190, %get3A_191] : memref<1x8xf32, #tpu.memory_space<vmem>>, vector<1x8xf32>
    %add3A_193 = vector.broadcast %get3A_192 : vector<1x8xf32> to vector<256x8xf32>
    %add3A_194 = arith.addf %dot_general3A_189, %add3A_193 : vector<256x8xf32>
    %reduce_max3A_195 = arith.constant dense<0xFF800000> : vector<256xf32>
    %reduce_max3A_196 = vector.multi_reduction <maximumf>, %add3A_194, %reduce_max3A_195 [1] : vector<256x8xf32> to vector<256xf32>
    %broadcast_in_dim3A_197 = vector.shape_cast %reduce_max3A_196 : vector<256xf32> to vector<256x1xf32>
    %sub3A_198 = vector.broadcast %broadcast_in_dim3A_197 : vector<256x1xf32> to vector<256x8xf32>
    %sub3A_199 = arith.subf %add3A_194, %sub3A_198 : vector<256x8xf32>
    %exp3A_200 = math.exp %sub3A_199 : vector<256x8xf32>
    %reduce_sum3A_201 = arith.constant dense<0.000000e+00> : vector<256xf32>
    %reduce_sum3A_202 = vector.multi_reduction <add>, %exp3A_200, %reduce_sum3A_201 [1] : vector<256x8xf32> to vector<256xf32>
    %broadcast_in_dim3A_203 = vector.shape_cast %reduce_sum3A_202 : vector<256xf32> to vector<256x1xf32>
    %div3A_204 = vector.broadcast %broadcast_in_dim3A_203 : vector<256x1xf32> to vector<256x8xf32>
    %div3A_205 = arith.divf %exp3A_200, %div3A_204 : vector<256x8xf32>
    %reduce_max3A_206 = arith.constant dense<0xFF800000> : vector<256xf32>
    %reduce_max3A_207 = vector.multi_reduction <maximumf>, %div3A_205, %reduce_max3A_206 [1] : vector<256x8xf32> to vector<256xf32>
    %broadcast_in_dim3A_208 = vector.shape_cast %reduce_max3A_207 : vector<256xf32> to vector<256x1xf32>
    %ge3A_209 = vector.broadcast %broadcast_in_dim3A_208 : vector<256x1xf32> to vector<256x8xf32>
    %ge3A_210 = arith.cmpf oge, %div3A_205, %ge3A_209 : vector<256x8xf32>
    %jit3A_211 = arith.constant 8 : i32
    %broadcast_in_dim3A_212 = vector.broadcast %jit3A_211 : i32 to vector<256x8xi32>
    %select_n3A_213 = arith.select %ge3A_210, %iota3A, %broadcast_in_dim3A_212 : vector<256x8xi1>, vector<256x8xi32>
    %reduce_min3A_214 = arith.constant dense<2147483647> : vector<256xi32>
    %reduce_min3A_215 = vector.multi_reduction <minsi>, %select_n3A_213, %reduce_min3A_214 [1] : vector<256x8xi32> to vector<256xi32>
    %broadcast_in_dim3A_216 = vector.shape_cast %reduce_min3A_215 : vector<256xi32> to vector<256x1xi32>
    %eq3A_217 = vector.broadcast %broadcast_in_dim3A_216 : vector<256x1xi32> to vector<256x8xi32>
    %eq3A_218 = arith.cmpi eq, %iota3A, %eq3A_217 : vector<256x8xi32>
    %jit3A_219 = arith.constant -1.000000e+30 : f32
    %broadcast_in_dim3A_220 = vector.broadcast %jit3A_219 : f32 to vector<256x8xf32>
    %select_n3A_221 = arith.select %eq3A_218, %broadcast_in_dim3A_220, %div3A_205 : vector<256x8xi1>, vector<256x8xf32>
    %reduce_max3A_222 = arith.constant dense<0xFF800000> : vector<256xf32>
    %reduce_max3A_223 = vector.multi_reduction <maximumf>, %select_n3A_221, %reduce_max3A_222 [1] : vector<256x8xf32> to vector<256xf32>
    %broadcast_in_dim3A_224 = vector.shape_cast %reduce_max3A_223 : vector<256xf32> to vector<256x1xf32>
    %ge3A_225 = vector.broadcast %broadcast_in_dim3A_224 : vector<256x1xf32> to vector<256x8xf32>
    %ge3A_226 = arith.cmpf oge, %select_n3A_221, %ge3A_225 : vector<256x8xf32>
    %jit3A_227 = arith.constant 8 : i32
    %broadcast_in_dim3A_228 = vector.broadcast %jit3A_227 : i32 to vector<256x8xi32>
    %select_n3A_229 = arith.select %ge3A_226, %iota3A, %broadcast_in_dim3A_228 : vector<256x8xi1>, vector<256x8xi32>
    %reduce_min3A_230 = arith.constant dense<2147483647> : vector<256xi32>
    %reduce_min3A_231 = vector.multi_reduction <minsi>, %select_n3A_229, %reduce_min3A_230 [1] : vector<256x8xi32> to vector<256xi32>
    %broadcast_in_dim3A_232 = vector.shape_cast %reduce_min3A_231 : vector<256xi32> to vector<256x1xi32>
    %eq3A_233 = arith.constant 2 : i32
    %eq3A_234 = vector.broadcast %eq3A_233 : i32 to vector<256x8xi32>
    %eq3A_235 = arith.cmpi eq, %iota3A_16, %eq3A_234 : vector<256x8xi32>
    %add3A_236 = arith.constant 8 : i32
    %add3A_237 = vector.broadcast %add3A_236 : i32 to vector<256x1xi32>
    %add3A_238 = arith.addi %broadcast_in_dim3A_216, %add3A_237 : vector<256x1xi32>
    %jit3A_239 = arith.constant 0 : i32
    %broadcast_in_dim3A_240 = vector.shape_cast %add3A_238 : vector<256x1xi32> to vector<256x1xi32>
    %broadcast_in_dim3A_241 = vector.broadcast %broadcast_in_dim3A_240 : vector<256x1xi32> to vector<256x8xi32>
    %broadcast_in_dim3A_242 = vector.broadcast %jit3A_239 : i32 to vector<256x8xi32>
    %select_n3A_243 = arith.select %eq3A_235, %broadcast_in_dim3A_241, %broadcast_in_dim3A_242 : vector<256x8xi1>, vector<256x8xi32>
    %add3A_244 = arith.addi %add3A_124, %select_n3A_243 : vector<256x8xi32>
    %eq3A_245 = arith.constant 3 : i32
    %eq3A_246 = vector.broadcast %eq3A_245 : i32 to vector<256x8xi32>
    %eq3A_247 = arith.cmpi eq, %iota3A_16, %eq3A_246 : vector<256x8xi32>
    %add3A_248 = arith.constant 8 : i32
    %add3A_249 = vector.broadcast %add3A_248 : i32 to vector<256x1xi32>
    %add3A_250 = arith.addi %broadcast_in_dim3A_232, %add3A_249 : vector<256x1xi32>
    %jit3A_251 = arith.constant 0 : i32
    %broadcast_in_dim3A_252 = vector.shape_cast %add3A_250 : vector<256x1xi32> to vector<256x1xi32>
    %broadcast_in_dim3A_253 = vector.broadcast %broadcast_in_dim3A_252 : vector<256x1xi32> to vector<256x8xi32>
    %broadcast_in_dim3A_254 = vector.broadcast %jit3A_251 : i32 to vector<256x8xi32>
    %select_n3A_255 = arith.select %eq3A_247, %broadcast_in_dim3A_253, %broadcast_in_dim3A_254 : vector<256x8xi1>, vector<256x8xi32>
    %add3A_256 = arith.addi %add3A_244, %select_n3A_255 : vector<256x8xi32>
    %eq3A_257 = arith.constant 2 : i32
    %eq3A_258 = vector.broadcast %eq3A_257 : i32 to vector<256x8xi32>
    %eq3A_259 = arith.cmpi eq, %iota3A_16, %eq3A_258 : vector<256x8xi32>
    %jit3A_260 = arith.constant 0.000000e+00 : f32
    %broadcast_in_dim3A_261 = vector.shape_cast %broadcast_in_dim3A_208 : vector<256x1xf32> to vector<256x1xf32>
    %broadcast_in_dim3A_262 = vector.broadcast %broadcast_in_dim3A_261 : vector<256x1xf32> to vector<256x8xf32>
    %broadcast_in_dim3A_263 = vector.broadcast %jit3A_260 : f32 to vector<256x8xf32>
    %select_n3A_264 = arith.select %eq3A_259, %broadcast_in_dim3A_262, %broadcast_in_dim3A_263 : vector<256x8xi1>, vector<256x8xf32>
    %add3A_265 = arith.addf %add3A_142, %select_n3A_264 : vector<256x8xf32>
    %eq3A_266 = arith.constant 3 : i32
    %eq3A_267 = vector.broadcast %eq3A_266 : i32 to vector<256x8xi32>
    %eq3A_268 = arith.cmpi eq, %iota3A_16, %eq3A_267 : vector<256x8xi32>
    %jit3A_269 = arith.constant 0.000000e+00 : f32
    %broadcast_in_dim3A_270 = vector.shape_cast %broadcast_in_dim3A_224 : vector<256x1xf32> to vector<256x1xf32>
    %broadcast_in_dim3A_271 = vector.broadcast %broadcast_in_dim3A_270 : vector<256x1xf32> to vector<256x8xf32>
    %broadcast_in_dim3A_272 = vector.broadcast %jit3A_269 : f32 to vector<256x8xf32>
    %select_n3A_273 = arith.select %eq3A_268, %broadcast_in_dim3A_271, %broadcast_in_dim3A_272 : vector<256x8xi1>, vector<256x8xf32>
    %add3A_274 = arith.addf %add3A_265, %select_n3A_273 : vector<256x8xf32>
    %swap3A_275 = arith.constant 0 : index
    %swap3A_276 = arith.constant 0 : index
    %swap3A_277 = vector.load %arg11[%swap3A_275, %swap3A_276] : memref<256x8xi32, #tpu.memory_space<vmem>>, vector<256x8xi32>
    tpu.vector_store %arg11[%swap3A_275, %swap3A_276], %add3A_256 {strides = array<i32>} : memref<256x8xi32, #tpu.memory_space<vmem>>, vector<256x8xi32>,
    %swap3A_278 = arith.constant 0 : index
    %swap3A_279 = arith.constant 0 : index
    %swap3A_280 = vector.load %arg12[%swap3A_278, %swap3A_279] : memref<256x8xf32, #tpu.memory_space<vmem>>, vector<256x8xf32>
    tpu.vector_store %arg12[%swap3A_278, %swap3A_279], %add3A_274 {strides = array<i32>} : memref<256x8xf32, #tpu.memory_space<vmem>>, vector<256x8xf32>,
    return
  }
  func.func @transform_0(%arg0: i32) -> (i32, i32) {
    %c0_i32 = arith.constant 0 : i32
    %c0_i32_0 = arith.constant 0 : i32
    return %arg0, %c0_i32 : i32, i32
  }
  func.func @transform_1(%arg0: i32) -> (i32, i32) {
    %c0_i32 = arith.constant 0 : i32
    %c0_i32_0 = arith.constant 0 : i32
    %c0_i32_1 = arith.constant 0 : i32
    return %c0_i32, %c0_i32_0 : i32, i32
  }
  func.func @transform_2(%arg0: i32) -> (i32, i32) {
    %c0_i32 = arith.constant 0 : i32
    %c0_i32_0 = arith.constant 0 : i32
    %c0_i32_1 = arith.constant 0 : i32
    return %c0_i32, %c0_i32_0 : i32, i32
  }
  func.func @transform_3(%arg0: i32) -> (i32, i32) {
    %c0_i32 = arith.constant 0 : i32
    %c0_i32_0 = arith.constant 0 : i32
    %c0_i32_1 = arith.constant 0 : i32
    return %c0_i32, %c0_i32_0 : i32, i32
  }
  func.func @transform_4(%arg0: i32) -> (i32, i32) {
    %c0_i32 = arith.constant 0 : i32
    %c0_i32_0 = arith.constant 0 : i32
    %c0_i32_1 = arith.constant 0 : i32
    return %c0_i32, %c0_i32_0 : i32, i32
  }
  func.func @transform_5(%arg0: i32) -> (i32, i32) {
    %c0_i32 = arith.constant 0 : i32
    %c0_i32_0 = arith.constant 0 : i32
    %c0_i32_1 = arith.constant 0 : i32
    return %c0_i32, %c0_i32_0 : i32, i32
  }
  func.func @transform_6(%arg0: i32) -> (i32, i32) {
    %c0_i32 = arith.constant 0 : i32
    %c0_i32_0 = arith.constant 0 : i32
    %c0_i32_1 = arith.constant 0 : i32
    return %c0_i32, %c0_i32_0 : i32, i32
  }
  func.func @transform_7(%arg0: i32) -> (i32, i32) {
    %c0_i32 = arith.constant 0 : i32
    %c0_i32_0 = arith.constant 0 : i32
    %c0_i32_1 = arith.constant 0 : i32
    return %c0_i32, %c0_i32_0 : i32, i32
  }
  func.func @transform_8(%arg0: i32) -> (i32, i32) {
    %c0_i32 = arith.constant 0 : i32
    %c0_i32_0 = arith.constant 0 : i32
    %c0_i32_1 = arith.constant 0 : i32
    return %c0_i32, %c0_i32_0 : i32, i32
  }
  func.func @transform_9(%arg0: i32) -> (i32, i32, i32, i32) {
    %c0_i32 = arith.constant 0 : i32
    %c0_i32_0 = arith.constant 0 : i32
    %c0_i32_1 = arith.constant 0 : i32
    %c0_i32_2 = arith.constant 0 : i32
    return %c0_i32, %c0_i32_0, %arg0, %c0_i32_1 : i32, i32, i32, i32
  }
  func.func @transform_10(%arg0: i32) -> (i32, i32) {
    %c0_i32 = arith.constant 0 : i32
    %c0_i32_0 = arith.constant 0 : i32
    return %arg0, %c0_i32 : i32, i32
  }
  func.func @transform_11(%arg0: i32) -> (i32, i32) {
    %c0_i32 = arith.constant 0 : i32
    %c0_i32_0 = arith.constant 0 : i32
    return %arg0, %c0_i32 : i32, i32
  }
}

module attributes {stable_mosaic.version = 14 : i64} {
  func.func @_gmm_kernel(%arg0: i32, %arg1: memref<80xi32, #tpu.memory_space<smem>>, %arg2: memref<80xi32, #tpu.memory_space<smem>>, %arg3: memref<4x256x256xf32, #tpu.memory_space<vmem>>, %arg4: memref<1x1024x2048xbf16, #tpu.memory_space<vmem>>, %arg5: memref<1x1x2048xf32, #tpu.memory_space<vmem>>, %arg6: memref<1x2048x1024xbf16, #tpu.memory_space<vmem>>, %arg7: memref<1x1x1024xf32, #tpu.memory_space<vmem>>, %arg8: memref<4x256x256xf32, #tpu.memory_space<vmem>>) attributes {dimension_semantics = [#tpu.dimension_semantics<arbitrary>], iteration_bounds = array<i64: 80>, scalar_prefetch = 2 : i64, scratch_operands = 0 : i64, tpu.core_type = #tpu.core_type<tc>, window_params = [{transform_indices = @transform_0, window_bounds = array<i64: 4, 256, 256>}, {transform_indices = @transform_1, window_bounds = array<i64: 1, 1024, 2048>}, {transform_indices = @transform_2, window_bounds = array<i64: 1, 1, 2048>}, {transform_indices = @transform_3, window_bounds = array<i64: 1, 2048, 1024>}, {transform_indices = @transform_4, window_bounds = array<i64: 1, 1, 1024>}, {transform_indices = @transform_5, window_bounds = array<i64: 4, 256, 256>}]} {
    %get3A = arith.index_cast %arg0 : i32 to index
    %get3A_0 = memref.load %arg2[%get3A] : memref<80xi32, #tpu.memory_space<smem>>
    %eq3A = arith.constant 1 : i32
    %eq3A_1 = arith.cmpi eq, %get3A_0, %eq3A : i32
    %convert_element_type3A = arith.extui %eq3A_1 : i1 to i32
    %cond3A = arith.constant 0 : i32
    %cond3A_2 = arith.cmpi ne, %convert_element_type3A, %cond3A : i32
    scf.if %cond3A_2 {
      %get3A_3 = arith.constant 0 : index
      %get3A_4 = arith.constant 0 : index
      %get3A_5 = arith.constant 0 : index
      %get3A_6 = vector.load %arg5[%get3A_3, %get3A_4, %get3A_5] : memref<1x1x2048xf32, #tpu.memory_space<vmem>>, vector<1x1x2048xf32>
      %get3A_7 = vector.shape_cast %get3A_6 : vector<1x1x2048xf32> to vector<1x2048xf32>
      %broadcast_in_dim3A = arith.constant 1.000000e+00 : f32
      %broadcast_in_dim3A_8 = vector.broadcast %broadcast_in_dim3A : f32 to vector<256x1xf32>
      %mul3A = vector.broadcast %get3A_7 : vector<1x2048xf32> to vector<256x2048xf32>
      %mul3A_9 = vector.broadcast %broadcast_in_dim3A_8 : vector<256x1xf32> to vector<256x2048xf32>
      %mul3A_10 = arith.mulf %mul3A, %mul3A_9 : vector<256x2048xf32>
      %get3A_11 = arith.constant 0 : index
      %get3A_12 = arith.constant 0 : index
      %get3A_13 = arith.constant 0 : index
      %get3A_14 = vector.load %arg3[%get3A_11, %get3A_12, %get3A_13] : memref<4x256x256xf32, #tpu.memory_space<vmem>>, vector<1x256x256xf32>
      %get3A_15 = vector.shape_cast %get3A_14 : vector<1x256x256xf32> to vector<256x256xf32>
      %convert_element_type3A_16 = arith.truncf %get3A_15 : vector<256x256xf32> to vector<256x256xbf16>
      %get3A_17 = arith.constant 0 : index
      %get3A_18 = arith.constant 0 : index
      %get3A_19 = arith.constant 0 : index
      %get3A_20 = vector.load %arg4[%get3A_17, %get3A_18, %get3A_19] : memref<1x1024x2048xbf16, #tpu.memory_space<vmem>>, vector<1x256x2048xbf16>
      %get3A_21 = vector.shape_cast %get3A_20 : vector<1x256x2048xbf16> to vector<256x2048xbf16>
      %dot_general3A = arith.constant dense<0.000000e+00> : vector<256x2048xf32>
      %dot_general3A_22 = tpu.matmul %convert_element_type3A_16, %get3A_21, %dot_general3A {dimension_numbers = #tpu.dot_dimension_numbers<[1], [0], [0], [1], [0, 0, 1, 1], [], []>, transpose_lhs_hint = false} : vector<256x256xbf16>, vector<256x2048xbf16>, vector<256x2048xf32> -> vector<256x2048xf32>
      %add3A = arith.addf %mul3A_10, %dot_general3A_22 : vector<256x2048xf32>
      %get3A_23 = arith.constant 1 : index
      %get3A_24 = arith.constant 0 : index
      %get3A_25 = arith.constant 0 : index
      %get3A_26 = vector.load %arg3[%get3A_23, %get3A_24, %get3A_25] : memref<4x256x256xf32, #tpu.memory_space<vmem>>, vector<1x256x256xf32>
      %get3A_27 = vector.shape_cast %get3A_26 : vector<1x256x256xf32> to vector<256x256xf32>
      %convert_element_type3A_28 = arith.truncf %get3A_27 : vector<256x256xf32> to vector<256x256xbf16>
      %get3A_29 = arith.constant 0 : index
      %get3A_30 = arith.constant 256 : index
      %get3A_31 = arith.constant 0 : index
      %get3A_32 = vector.load %arg4[%get3A_29, %get3A_30, %get3A_31] : memref<1x1024x2048xbf16, #tpu.memory_space<vmem>>, vector<1x256x2048xbf16>
      %get3A_33 = vector.shape_cast %get3A_32 : vector<1x256x2048xbf16> to vector<256x2048xbf16>
      %dot_general3A_34 = arith.constant dense<0.000000e+00> : vector<256x2048xf32>
      %dot_general3A_35 = tpu.matmul %convert_element_type3A_28, %get3A_33, %dot_general3A_34 {dimension_numbers = #tpu.dot_dimension_numbers<[1], [0], [0], [1], [0, 0, 1, 1], [], []>, transpose_lhs_hint = false} : vector<256x256xbf16>, vector<256x2048xbf16>, vector<256x2048xf32> -> vector<256x2048xf32>
      %add3A_36 = arith.addf %add3A, %dot_general3A_35 : vector<256x2048xf32>
      %get3A_37 = arith.constant 2 : index
      %get3A_38 = arith.constant 0 : index
      %get3A_39 = arith.constant 0 : index
      %get3A_40 = vector.load %arg3[%get3A_37, %get3A_38, %get3A_39] : memref<4x256x256xf32, #tpu.memory_space<vmem>>, vector<1x256x256xf32>
      %get3A_41 = vector.shape_cast %get3A_40 : vector<1x256x256xf32> to vector<256x256xf32>
      %convert_element_type3A_42 = arith.truncf %get3A_41 : vector<256x256xf32> to vector<256x256xbf16>
      %get3A_43 = arith.constant 0 : index
      %get3A_44 = arith.constant 512 : index
      %get3A_45 = arith.constant 0 : index
      %get3A_46 = vector.load %arg4[%get3A_43, %get3A_44, %get3A_45] : memref<1x1024x2048xbf16, #tpu.memory_space<vmem>>, vector<1x256x2048xbf16>
      %get3A_47 = vector.shape_cast %get3A_46 : vector<1x256x2048xbf16> to vector<256x2048xbf16>
      %dot_general3A_48 = arith.constant dense<0.000000e+00> : vector<256x2048xf32>
      %dot_general3A_49 = tpu.matmul %convert_element_type3A_42, %get3A_47, %dot_general3A_48 {dimension_numbers = #tpu.dot_dimension_numbers<[1], [0], [0], [1], [0, 0, 1, 1], [], []>, transpose_lhs_hint = false} : vector<256x256xbf16>, vector<256x2048xbf16>, vector<256x2048xf32> -> vector<256x2048xf32>
      %add3A_50 = arith.addf %add3A_36, %dot_general3A_49 : vector<256x2048xf32>
      %get3A_51 = arith.constant 3 : index
      %get3A_52 = arith.constant 0 : index
      %get3A_53 = arith.constant 0 : index
      %get3A_54 = vector.load %arg3[%get3A_51, %get3A_52, %get3A_53] : memref<4x256x256xf32, #tpu.memory_space<vmem>>, vector<1x256x256xf32>
      %get3A_55 = vector.shape_cast %get3A_54 : vector<1x256x256xf32> to vector<256x256xf32>
      %convert_element_type3A_56 = arith.truncf %get3A_55 : vector<256x256xf32> to vector<256x256xbf16>
      %get3A_57 = arith.constant 0 : index
      %get3A_58 = arith.constant 768 : index
      %get3A_59 = arith.constant 0 : index
      %get3A_60 = vector.load %arg4[%get3A_57, %get3A_58, %get3A_59] : memref<1x1024x2048xbf16, #tpu.memory_space<vmem>>, vector<1x256x2048xbf16>
      %get3A_61 = vector.shape_cast %get3A_60 : vector<1x256x2048xbf16> to vector<256x2048xbf16>
      %dot_general3A_62 = arith.constant dense<0.000000e+00> : vector<256x2048xf32>
      %dot_general3A_63 = tpu.matmul %convert_element_type3A_56, %get3A_61, %dot_general3A_62 {dimension_numbers = #tpu.dot_dimension_numbers<[1], [0], [0], [1], [0, 0, 1, 1], [], []>, transpose_lhs_hint = false} : vector<256x256xbf16>, vector<256x2048xbf16>, vector<256x2048xf32> -> vector<256x2048xf32>
      %add3A_64 = arith.addf %add3A_50, %dot_general3A_63 : vector<256x2048xf32>
      %mul3A_65 = arith.constant 5.000000e-01 : f32
      %mul3A_66 = vector.broadcast %mul3A_65 : f32 to vector<256x2048xf32>
      %mul3A_67 = arith.mulf %mul3A_66, %add3A_64 : vector<256x2048xf32>
      %mul3A_68 = arith.constant 0.707106769 : f32
      %mul3A_69 = vector.broadcast %mul3A_68 : f32 to vector<256x2048xf32>
      %mul3A_70 = arith.mulf %add3A_64, %mul3A_69 : vector<256x2048xf32>
      %erf3A = math.erf %mul3A_70 : vector<256x2048xf32>
      %add3A_71 = arith.constant 1.000000e+00 : f32
      %add3A_72 = vector.broadcast %add3A_71 : f32 to vector<256x2048xf32>
      %add3A_73 = arith.addf %add3A_72, %erf3A : vector<256x2048xf32>
      %mul3A_74 = arith.mulf %mul3A_67, %add3A_73 : vector<256x2048xf32>
      %convert_element_type3A_75 = arith.truncf %mul3A_74 : vector<256x2048xf32> to vector<256x2048xbf16>
      %get3A_76 = arith.constant 0 : index
      %get3A_77 = arith.constant 0 : index
      %get3A_78 = arith.constant 0 : index
      %get3A_79 = vector.load %arg6[%get3A_76, %get3A_77, %get3A_78] : memref<1x2048x1024xbf16, #tpu.memory_space<vmem>>, vector<1x2048x256xbf16>
      %get3A_80 = vector.shape_cast %get3A_79 : vector<1x2048x256xbf16> to vector<2048x256xbf16>
      %dot_general3A_81 = arith.constant dense<0.000000e+00> : vector<256x256xf32>
      %dot_general3A_82 = tpu.matmul %convert_element_type3A_75, %get3A_80, %dot_general3A_81 {dimension_numbers = #tpu.dot_dimension_numbers<[1], [0], [0], [1], [0, 0, 1, 1], [], []>, transpose_lhs_hint = false} : vector<256x2048xbf16>, vector<2048x256xbf16>, vector<256x256xf32> -> vector<256x256xf32>
      %get3A_83 = arith.constant 0 : index
      %get3A_84 = arith.constant 0 : index
      %get3A_85 = arith.constant 0 : index
      %get3A_86 = vector.load %arg7[%get3A_83, %get3A_84, %get3A_85] : memref<1x1x1024xf32, #tpu.memory_space<vmem>>, vector<1x1x256xf32>
      %get3A_87 = vector.shape_cast %get3A_86 : vector<1x1x256xf32> to vector<1x256xf32>
      %add3A_88 = vector.broadcast %get3A_87 : vector<1x256xf32> to vector<256x256xf32>
      %add3A_89 = arith.addf %dot_general3A_82, %add3A_88 : vector<256x256xf32>
      %swap3A = arith.constant 0 : index
      %swap3A_90 = arith.constant 0 : index
      %swap3A_91 = arith.constant 0 : index
      %swap3A_92 = vector.load %arg8[%swap3A, %swap3A_90, %swap3A_91] : memref<4x256x256xf32, #tpu.memory_space<vmem>>, vector<1x256x256xf32>
      %swap3A_93 = vector.shape_cast %swap3A_92 : vector<1x256x256xf32> to vector<256x256xf32>
      %swap3A_94 = vector.shape_cast %add3A_89 : vector<256x256xf32> to vector<1x256x256xf32>
      tpu.vector_store %arg8[%swap3A, %swap3A_90, %swap3A_91], %swap3A_94 {strides = array<i32>} : memref<4x256x256xf32, #tpu.memory_space<vmem>>, vector<1x256x256xf32>,
      %get3A_95 = arith.constant 0 : index
      %get3A_96 = arith.constant 0 : index
      %get3A_97 = arith.constant 256 : index
      %get3A_98 = vector.load %arg6[%get3A_95, %get3A_96, %get3A_97] : memref<1x2048x1024xbf16, #tpu.memory_space<vmem>>, vector<1x2048x256xbf16>
      %get3A_99 = vector.shape_cast %get3A_98 : vector<1x2048x256xbf16> to vector<2048x256xbf16>
      %dot_general3A_100 = arith.constant dense<0.000000e+00> : vector<256x256xf32>
      %dot_general3A_101 = tpu.matmul %convert_element_type3A_75, %get3A_99, %dot_general3A_100 {dimension_numbers = #tpu.dot_dimension_numbers<[1], [0], [0], [1], [0, 0, 1, 1], [], []>, transpose_lhs_hint = false} : vector<256x2048xbf16>, vector<2048x256xbf16>, vector<256x256xf32> -> vector<256x256xf32>
      %get3A_102 = arith.constant 0 : index
      %get3A_103 = arith.constant 0 : index
      %get3A_104 = arith.constant 256 : index
      %get3A_105 = vector.load %arg7[%get3A_102, %get3A_103, %get3A_104] : memref<1x1x1024xf32, #tpu.memory_space<vmem>>, vector<1x1x256xf32>
      %get3A_106 = vector.shape_cast %get3A_105 : vector<1x1x256xf32> to vector<1x256xf32>
      %add3A_107 = vector.broadcast %get3A_106 : vector<1x256xf32> to vector<256x256xf32>
      %add3A_108 = arith.addf %dot_general3A_101, %add3A_107 : vector<256x256xf32>
      %swap3A_109 = arith.constant 1 : index
      %swap3A_110 = arith.constant 0 : index
      %swap3A_111 = arith.constant 0 : index
      %swap3A_112 = vector.load %arg8[%swap3A_109, %swap3A_110, %swap3A_111] : memref<4x256x256xf32, #tpu.memory_space<vmem>>, vector<1x256x256xf32>
      %swap3A_113 = vector.shape_cast %swap3A_112 : vector<1x256x256xf32> to vector<256x256xf32>
      %swap3A_114 = vector.shape_cast %add3A_108 : vector<256x256xf32> to vector<1x256x256xf32>
      tpu.vector_store %arg8[%swap3A_109, %swap3A_110, %swap3A_111], %swap3A_114 {strides = array<i32>} : memref<4x256x256xf32, #tpu.memory_space<vmem>>, vector<1x256x256xf32>,
      %get3A_115 = arith.constant 0 : index
      %get3A_116 = arith.constant 0 : index
      %get3A_117 = arith.constant 512 : index
      %get3A_118 = vector.load %arg6[%get3A_115, %get3A_116, %get3A_117] : memref<1x2048x1024xbf16, #tpu.memory_space<vmem>>, vector<1x2048x256xbf16>
      %get3A_119 = vector.shape_cast %get3A_118 : vector<1x2048x256xbf16> to vector<2048x256xbf16>
      %dot_general3A_120 = arith.constant dense<0.000000e+00> : vector<256x256xf32>
      %dot_general3A_121 = tpu.matmul %convert_element_type3A_75, %get3A_119, %dot_general3A_120 {dimension_numbers = #tpu.dot_dimension_numbers<[1], [0], [0], [1], [0, 0, 1, 1], [], []>, transpose_lhs_hint = false} : vector<256x2048xbf16>, vector<2048x256xbf16>, vector<256x256xf32> -> vector<256x256xf32>
      %get3A_122 = arith.constant 0 : index
      %get3A_123 = arith.constant 0 : index
      %get3A_124 = arith.constant 512 : index
      %get3A_125 = vector.load %arg7[%get3A_122, %get3A_123, %get3A_124] : memref<1x1x1024xf32, #tpu.memory_space<vmem>>, vector<1x1x256xf32>
      %get3A_126 = vector.shape_cast %get3A_125 : vector<1x1x256xf32> to vector<1x256xf32>
      %add3A_127 = vector.broadcast %get3A_126 : vector<1x256xf32> to vector<256x256xf32>
      %add3A_128 = arith.addf %dot_general3A_121, %add3A_127 : vector<256x256xf32>
      %swap3A_129 = arith.constant 2 : index
      %swap3A_130 = arith.constant 0 : index
      %swap3A_131 = arith.constant 0 : index
      %swap3A_132 = vector.load %arg8[%swap3A_129, %swap3A_130, %swap3A_131] : memref<4x256x256xf32, #tpu.memory_space<vmem>>, vector<1x256x256xf32>
      %swap3A_133 = vector.shape_cast %swap3A_132 : vector<1x256x256xf32> to vector<256x256xf32>
      %swap3A_134 = vector.shape_cast %add3A_128 : vector<256x256xf32> to vector<1x256x256xf32>
      tpu.vector_store %arg8[%swap3A_129, %swap3A_130, %swap3A_131], %swap3A_134 {strides = array<i32>} : memref<4x256x256xf32, #tpu.memory_space<vmem>>, vector<1x256x256xf32>,
      %get3A_135 = arith.constant 0 : index
      %get3A_136 = arith.constant 0 : index
      %get3A_137 = arith.constant 768 : index
      %get3A_138 = vector.load %arg6[%get3A_135, %get3A_136, %get3A_137] : memref<1x2048x1024xbf16, #tpu.memory_space<vmem>>, vector<1x2048x256xbf16>
      %get3A_139 = vector.shape_cast %get3A_138 : vector<1x2048x256xbf16> to vector<2048x256xbf16>
      %dot_general3A_140 = arith.constant dense<0.000000e+00> : vector<256x256xf32>
      %dot_general3A_141 = tpu.matmul %convert_element_type3A_75, %get3A_139, %dot_general3A_140 {dimension_numbers = #tpu.dot_dimension_numbers<[1], [0], [0], [1], [0, 0, 1, 1], [], []>, transpose_lhs_hint = false} : vector<256x2048xbf16>, vector<2048x256xbf16>, vector<256x256xf32> -> vector<256x256xf32>
      %get3A_142 = arith.constant 0 : index
      %get3A_143 = arith.constant 0 : index
      %get3A_144 = arith.constant 768 : index
      %get3A_145 = vector.load %arg7[%get3A_142, %get3A_143, %get3A_144] : memref<1x1x1024xf32, #tpu.memory_space<vmem>>, vector<1x1x256xf32>
      %get3A_146 = vector.shape_cast %get3A_145 : vector<1x1x256xf32> to vector<1x256xf32>
      %add3A_147 = vector.broadcast %get3A_146 : vector<1x256xf32> to vector<256x256xf32>
      %add3A_148 = arith.addf %dot_general3A_141, %add3A_147 : vector<256x256xf32>
      %swap3A_149 = arith.constant 3 : index
      %swap3A_150 = arith.constant 0 : index
      %swap3A_151 = arith.constant 0 : index
      %swap3A_152 = vector.load %arg8[%swap3A_149, %swap3A_150, %swap3A_151] : memref<4x256x256xf32, #tpu.memory_space<vmem>>, vector<1x256x256xf32>
      %swap3A_153 = vector.shape_cast %swap3A_152 : vector<1x256x256xf32> to vector<256x256xf32>
      %swap3A_154 = vector.shape_cast %add3A_148 : vector<256x256xf32> to vector<1x256x256xf32>
      tpu.vector_store %arg8[%swap3A_149, %swap3A_150, %swap3A_151], %swap3A_154 {strides = array<i32>} : memref<4x256x256xf32, #tpu.memory_space<vmem>>, vector<1x256x256xf32>,
    } else {
    }
    return
  }
  func.func @transform_0(%arg0: i32, %arg1: memref<80xi32, #tpu.memory_space<smem>>, %arg2: memref<80xi32, #tpu.memory_space<smem>>) -> (i32, i32, i32) {
    %c0_i32 = arith.constant 0 : i32
    %c0_i32_0 = arith.constant 0 : i32
    %c0_i32_1 = arith.constant 0 : i32
    return %c0_i32, %arg0, %c0_i32_0 : i32, i32, i32
  }
  func.func @transform_1(%arg0: i32, %arg1: memref<80xi32, #tpu.memory_space<smem>>, %arg2: memref<80xi32, #tpu.memory_space<smem>>) -> (i32, i32, i32) {
    %get3A = arith.index_cast %arg0 : i32 to index
    %get3A_0 = memref.load %arg1[%get3A] : memref<80xi32, #tpu.memory_space<smem>>
    %c0_i32 = arith.constant 0 : i32
    %c0_i32_1 = arith.constant 0 : i32
    %c0_i32_2 = arith.constant 0 : i32
    return %get3A_0, %c0_i32, %c0_i32_1 : i32, i32, i32
  }
  func.func @transform_2(%arg0: i32, %arg1: memref<80xi32, #tpu.memory_space<smem>>, %arg2: memref<80xi32, #tpu.memory_space<smem>>) -> (i32, i32, i32) {
    %get3A = arith.index_cast %arg0 : i32 to index
    %get3A_0 = memref.load %arg1[%get3A] : memref<80xi32, #tpu.memory_space<smem>>
    %c0_i32 = arith.constant 0 : i32
    %c0_i32_1 = arith.constant 0 : i32
    %c0_i32_2 = arith.constant 0 : i32
    return %get3A_0, %c0_i32, %c0_i32_1 : i32, i32, i32
  }
  func.func @transform_3(%arg0: i32, %arg1: memref<80xi32, #tpu.memory_space<smem>>, %arg2: memref<80xi32, #tpu.memory_space<smem>>) -> (i32, i32, i32) {
    %get3A = arith.index_cast %arg0 : i32 to index
    %get3A_0 = memref.load %arg1[%get3A] : memref<80xi32, #tpu.memory_space<smem>>
    %c0_i32 = arith.constant 0 : i32
    %c0_i32_1 = arith.constant 0 : i32
    %c0_i32_2 = arith.constant 0 : i32
    return %get3A_0, %c0_i32, %c0_i32_1 : i32, i32, i32
  }
  func.func @transform_4(%arg0: i32, %arg1: memref<80xi32, #tpu.memory_space<smem>>, %arg2: memref<80xi32, #tpu.memory_space<smem>>) -> (i32, i32, i32) {
    %get3A = arith.index_cast %arg0 : i32 to index
    %get3A_0 = memref.load %arg1[%get3A] : memref<80xi32, #tpu.memory_space<smem>>
    %c0_i32 = arith.constant 0 : i32
    %c0_i32_1 = arith.constant 0 : i32
    %c0_i32_2 = arith.constant 0 : i32
    return %get3A_0, %c0_i32, %c0_i32_1 : i32, i32, i32
  }
  func.func @transform_5(%arg0: i32, %arg1: memref<80xi32, #tpu.memory_space<smem>>, %arg2: memref<80xi32, #tpu.memory_space<smem>>) -> (i32, i32, i32) {
    %c0_i32 = arith.constant 0 : i32
    %c0_i32_0 = arith.constant 0 : i32
    %c0_i32_1 = arith.constant 0 : i32
    return %c0_i32, %arg0, %c0_i32_0 : i32, i32, i32
  }
}

module attributes {stable_mosaic.version = 14 : i64} {
  func.func @_emb_kernel(%arg0: memref<2x512xf32, #tpu.memory_space<vmem>>, %arg1: memref<512x2048xf32, #tpu.memory_space<vmem>>, %arg2: memref<1x2048xf32, #tpu.memory_space<vmem>>, %arg3: memref<2x2048xf32, #tpu.memory_space<vmem>>) attributes {dimension_semantics = [], scalar_prefetch = 0 : i64, scratch_operands = 0 : i64, tpu.core_type = #tpu.core_type<tc>} {
    %get3A = arith.constant 0 : index
    %get3A_0 = arith.constant 0 : index
    %get3A_1 = vector.load %arg0[%get3A, %get3A_0] : memref<2x512xf32, #tpu.memory_space<vmem>>, vector<2x512xf32>
    %logistic3A = arith.negf %get3A_1 : vector<2x512xf32>
    %logistic3A_2 = math.exp %logistic3A : vector<2x512xf32>
    %logistic3A_3 = arith.constant 1.000000e+00 : f32
    %logistic3A_4 = vector.broadcast %logistic3A_3 : f32 to vector<2x512xf32>
    %logistic3A_5 = arith.addf %logistic3A_4, %logistic3A_2 : vector<2x512xf32>
    %logistic3A_6 = arith.divf %logistic3A_4, %logistic3A_5 : vector<2x512xf32>
    %mul3A = arith.mulf %get3A_1, %logistic3A_6 : vector<2x512xf32>
    %get3A_7 = arith.constant 0 : index
    %get3A_8 = arith.constant 0 : index
    %get3A_9 = vector.load %arg1[%get3A_7, %get3A_8] : memref<512x2048xf32, #tpu.memory_space<vmem>>, vector<512x2048xf32>
    %dot_general3A = arith.constant dense<0.000000e+00> : vector<2x2048xf32>
    %dot_general3A_10 = tpu.matmul %mul3A, %get3A_9, %dot_general3A {dimension_numbers = #tpu.dot_dimension_numbers<[1], [0], [0], [1], [0, 0, 1, 1], [], []>, transpose_lhs_hint = false} : vector<2x512xf32>, vector<512x2048xf32>, vector<2x2048xf32> -> vector<2x2048xf32>
    %get3A_11 = arith.constant 0 : index
    %get3A_12 = arith.constant 0 : index
    %get3A_13 = vector.load %arg2[%get3A_11, %get3A_12] : memref<1x2048xf32, #tpu.memory_space<vmem>>, vector<1x2048xf32>
    %add3A = vector.broadcast %get3A_13 : vector<1x2048xf32> to vector<2x2048xf32>
    %add3A_14 = arith.addf %dot_general3A_10, %add3A : vector<2x2048xf32>
    %swap3A = arith.constant 0 : index
    %swap3A_15 = arith.constant 0 : index
    %swap3A_16 = vector.load %arg3[%swap3A, %swap3A_15] : memref<2x2048xf32, #tpu.memory_space<vmem>>, vector<2x2048xf32>
    tpu.vector_store %arg3[%swap3A, %swap3A_15], %add3A_14 {strides = array<i32>} : memref<2x2048xf32, #tpu.memory_space<vmem>>, vector<2x2048xf32>,
    return
  }
}

module attributes {stable_mosaic.version = 14 : i64} {
  func.func @_style_kernel(%arg0: i32, %arg1: memref<256x1024xf32, #tpu.memory_space<vmem>>, %arg2: memref<4x4x256x256xf32, #tpu.memory_space<vmem>>, %arg3: memref<256x8xf32, #tpu.memory_space<vmem>>, %arg4: memref<1x1x1024xf32, #tpu.memory_space<vmem>>, %arg5: memref<1x1x1024xf32, #tpu.memory_space<vmem>>, %arg6: memref<1x1024xf32, #tpu.memory_space<vmem>>, %arg7: memref<1x1024xf32, #tpu.memory_space<vmem>>, %arg8: memref<4x256x1024xbf16, #tpu.memory_space<vmem>>, %arg9: memref<1x1024xf32, #tpu.memory_space<vmem>>, %arg10: memref<256x1024xf32, #tpu.memory_space<vmem>>) attributes {dimension_semantics = [#tpu.dimension_semantics<arbitrary>], iteration_bounds = array<i64: 16>, scalar_prefetch = 0 : i64, scratch_operands = 0 : i64, tpu.core_type = #tpu.core_type<tc>, window_params = [{transform_indices = @transform_0, window_bounds = array<i64: 256, 1024>}, {transform_indices = @transform_1, window_bounds = array<i64: 4, 4, 256, 256>}, {transform_indices = @transform_2, window_bounds = array<i64: 256, 8>}, {transform_indices = @transform_3, window_bounds = array<i64: 1, 1, 1024>}, {transform_indices = @transform_4, window_bounds = array<i64: 1, 1, 1024>}, {pipeline_mode = #tpu.pipeline_mode<synchronous>, transform_indices = @transform_5, window_bounds = array<i64: 1, 1024>}, {pipeline_mode = #tpu.pipeline_mode<synchronous>, transform_indices = @transform_6, window_bounds = array<i64: 1, 1024>}, {pipeline_mode = #tpu.pipeline_mode<synchronous>, transform_indices = @transform_7, window_bounds = array<i64: 4, 256, 1024>}, {pipeline_mode = #tpu.pipeline_mode<synchronous>, transform_indices = @transform_8, window_bounds = array<i64: 1, 1024>}, {transform_indices = @transform_9, window_bounds = array<i64: 256, 1024>}]} {
    %get3A = arith.constant 0 : index
    %get3A_0 = arith.constant 0 : index
    %get3A_1 = vector.load %arg3[%get3A, %get3A_0] : memref<256x8xf32, #tpu.memory_space<vmem>>, vector<256x1xf32>
    %get3A_2 = arith.constant 0 : index
    %get3A_3 = arith.constant 1 : index
    %get3A_4 = vector.load %arg3[%get3A_2, %get3A_3] : memref<256x8xf32, #tpu.memory_space<vmem>>, vector<256x1xf32>
    %get3A_5 = arith.constant 0 : index
    %get3A_6 = arith.constant 2 : index
    %get3A_7 = vector.load %arg3[%get3A_5, %get3A_6] : memref<256x8xf32, #tpu.memory_space<vmem>>, vector<256x1xf32>
    %get3A_8 = arith.constant 0 : index
    %get3A_9 = arith.constant 3 : index
    %get3A_10 = vector.load %arg3[%get3A_8, %get3A_9] : memref<256x8xf32, #tpu.memory_space<vmem>>, vector<256x1xf32>
    %broadcast_in_dim3A = arith.constant 0.000000e+00 : f32
    %broadcast_in_dim3A_11 = vector.broadcast %broadcast_in_dim3A : f32 to vector<256x1xf32>
    %get3A_12 = arith.constant 0 : index
    %get3A_13 = arith.constant 0 : index
    %get3A_14 = arith.constant 0 : index
    %get3A_15 = arith.constant 0 : index
    %get3A_16 = vector.load %arg2[%get3A_12, %get3A_13, %get3A_14, %get3A_15] : memref<4x4x256x256xf32, #tpu.memory_space<vmem>>, vector<1x1x256x256xf32>
    %get3A_17 = vector.shape_cast %get3A_16 : vector<1x1x256x256xf32> to vector<256x256xf32>
    %mul3A = vector.broadcast %get3A_1 : vector<256x1xf32> to vector<256x256xf32>
    %mul3A_18 = arith.mulf %mul3A, %get3A_17 : vector<256x256xf32>
    %get3A_19 = arith.constant 0 : index
    %get3A_20 = arith.constant 1 : index
    %get3A_21 = arith.constant 0 : index
    %get3A_22 = arith.constant 0 : index
    %get3A_23 = vector.load %arg2[%get3A_19, %get3A_20, %get3A_21, %get3A_22] : memref<4x4x256x256xf32, #tpu.memory_space<vmem>>, vector<1x1x256x256xf32>
    %get3A_24 = vector.shape_cast %get3A_23 : vector<1x1x256x256xf32> to vector<256x256xf32>
    %mul3A_25 = vector.broadcast %get3A_4 : vector<256x1xf32> to vector<256x256xf32>
    %mul3A_26 = arith.mulf %mul3A_25, %get3A_24 : vector<256x256xf32>
    %add3A = arith.addf %mul3A_18, %mul3A_26 : vector<256x256xf32>
    %get3A_27 = arith.constant 0 : index
    %get3A_28 = arith.constant 2 : index
    %get3A_29 = arith.constant 0 : index
    %get3A_30 = arith.constant 0 : index
    %get3A_31 = vector.load %arg2[%get3A_27, %get3A_28, %get3A_29, %get3A_30] : memref<4x4x256x256xf32, #tpu.memory_space<vmem>>, vector<1x1x256x256xf32>
    %get3A_32 = vector.shape_cast %get3A_31 : vector<1x1x256x256xf32> to vector<256x256xf32>
    %mul3A_33 = vector.broadcast %get3A_7 : vector<256x1xf32> to vector<256x256xf32>
    %mul3A_34 = arith.mulf %mul3A_33, %get3A_32 : vector<256x256xf32>
    %add3A_35 = arith.addf %add3A, %mul3A_34 : vector<256x256xf32>
    %get3A_36 = arith.constant 0 : index
    %get3A_37 = arith.constant 3 : index
    %get3A_38 = arith.constant 0 : index
    %get3A_39 = arith.constant 0 : index
    %get3A_40 = vector.load %arg2[%get3A_36, %get3A_37, %get3A_38, %get3A_39] : memref<4x4x256x256xf32, #tpu.memory_space<vmem>>, vector<1x1x256x256xf32>
    %get3A_41 = vector.shape_cast %get3A_40 : vector<1x1x256x256xf32> to vector<256x256xf32>
    %mul3A_42 = vector.broadcast %get3A_10 : vector<256x1xf32> to vector<256x256xf32>
    %mul3A_43 = arith.mulf %mul3A_42, %get3A_41 : vector<256x256xf32>
    %add3A_44 = arith.addf %add3A_35, %mul3A_43 : vector<256x256xf32>
    %mul3A_45 = arith.constant 5.000000e-01 : f32
    %mul3A_46 = vector.broadcast %mul3A_45 : f32 to vector<256x256xf32>
    %mul3A_47 = arith.mulf %add3A_44, %mul3A_46 : vector<256x256xf32>
    %reduce_sum3A = arith.constant dense<0.000000e+00> : vector<256xf32>
    %reduce_sum3A_48 = vector.multi_reduction <add>, %mul3A_47, %reduce_sum3A [1] : vector<256x256xf32> to vector<256xf32>
    %broadcast_in_dim3A_49 = vector.shape_cast %reduce_sum3A_48 : vector<256xf32> to vector<256x1xf32>
    %add3A_50 = arith.addf %broadcast_in_dim3A_11, %broadcast_in_dim3A_49 : vector<256x1xf32>
    %get3A_51 = arith.constant 1 : index
    %get3A_52 = arith.constant 0 : index
    %get3A_53 = arith.constant 0 : index
    %get3A_54 = arith.constant 0 : index
    %get3A_55 = vector.load %arg2[%get3A_51, %get3A_52, %get3A_53, %get3A_54] : memref<4x4x256x256xf32, #tpu.memory_space<vmem>>, vector<1x1x256x256xf32>
    %get3A_56 = vector.shape_cast %get3A_55 : vector<1x1x256x256xf32> to vector<256x256xf32>
    %mul3A_57 = vector.broadcast %get3A_1 : vector<256x1xf32> to vector<256x256xf32>
    %mul3A_58 = arith.mulf %mul3A_57, %get3A_56 : vector<256x256xf32>
    %get3A_59 = arith.constant 1 : index
    %get3A_60 = arith.constant 1 : index
    %get3A_61 = arith.constant 0 : index
    %get3A_62 = arith.constant 0 : index
    %get3A_63 = vector.load %arg2[%get3A_59, %get3A_60, %get3A_61, %get3A_62] : memref<4x4x256x256xf32, #tpu.memory_space<vmem>>, vector<1x1x256x256xf32>
    %get3A_64 = vector.shape_cast %get3A_63 : vector<1x1x256x256xf32> to vector<256x256xf32>
    %mul3A_65 = vector.broadcast %get3A_4 : vector<256x1xf32> to vector<256x256xf32>
    %mul3A_66 = arith.mulf %mul3A_65, %get3A_64 : vector<256x256xf32>
    %add3A_67 = arith.addf %mul3A_58, %mul3A_66 : vector<256x256xf32>
    %get3A_68 = arith.constant 1 : index
    %get3A_69 = arith.constant 2 : index
    %get3A_70 = arith.constant 0 : index
    %get3A_71 = arith.constant 0 : index
    %get3A_72 = vector.load %arg2[%get3A_68, %get3A_69, %get3A_70, %get3A_71] : memref<4x4x256x256xf32, #tpu.memory_space<vmem>>, vector<1x1x256x256xf32>
    %get3A_73 = vector.shape_cast %get3A_72 : vector<1x1x256x256xf32> to vector<256x256xf32>
    %mul3A_74 = vector.broadcast %get3A_7 : vector<256x1xf32> to vector<256x256xf32>
    %mul3A_75 = arith.mulf %mul3A_74, %get3A_73 : vector<256x256xf32>
    %add3A_76 = arith.addf %add3A_67, %mul3A_75 : vector<256x256xf32>
    %get3A_77 = arith.constant 1 : index
    %get3A_78 = arith.constant 3 : index
    %get3A_79 = arith.constant 0 : index
    %get3A_80 = arith.constant 0 : index
    %get3A_81 = vector.load %arg2[%get3A_77, %get3A_78, %get3A_79, %get3A_80] : memref<4x4x256x256xf32, #tpu.memory_space<vmem>>, vector<1x1x256x256xf32>
    %get3A_82 = vector.shape_cast %get3A_81 : vector<1x1x256x256xf32> to vector<256x256xf32>
    %mul3A_83 = vector.broadcast %get3A_10 : vector<256x1xf32> to vector<256x256xf32>
    %mul3A_84 = arith.mulf %mul3A_83, %get3A_82 : vector<256x256xf32>
    %add3A_85 = arith.addf %add3A_76, %mul3A_84 : vector<256x256xf32>
    %mul3A_86 = arith.constant 5.000000e-01 : f32
    %mul3A_87 = vector.broadcast %mul3A_86 : f32 to vector<256x256xf32>
    %mul3A_88 = arith.mulf %add3A_85, %mul3A_87 : vector<256x256xf32>
    %reduce_sum3A_89 = arith.constant dense<0.000000e+00> : vector<256xf32>
    %reduce_sum3A_90 = vector.multi_reduction <add>, %mul3A_88, %reduce_sum3A_89 [1] : vector<256x256xf32> to vector<256xf32>
    %broadcast_in_dim3A_91 = vector.shape_cast %reduce_sum3A_90 : vector<256xf32> to vector<256x1xf32>
    %add3A_92 = arith.addf %add3A_50, %broadcast_in_dim3A_91 : vector<256x1xf32>
    %get3A_93 = arith.constant 2 : index
    %get3A_94 = arith.constant 0 : index
    %get3A_95 = arith.constant 0 : index
    %get3A_96 = arith.constant 0 : index
    %get3A_97 = vector.load %arg2[%get3A_93, %get3A_94, %get3A_95, %get3A_96] : memref<4x4x256x256xf32, #tpu.memory_space<vmem>>, vector<1x1x256x256xf32>
    %get3A_98 = vector.shape_cast %get3A_97 : vector<1x1x256x256xf32> to vector<256x256xf32>
    %mul3A_99 = vector.broadcast %get3A_1 : vector<256x1xf32> to vector<256x256xf32>
    %mul3A_100 = arith.mulf %mul3A_99, %get3A_98 : vector<256x256xf32>
    %get3A_101 = arith.constant 2 : index
    %get3A_102 = arith.constant 1 : index
    %get3A_103 = arith.constant 0 : index
    %get3A_104 = arith.constant 0 : index
    %get3A_105 = vector.load %arg2[%get3A_101, %get3A_102, %get3A_103, %get3A_104] : memref<4x4x256x256xf32, #tpu.memory_space<vmem>>, vector<1x1x256x256xf32>
    %get3A_106 = vector.shape_cast %get3A_105 : vector<1x1x256x256xf32> to vector<256x256xf32>
    %mul3A_107 = vector.broadcast %get3A_4 : vector<256x1xf32> to vector<256x256xf32>
    %mul3A_108 = arith.mulf %mul3A_107, %get3A_106 : vector<256x256xf32>
    %add3A_109 = arith.addf %mul3A_100, %mul3A_108 : vector<256x256xf32>
    %get3A_110 = arith.constant 2 : index
    %get3A_111 = arith.constant 2 : index
    %get3A_112 = arith.constant 0 : index
    %get3A_113 = arith.constant 0 : index
    %get3A_114 = vector.load %arg2[%get3A_110, %get3A_111, %get3A_112, %get3A_113] : memref<4x4x256x256xf32, #tpu.memory_space<vmem>>, vector<1x1x256x256xf32>
    %get3A_115 = vector.shape_cast %get3A_114 : vector<1x1x256x256xf32> to vector<256x256xf32>
    %mul3A_116 = vector.broadcast %get3A_7 : vector<256x1xf32> to vector<256x256xf32>
    %mul3A_117 = arith.mulf %mul3A_116, %get3A_115 : vector<256x256xf32>
    %add3A_118 = arith.addf %add3A_109, %mul3A_117 : vector<256x256xf32>
    %get3A_119 = arith.constant 2 : index
    %get3A_120 = arith.constant 3 : index
    %get3A_121 = arith.constant 0 : index
    %get3A_122 = arith.constant 0 : index
    %get3A_123 = vector.load %arg2[%get3A_119, %get3A_120, %get3A_121, %get3A_122] : memref<4x4x256x256xf32, #tpu.memory_space<vmem>>, vector<1x1x256x256xf32>
    %get3A_124 = vector.shape_cast %get3A_123 : vector<1x1x256x256xf32> to vector<256x256xf32>
    %mul3A_125 = vector.broadcast %get3A_10 : vector<256x1xf32> to vector<256x256xf32>
    %mul3A_126 = arith.mulf %mul3A_125, %get3A_124 : vector<256x256xf32>
    %add3A_127 = arith.addf %add3A_118, %mul3A_126 : vector<256x256xf32>
    %mul3A_128 = arith.constant 5.000000e-01 : f32
    %mul3A_129 = vector.broadcast %mul3A_128 : f32 to vector<256x256xf32>
    %mul3A_130 = arith.mulf %add3A_127, %mul3A_129 : vector<256x256xf32>
    %reduce_sum3A_131 = arith.constant dense<0.000000e+00> : vector<256xf32>
    %reduce_sum3A_132 = vector.multi_reduction <add>, %mul3A_130, %reduce_sum3A_131 [1] : vector<256x256xf32> to vector<256xf32>
    %broadcast_in_dim3A_133 = vector.shape_cast %reduce_sum3A_132 : vector<256xf32> to vector<256x1xf32>
    %add3A_134 = arith.addf %add3A_92, %broadcast_in_dim3A_133 : vector<256x1xf32>
    %get3A_135 = arith.constant 3 : index
    %get3A_136 = arith.constant 0 : index
    %get3A_137 = arith.constant 0 : index
    %get3A_138 = arith.constant 0 : index
    %get3A_139 = vector.load %arg2[%get3A_135, %get3A_136, %get3A_137, %get3A_138] : memref<4x4x256x256xf32, #tpu.memory_space<vmem>>, vector<1x1x256x256xf32>
    %get3A_140 = vector.shape_cast %get3A_139 : vector<1x1x256x256xf32> to vector<256x256xf32>
    %mul3A_141 = vector.broadcast %get3A_1 : vector<256x1xf32> to vector<256x256xf32>
    %mul3A_142 = arith.mulf %mul3A_141, %get3A_140 : vector<256x256xf32>
    %get3A_143 = arith.constant 3 : index
    %get3A_144 = arith.constant 1 : index
    %get3A_145 = arith.constant 0 : index
    %get3A_146 = arith.constant 0 : index
    %get3A_147 = vector.load %arg2[%get3A_143, %get3A_144, %get3A_145, %get3A_146] : memref<4x4x256x256xf32, #tpu.memory_space<vmem>>, vector<1x1x256x256xf32>
    %get3A_148 = vector.shape_cast %get3A_147 : vector<1x1x256x256xf32> to vector<256x256xf32>
    %mul3A_149 = vector.broadcast %get3A_4 : vector<256x1xf32> to vector<256x256xf32>
    %mul3A_150 = arith.mulf %mul3A_149, %get3A_148 : vector<256x256xf32>
    %add3A_151 = arith.addf %mul3A_142, %mul3A_150 : vector<256x256xf32>
    %get3A_152 = arith.constant 3 : index
    %get3A_153 = arith.constant 2 : index
    %get3A_154 = arith.constant 0 : index
    %get3A_155 = arith.constant 0 : index
    %get3A_156 = vector.load %arg2[%get3A_152, %get3A_153, %get3A_154, %get3A_155] : memref<4x4x256x256xf32, #tpu.memory_space<vmem>>, vector<1x1x256x256xf32>
    %get3A_157 = vector.shape_cast %get3A_156 : vector<1x1x256x256xf32> to vector<256x256xf32>
    %mul3A_158 = vector.broadcast %get3A_7 : vector<256x1xf32> to vector<256x256xf32>
    %mul3A_159 = arith.mulf %mul3A_158, %get3A_157 : vector<256x256xf32>
    %add3A_160 = arith.addf %add3A_151, %mul3A_159 : vector<256x256xf32>
    %get3A_161 = arith.constant 3 : index
    %get3A_162 = arith.constant 3 : index
    %get3A_163 = arith.constant 0 : index
    %get3A_164 = arith.constant 0 : index
    %get3A_165 = vector.load %arg2[%get3A_161, %get3A_162, %get3A_163, %get3A_164] : memref<4x4x256x256xf32, #tpu.memory_space<vmem>>, vector<1x1x256x256xf32>
    %get3A_166 = vector.shape_cast %get3A_165 : vector<1x1x256x256xf32> to vector<256x256xf32>
    %mul3A_167 = vector.broadcast %get3A_10 : vector<256x1xf32> to vector<256x256xf32>
    %mul3A_168 = arith.mulf %mul3A_167, %get3A_166 : vector<256x256xf32>
    %add3A_169 = arith.addf %add3A_160, %mul3A_168 : vector<256x256xf32>
    %mul3A_170 = arith.constant 5.000000e-01 : f32
    %mul3A_171 = vector.broadcast %mul3A_170 : f32 to vector<256x256xf32>
    %mul3A_172 = arith.mulf %add3A_169, %mul3A_171 : vector<256x256xf32>
    %reduce_sum3A_173 = arith.constant dense<0.000000e+00> : vector<256xf32>
    %reduce_sum3A_174 = vector.multi_reduction <add>, %mul3A_172, %reduce_sum3A_173 [1] : vector<256x256xf32> to vector<256xf32>
    %broadcast_in_dim3A_175 = vector.shape_cast %reduce_sum3A_174 : vector<256xf32> to vector<256x1xf32>
    %add3A_176 = arith.addf %add3A_134, %broadcast_in_dim3A_175 : vector<256x1xf32>
    %div3A = arith.constant 1.024000e+03 : f32
    %div3A_177 = vector.broadcast %div3A : f32 to vector<256x1xf32>
    %div3A_178 = arith.divf %add3A_176, %div3A_177 : vector<256x1xf32>
    %broadcast_in_dim3A_179 = arith.constant 0.000000e+00 : f32
    %broadcast_in_dim3A_180 = vector.broadcast %broadcast_in_dim3A_179 : f32 to vector<256x1xf32>
    %sub3A = vector.broadcast %div3A_178 : vector<256x1xf32> to vector<256x256xf32>
    %sub3A_181 = arith.subf %mul3A_47, %sub3A : vector<256x256xf32>
    %mul3A_182 = arith.mulf %sub3A_181, %sub3A_181 : vector<256x256xf32>
    %reduce_sum3A_183 = arith.constant dense<0.000000e+00> : vector<256xf32>
    %reduce_sum3A_184 = vector.multi_reduction <add>, %mul3A_182, %reduce_sum3A_183 [1] : vector<256x256xf32> to vector<256xf32>
    %broadcast_in_dim3A_185 = vector.shape_cast %reduce_sum3A_184 : vector<256xf32> to vector<256x1xf32>
    %add3A_186 = arith.addf %broadcast_in_dim3A_180, %broadcast_in_dim3A_185 : vector<256x1xf32>
    %sub3A_187 = vector.broadcast %div3A_178 : vector<256x1xf32> to vector<256x256xf32>
    %sub3A_188 = arith.subf %mul3A_88, %sub3A_187 : vector<256x256xf32>
    %mul3A_189 = arith.mulf %sub3A_188, %sub3A_188 : vector<256x256xf32>
    %reduce_sum3A_190 = arith.constant dense<0.000000e+00> : vector<256xf32>
    %reduce_sum3A_191 = vector.multi_reduction <add>, %mul3A_189, %reduce_sum3A_190 [1] : vector<256x256xf32> to vector<256xf32>
    %broadcast_in_dim3A_192 = vector.shape_cast %reduce_sum3A_191 : vector<256xf32> to vector<256x1xf32>
    %add3A_193 = arith.addf %add3A_186, %broadcast_in_dim3A_192 : vector<256x1xf32>
    %sub3A_194 = vector.broadcast %div3A_178 : vector<256x1xf32> to vector<256x256xf32>
    %sub3A_195 = arith.subf %mul3A_130, %sub3A_194 : vector<256x256xf32>
    %mul3A_196 = arith.mulf %sub3A_195, %sub3A_195 : vector<256x256xf32>
    %reduce_sum3A_197 = arith.constant dense<0.000000e+00> : vector<256xf32>
    %reduce_sum3A_198 = vector.multi_reduction <add>, %mul3A_196, %reduce_sum3A_197 [1] : vector<256x256xf32> to vector<256xf32>
    %broadcast_in_dim3A_199 = vector.shape_cast %reduce_sum3A_198 : vector<256xf32> to vector<256x1xf32>
    %add3A_200 = arith.addf %add3A_193, %broadcast_in_dim3A_199 : vector<256x1xf32>
    %sub3A_201 = vector.broadcast %div3A_178 : vector<256x1xf32> to vector<256x256xf32>
    %sub3A_202 = arith.subf %mul3A_172, %sub3A_201 : vector<256x256xf32>
    %mul3A_203 = arith.mulf %sub3A_202, %sub3A_202 : vector<256x256xf32>
    %reduce_sum3A_204 = arith.constant dense<0.000000e+00> : vector<256xf32>
    %reduce_sum3A_205 = vector.multi_reduction <add>, %mul3A_203, %reduce_sum3A_204 [1] : vector<256x256xf32> to vector<256xf32>
    %broadcast_in_dim3A_206 = vector.shape_cast %reduce_sum3A_205 : vector<256xf32> to vector<256x1xf32>
    %add3A_207 = arith.addf %add3A_200, %broadcast_in_dim3A_206 : vector<256x1xf32>
    %div3A_208 = arith.constant 1.024000e+03 : f32
    %div3A_209 = vector.broadcast %div3A_208 : f32 to vector<256x1xf32>
    %div3A_210 = arith.divf %add3A_207, %div3A_209 : vector<256x1xf32>
    %add3A_211 = arith.constant 9.99999974E-6 : f32
    %add3A_212 = vector.broadcast %add3A_211 : f32 to vector<256x1xf32>
    %add3A_213 = arith.addf %div3A_210, %add3A_212 : vector<256x1xf32>
    %rsqrt3A = math.rsqrt %add3A_213 : vector<256x1xf32>
    %get3A_214 = arith.constant 0 : index
    %get3A_215 = arith.constant 0 : index
    %get3A_216 = vector.load %arg9[%get3A_214, %get3A_215] : memref<1x1024xf32, #tpu.memory_space<vmem>>, vector<1x1024xf32>
    %broadcast_in_dim3A_217 = arith.constant 1.000000e+00 : f32
    %broadcast_in_dim3A_218 = vector.broadcast %broadcast_in_dim3A_217 : f32 to vector<256x1xf32>
    %mul3A_219 = vector.broadcast %get3A_216 : vector<1x1024xf32> to vector<256x1024xf32>
    %mul3A_220 = vector.broadcast %broadcast_in_dim3A_218 : vector<256x1xf32> to vector<256x1024xf32>
    %mul3A_221 = arith.mulf %mul3A_219, %mul3A_220 : vector<256x1024xf32>
    %sub3A_222 = vector.broadcast %div3A_178 : vector<256x1xf32> to vector<256x256xf32>
    %sub3A_223 = arith.subf %mul3A_47, %sub3A_222 : vector<256x256xf32>
    %mul3A_224 = vector.broadcast %rsqrt3A : vector<256x1xf32> to vector<256x256xf32>
    %mul3A_225 = arith.mulf %sub3A_223, %mul3A_224 : vector<256x256xf32>
    %get3A_226 = arith.constant 0 : index
    %get3A_227 = arith.constant 0 : index
    %get3A_228 = vector.load %arg6[%get3A_226, %get3A_227] : memref<1x1024xf32, #tpu.memory_space<vmem>>, vector<1x256xf32>
    %mul3A_229 = vector.broadcast %get3A_228 : vector<1x256xf32> to vector<256x256xf32>
    %mul3A_230 = arith.mulf %mul3A_225, %mul3A_229 : vector<256x256xf32>
    %get3A_231 = arith.constant 0 : index
    %get3A_232 = arith.constant 0 : index
    %get3A_233 = vector.load %arg7[%get3A_231, %get3A_232] : memref<1x1024xf32, #tpu.memory_space<vmem>>, vector<1x256xf32>
    %add3A_234 = vector.broadcast %get3A_233 : vector<1x256xf32> to vector<256x256xf32>
    %add3A_235 = arith.addf %mul3A_230, %add3A_234 : vector<256x256xf32>
    %get3A_236 = arith.constant 0 : index
    %get3A_237 = arith.constant 0 : index
    %get3A_238 = arith.constant 0 : index
    %get3A_239 = vector.load %arg4[%get3A_236, %get3A_237, %get3A_238] : memref<1x1x1024xf32, #tpu.memory_space<vmem>>, vector<1x1x256xf32>
    %get3A_240 = vector.shape_cast %get3A_239 : vector<1x1x256xf32> to vector<1x256xf32>
    %add3A_241 = arith.constant 1.000000e+00 : f32
    %add3A_242 = vector.broadcast %add3A_241 : f32 to vector<1x256xf32>
    %add3A_243 = arith.addf %add3A_242, %get3A_240 : vector<1x256xf32>
    %mul3A_244 = vector.broadcast %add3A_243 : vector<1x256xf32> to vector<256x256xf32>
    %mul3A_245 = arith.mulf %add3A_235, %mul3A_244 : vector<256x256xf32>
    %get3A_246 = arith.constant 0 : index
    %get3A_247 = arith.constant 0 : index
    %get3A_248 = arith.constant 0 : index
    %get3A_249 = vector.load %arg5[%get3A_246, %get3A_247, %get3A_248] : memref<1x1x1024xf32, #tpu.memory_space<vmem>>, vector<1x1x256xf32>
    %get3A_250 = vector.shape_cast %get3A_249 : vector<1x1x256xf32> to vector<1x256xf32>
    %add3A_251 = vector.broadcast %get3A_250 : vector<1x256xf32> to vector<256x256xf32>
    %add3A_252 = arith.addf %mul3A_245, %add3A_251 : vector<256x256xf32>
    %logistic3A = arith.negf %add3A_252 : vector<256x256xf32>
    %logistic3A_253 = math.exp %logistic3A : vector<256x256xf32>
    %logistic3A_254 = arith.constant 1.000000e+00 : f32
    %logistic3A_255 = vector.broadcast %logistic3A_254 : f32 to vector<256x256xf32>
    %logistic3A_256 = arith.addf %logistic3A_255, %logistic3A_253 : vector<256x256xf32>
    %logistic3A_257 = arith.divf %logistic3A_255, %logistic3A_256 : vector<256x256xf32>
    %mul3A_258 = arith.mulf %add3A_252, %logistic3A_257 : vector<256x256xf32>
    %convert_element_type3A = arith.truncf %mul3A_258 : vector<256x256xf32> to vector<256x256xbf16>
    %get3A_259 = arith.constant 0 : index
    %get3A_260 = arith.constant 0 : index
    %get3A_261 = arith.constant 0 : index
    %get3A_262 = vector.load %arg8[%get3A_259, %get3A_260, %get3A_261] : memref<4x256x1024xbf16, #tpu.memory_space<vmem>>, vector<1x256x1024xbf16>
    %get3A_263 = vector.shape_cast %get3A_262 : vector<1x256x1024xbf16> to vector<256x1024xbf16>
    %dot_general3A = arith.constant dense<0.000000e+00> : vector<256x1024xf32>
    %dot_general3A_264 = tpu.matmul %convert_element_type3A, %get3A_263, %dot_general3A {dimension_numbers = #tpu.dot_dimension_numbers<[1], [0], [0], [1], [0, 0, 1, 1], [], []>, transpose_lhs_hint = false} : vector<256x256xbf16>, vector<256x1024xbf16>, vector<256x1024xf32> -> vector<256x1024xf32>
    %add3A_265 = arith.addf %mul3A_221, %dot_general3A_264 : vector<256x1024xf32>
    %sub3A_266 = vector.broadcast %div3A_178 : vector<256x1xf32> to vector<256x256xf32>
    %sub3A_267 = arith.subf %mul3A_88, %sub3A_266 : vector<256x256xf32>
    %mul3A_268 = vector.broadcast %rsqrt3A : vector<256x1xf32> to vector<256x256xf32>
    %mul3A_269 = arith.mulf %sub3A_267, %mul3A_268 : vector<256x256xf32>
    %get3A_270 = arith.constant 0 : index
    %get3A_271 = arith.constant 256 : index
    %get3A_272 = vector.load %arg6[%get3A_270, %get3A_271] : memref<1x1024xf32, #tpu.memory_space<vmem>>, vector<1x256xf32>
    %mul3A_273 = vector.broadcast %get3A_272 : vector<1x256xf32> to vector<256x256xf32>
    %mul3A_274 = arith.mulf %mul3A_269, %mul3A_273 : vector<256x256xf32>
    %get3A_275 = arith.constant 0 : index
    %get3A_276 = arith.constant 256 : index
    %get3A_277 = vector.load %arg7[%get3A_275, %get3A_276] : memref<1x1024xf32, #tpu.memory_space<vmem>>, vector<1x256xf32>
    %add3A_278 = vector.broadcast %get3A_277 : vector<1x256xf32> to vector<256x256xf32>
    %add3A_279 = arith.addf %mul3A_274, %add3A_278 : vector<256x256xf32>
    %get3A_280 = arith.constant 0 : index
    %get3A_281 = arith.constant 0 : index
    %get3A_282 = arith.constant 256 : index
    %get3A_283 = vector.load %arg4[%get3A_280, %get3A_281, %get3A_282] : memref<1x1x1024xf32, #tpu.memory_space<vmem>>, vector<1x1x256xf32>
    %get3A_284 = vector.shape_cast %get3A_283 : vector<1x1x256xf32> to vector<1x256xf32>
    %add3A_285 = arith.constant 1.000000e+00 : f32
    %add3A_286 = vector.broadcast %add3A_285 : f32 to vector<1x256xf32>
    %add3A_287 = arith.addf %add3A_286, %get3A_284 : vector<1x256xf32>
    %mul3A_288 = vector.broadcast %add3A_287 : vector<1x256xf32> to vector<256x256xf32>
    %mul3A_289 = arith.mulf %add3A_279, %mul3A_288 : vector<256x256xf32>
    %get3A_290 = arith.constant 0 : index
    %get3A_291 = arith.constant 0 : index
    %get3A_292 = arith.constant 256 : index
    %get3A_293 = vector.load %arg5[%get3A_290, %get3A_291, %get3A_292] : memref<1x1x1024xf32, #tpu.memory_space<vmem>>, vector<1x1x256xf32>
    %get3A_294 = vector.shape_cast %get3A_293 : vector<1x1x256xf32> to vector<1x256xf32>
    %add3A_295 = vector.broadcast %get3A_294 : vector<1x256xf32> to vector<256x256xf32>
    %add3A_296 = arith.addf %mul3A_289, %add3A_295 : vector<256x256xf32>
    %logistic3A_297 = arith.negf %add3A_296 : vector<256x256xf32>
    %logistic3A_298 = math.exp %logistic3A_297 : vector<256x256xf32>
    %logistic3A_299 = arith.constant 1.000000e+00 : f32
    %logistic3A_300 = vector.broadcast %logistic3A_299 : f32 to vector<256x256xf32>
    %logistic3A_301 = arith.addf %logistic3A_300, %logistic3A_298 : vector<256x256xf32>
    %logistic3A_302 = arith.divf %logistic3A_300, %logistic3A_301 : vector<256x256xf32>
    %mul3A_303 = arith.mulf %add3A_296, %logistic3A_302 : vector<256x256xf32>
    %convert_element_type3A_304 = arith.truncf %mul3A_303 : vector<256x256xf32> to vector<256x256xbf16>
    %get3A_305 = arith.constant 1 : index
    %get3A_306 = arith.constant 0 : index
    %get3A_307 = arith.constant 0 : index
    %get3A_308 = vector.load %arg8[%get3A_305, %get3A_306, %get3A_307] : memref<4x256x1024xbf16, #tpu.memory_space<vmem>>, vector<1x256x1024xbf16>
    %get3A_309 = vector.shape_cast %get3A_308 : vector<1x256x1024xbf16> to vector<256x1024xbf16>
    %dot_general3A_310 = arith.constant dense<0.000000e+00> : vector<256x1024xf32>
    %dot_general3A_311 = tpu.matmul %convert_element_type3A_304, %get3A_309, %dot_general3A_310 {dimension_numbers = #tpu.dot_dimension_numbers<[1], [0], [0], [1], [0, 0, 1, 1], [], []>, transpose_lhs_hint = false} : vector<256x256xbf16>, vector<256x1024xbf16>, vector<256x1024xf32> -> vector<256x1024xf32>
    %add3A_312 = arith.addf %add3A_265, %dot_general3A_311 : vector<256x1024xf32>
    %sub3A_313 = vector.broadcast %div3A_178 : vector<256x1xf32> to vector<256x256xf32>
    %sub3A_314 = arith.subf %mul3A_130, %sub3A_313 : vector<256x256xf32>
    %mul3A_315 = vector.broadcast %rsqrt3A : vector<256x1xf32> to vector<256x256xf32>
    %mul3A_316 = arith.mulf %sub3A_314, %mul3A_315 : vector<256x256xf32>
    %get3A_317 = arith.constant 0 : index
    %get3A_318 = arith.constant 512 : index
    %get3A_319 = vector.load %arg6[%get3A_317, %get3A_318] : memref<1x1024xf32, #tpu.memory_space<vmem>>, vector<1x256xf32>
    %mul3A_320 = vector.broadcast %get3A_319 : vector<1x256xf32> to vector<256x256xf32>
    %mul3A_321 = arith.mulf %mul3A_316, %mul3A_320 : vector<256x256xf32>
    %get3A_322 = arith.constant 0 : index
    %get3A_323 = arith.constant 512 : index
    %get3A_324 = vector.load %arg7[%get3A_322, %get3A_323] : memref<1x1024xf32, #tpu.memory_space<vmem>>, vector<1x256xf32>
    %add3A_325 = vector.broadcast %get3A_324 : vector<1x256xf32> to vector<256x256xf32>
    %add3A_326 = arith.addf %mul3A_321, %add3A_325 : vector<256x256xf32>
    %get3A_327 = arith.constant 0 : index
    %get3A_328 = arith.constant 0 : index
    %get3A_329 = arith.constant 512 : index
    %get3A_330 = vector.load %arg4[%get3A_327, %get3A_328, %get3A_329] : memref<1x1x1024xf32, #tpu.memory_space<vmem>>, vector<1x1x256xf32>
    %get3A_331 = vector.shape_cast %get3A_330 : vector<1x1x256xf32> to vector<1x256xf32>
    %add3A_332 = arith.constant 1.000000e+00 : f32
    %add3A_333 = vector.broadcast %add3A_332 : f32 to vector<1x256xf32>
    %add3A_334 = arith.addf %add3A_333, %get3A_331 : vector<1x256xf32>
    %mul3A_335 = vector.broadcast %add3A_334 : vector<1x256xf32> to vector<256x256xf32>
    %mul3A_336 = arith.mulf %add3A_326, %mul3A_335 : vector<256x256xf32>
    %get3A_337 = arith.constant 0 : index
    %get3A_338 = arith.constant 0 : index
    %get3A_339 = arith.constant 512 : index
    %get3A_340 = vector.load %arg5[%get3A_337, %get3A_338, %get3A_339] : memref<1x1x1024xf32, #tpu.memory_space<vmem>>, vector<1x1x256xf32>
    %get3A_341 = vector.shape_cast %get3A_340 : vector<1x1x256xf32> to vector<1x256xf32>
    %add3A_342 = vector.broadcast %get3A_341 : vector<1x256xf32> to vector<256x256xf32>
    %add3A_343 = arith.addf %mul3A_336, %add3A_342 : vector<256x256xf32>
    %logistic3A_344 = arith.negf %add3A_343 : vector<256x256xf32>
    %logistic3A_345 = math.exp %logistic3A_344 : vector<256x256xf32>
    %logistic3A_346 = arith.constant 1.000000e+00 : f32
    %logistic3A_347 = vector.broadcast %logistic3A_346 : f32 to vector<256x256xf32>
    %logistic3A_348 = arith.addf %logistic3A_347, %logistic3A_345 : vector<256x256xf32>
    %logistic3A_349 = arith.divf %logistic3A_347, %logistic3A_348 : vector<256x256xf32>
    %mul3A_350 = arith.mulf %add3A_343, %logistic3A_349 : vector<256x256xf32>
    %convert_element_type3A_351 = arith.truncf %mul3A_350 : vector<256x256xf32> to vector<256x256xbf16>
    %get3A_352 = arith.constant 2 : index
    %get3A_353 = arith.constant 0 : index
    %get3A_354 = arith.constant 0 : index
    %get3A_355 = vector.load %arg8[%get3A_352, %get3A_353, %get3A_354] : memref<4x256x1024xbf16, #tpu.memory_space<vmem>>, vector<1x256x1024xbf16>
    %get3A_356 = vector.shape_cast %get3A_355 : vector<1x256x1024xbf16> to vector<256x1024xbf16>
    %dot_general3A_357 = arith.constant dense<0.000000e+00> : vector<256x1024xf32>
    %dot_general3A_358 = tpu.matmul %convert_element_type3A_351, %get3A_356, %dot_general3A_357 {dimension_numbers = #tpu.dot_dimension_numbers<[1], [0], [0], [1], [0, 0, 1, 1], [], []>, transpose_lhs_hint = false} : vector<256x256xbf16>, vector<256x1024xbf16>, vector<256x1024xf32> -> vector<256x1024xf32>
    %add3A_359 = arith.addf %add3A_312, %dot_general3A_358 : vector<256x1024xf32>
    %sub3A_360 = vector.broadcast %div3A_178 : vector<256x1xf32> to vector<256x256xf32>
    %sub3A_361 = arith.subf %mul3A_172, %sub3A_360 : vector<256x256xf32>
    %mul3A_362 = vector.broadcast %rsqrt3A : vector<256x1xf32> to vector<256x256xf32>
    %mul3A_363 = arith.mulf %sub3A_361, %mul3A_362 : vector<256x256xf32>
    %get3A_364 = arith.constant 0 : index
    %get3A_365 = arith.constant 768 : index
    %get3A_366 = vector.load %arg6[%get3A_364, %get3A_365] : memref<1x1024xf32, #tpu.memory_space<vmem>>, vector<1x256xf32>
    %mul3A_367 = vector.broadcast %get3A_366 : vector<1x256xf32> to vector<256x256xf32>
    %mul3A_368 = arith.mulf %mul3A_363, %mul3A_367 : vector<256x256xf32>
    %get3A_369 = arith.constant 0 : index
    %get3A_370 = arith.constant 768 : index
    %get3A_371 = vector.load %arg7[%get3A_369, %get3A_370] : memref<1x1024xf32, #tpu.memory_space<vmem>>, vector<1x256xf32>
    %add3A_372 = vector.broadcast %get3A_371 : vector<1x256xf32> to vector<256x256xf32>
    %add3A_373 = arith.addf %mul3A_368, %add3A_372 : vector<256x256xf32>
    %get3A_374 = arith.constant 0 : index
    %get3A_375 = arith.constant 0 : index
    %get3A_376 = arith.constant 768 : index
    %get3A_377 = vector.load %arg4[%get3A_374, %get3A_375, %get3A_376] : memref<1x1x1024xf32, #tpu.memory_space<vmem>>, vector<1x1x256xf32>
    %get3A_378 = vector.shape_cast %get3A_377 : vector<1x1x256xf32> to vector<1x256xf32>
    %add3A_379 = arith.constant 1.000000e+00 : f32
    %add3A_380 = vector.broadcast %add3A_379 : f32 to vector<1x256xf32>
    %add3A_381 = arith.addf %add3A_380, %get3A_378 : vector<1x256xf32>
    %mul3A_382 = vector.broadcast %add3A_381 : vector<1x256xf32> to vector<256x256xf32>
    %mul3A_383 = arith.mulf %add3A_373, %mul3A_382 : vector<256x256xf32>
    %get3A_384 = arith.constant 0 : index
    %get3A_385 = arith.constant 0 : index
    %get3A_386 = arith.constant 768 : index
    %get3A_387 = vector.load %arg5[%get3A_384, %get3A_385, %get3A_386] : memref<1x1x1024xf32, #tpu.memory_space<vmem>>, vector<1x1x256xf32>
    %get3A_388 = vector.shape_cast %get3A_387 : vector<1x1x256xf32> to vector<1x256xf32>
    %add3A_389 = vector.broadcast %get3A_388 : vector<1x256xf32> to vector<256x256xf32>
    %add3A_390 = arith.addf %mul3A_383, %add3A_389 : vector<256x256xf32>
    %logistic3A_391 = arith.negf %add3A_390 : vector<256x256xf32>
    %logistic3A_392 = math.exp %logistic3A_391 : vector<256x256xf32>
    %logistic3A_393 = arith.constant 1.000000e+00 : f32
    %logistic3A_394 = vector.broadcast %logistic3A_393 : f32 to vector<256x256xf32>
    %logistic3A_395 = arith.addf %logistic3A_394, %logistic3A_392 : vector<256x256xf32>
    %logistic3A_396 = arith.divf %logistic3A_394, %logistic3A_395 : vector<256x256xf32>
    %mul3A_397 = arith.mulf %add3A_390, %logistic3A_396 : vector<256x256xf32>
    %convert_element_type3A_398 = arith.truncf %mul3A_397 : vector<256x256xf32> to vector<256x256xbf16>
    %get3A_399 = arith.constant 3 : index
    %get3A_400 = arith.constant 0 : index
    %get3A_401 = arith.constant 0 : index
    %get3A_402 = vector.load %arg8[%get3A_399, %get3A_400, %get3A_401] : memref<4x256x1024xbf16, #tpu.memory_space<vmem>>, vector<1x256x1024xbf16>
    %get3A_403 = vector.shape_cast %get3A_402 : vector<1x256x1024xbf16> to vector<256x1024xbf16>
    %dot_general3A_404 = arith.constant dense<0.000000e+00> : vector<256x1024xf32>
    %dot_general3A_405 = tpu.matmul %convert_element_type3A_398, %get3A_403, %dot_general3A_404 {dimension_numbers = #tpu.dot_dimension_numbers<[1], [0], [0], [1], [0, 0, 1, 1], [], []>, transpose_lhs_hint = false} : vector<256x256xbf16>, vector<256x1024xbf16>, vector<256x1024xf32> -> vector<256x1024xf32>
    %add3A_406 = arith.addf %add3A_359, %dot_general3A_405 : vector<256x1024xf32>
    %get3A_407 = arith.constant 0 : index
    %get3A_408 = arith.constant 0 : index
    %get3A_409 = vector.load %arg1[%get3A_407, %get3A_408] : memref<256x1024xf32, #tpu.memory_space<vmem>>, vector<256x1024xf32>
    %add3A_410 = arith.addf %get3A_409, %add3A_406 : vector<256x1024xf32>
    %swap3A = arith.constant 0 : index
    %swap3A_411 = arith.constant 0 : index
    %swap3A_412 = vector.load %arg10[%swap3A, %swap3A_411] : memref<256x1024xf32, #tpu.memory_space<vmem>>, vector<256x1024xf32>
    tpu.vector_store %arg10[%swap3A, %swap3A_411], %add3A_410 {strides = array<i32>} : memref<256x1024xf32, #tpu.memory_space<vmem>>, vector<256x1024xf32>,
    return
  }
  func.func @transform_0(%arg0: i32) -> (i32, i32) {
    %c0_i32 = arith.constant 0 : i32
    %c0_i32_0 = arith.constant 0 : i32
    return %arg0, %c0_i32 : i32, i32
  }
  func.func @transform_1(%arg0: i32) -> (i32, i32, i32, i32) {
    %c0_i32 = arith.constant 0 : i32
    %c0_i32_0 = arith.constant 0 : i32
    %c0_i32_1 = arith.constant 0 : i32
    %c0_i32_2 = arith.constant 0 : i32
    return %c0_i32, %c0_i32_0, %arg0, %c0_i32_1 : i32, i32, i32, i32
  }
  func.func @transform_2(%arg0: i32) -> (i32, i32) {
    %c0_i32 = arith.constant 0 : i32
    %c0_i32_0 = arith.constant 0 : i32
    return %arg0, %c0_i32 : i32, i32
  }
  func.func @transform_3(%arg0: i32) -> (i32, i32, i32) {
    %jit3A = arith.constant 8 : i32
    %div3A = arith.divsi %arg0, %jit3A : i32
    %sign3A = arith.constant 0 : i32
    %sign3A_0 = arith.cmpi sgt, %arg0, %sign3A : i32
    %sign3A_1 = arith.extui %sign3A_0 : i1 to i32
    %sign3A_2 = arith.constant 0 : i32
    %sign3A_3 = arith.cmpi slt, %arg0, %sign3A_2 : i32
    %sign3A_4 = arith.extui %sign3A_3 : i1 to i32
    %sign3A_5 = arith.subi %sign3A_1, %sign3A_4 : i32
    %sign3A_6 = arith.constant 0 : i32
    %sign3A_7 = arith.cmpi sgt, %jit3A, %sign3A_6 : i32
    %sign3A_8 = arith.extui %sign3A_7 : i1 to i32
    %sign3A_9 = arith.constant 0 : i32
    %sign3A_10 = arith.cmpi slt, %jit3A, %sign3A_9 : i32
    %sign3A_11 = arith.extui %sign3A_10 : i1 to i32
    %sign3A_12 = arith.subi %sign3A_8, %sign3A_11 : i32
    %ne3A = arith.cmpi ne, %sign3A_5, %sign3A_12 : i32
    %rem3A = arith.remsi %arg0, %jit3A : i32
    %ne3A_13 = arith.constant 0 : i32
    %ne3A_14 = arith.cmpi ne, %rem3A, %ne3A_13 : i32
    %and3A = arith.andi %ne3A, %ne3A_14 : i1
    %sub3A = arith.constant 1 : i32
    %sub3A_15 = arith.subi %div3A, %sub3A : i32
    %select_n3A = arith.select %and3A, %sub3A_15, %div3A : i32
    %c0_i32 = arith.constant 0 : i32
    %c0_i32_16 = arith.constant 0 : i32
    %c0_i32_17 = arith.constant 0 : i32
    return %select_n3A, %c0_i32, %c0_i32_16 : i32, i32, i32
  }
  func.func @transform_4(%arg0: i32) -> (i32, i32, i32) {
    %jit3A = arith.constant 8 : i32
    %div3A = arith.divsi %arg0, %jit3A : i32
    %sign3A = arith.constant 0 : i32
    %sign3A_0 = arith.cmpi sgt, %arg0, %sign3A : i32
    %sign3A_1 = arith.extui %sign3A_0 : i1 to i32
    %sign3A_2 = arith.constant 0 : i32
    %sign3A_3 = arith.cmpi slt, %arg0, %sign3A_2 : i32
    %sign3A_4 = arith.extui %sign3A_3 : i1 to i32
    %sign3A_5 = arith.subi %sign3A_1, %sign3A_4 : i32
    %sign3A_6 = arith.constant 0 : i32
    %sign3A_7 = arith.cmpi sgt, %jit3A, %sign3A_6 : i32
    %sign3A_8 = arith.extui %sign3A_7 : i1 to i32
    %sign3A_9 = arith.constant 0 : i32
    %sign3A_10 = arith.cmpi slt, %jit3A, %sign3A_9 : i32
    %sign3A_11 = arith.extui %sign3A_10 : i1 to i32
    %sign3A_12 = arith.subi %sign3A_8, %sign3A_11 : i32
    %ne3A = arith.cmpi ne, %sign3A_5, %sign3A_12 : i32
    %rem3A = arith.remsi %arg0, %jit3A : i32
    %ne3A_13 = arith.constant 0 : i32
    %ne3A_14 = arith.cmpi ne, %rem3A, %ne3A_13 : i32
    %and3A = arith.andi %ne3A, %ne3A_14 : i1
    %sub3A = arith.constant 1 : i32
    %sub3A_15 = arith.subi %div3A, %sub3A : i32
    %select_n3A = arith.select %and3A, %sub3A_15, %div3A : i32
    %c0_i32 = arith.constant 0 : i32
    %c0_i32_16 = arith.constant 0 : i32
    %c0_i32_17 = arith.constant 0 : i32
    return %select_n3A, %c0_i32, %c0_i32_16 : i32, i32, i32
  }
  func.func @transform_5(%arg0: i32) -> (i32, i32) {
    %c0_i32 = arith.constant 0 : i32
    %c0_i32_0 = arith.constant 0 : i32
    %c0_i32_1 = arith.constant 0 : i32
    return %c0_i32, %c0_i32_0 : i32, i32
  }
  func.func @transform_6(%arg0: i32) -> (i32, i32) {
    %c0_i32 = arith.constant 0 : i32
    %c0_i32_0 = arith.constant 0 : i32
    %c0_i32_1 = arith.constant 0 : i32
    return %c0_i32, %c0_i32_0 : i32, i32
  }
  func.func @transform_7(%arg0: i32) -> (i32, i32, i32) {
    %c0_i32 = arith.constant 0 : i32
    %c0_i32_0 = arith.constant 0 : i32
    %c0_i32_1 = arith.constant 0 : i32
    %c0_i32_2 = arith.constant 0 : i32
    return %c0_i32, %c0_i32_0, %c0_i32_1 : i32, i32, i32
  }
  func.func @transform_8(%arg0: i32) -> (i32, i32) {
    %c0_i32 = arith.constant 0 : i32
    %c0_i32_0 = arith.constant 0 : i32
    %c0_i32_1 = arith.constant 0 : i32
    return %c0_i32, %c0_i32_0 : i32, i32
  }
  func.func @transform_9(%arg0: i32) -> (i32, i32) {
    %c0_i32 = arith.constant 0 : i32
    %c0_i32_0 = arith.constant 0 : i32
    return %arg0, %c0_i32 : i32, i32
  }
}

</mosaic_0001>

<sc_bundles>
// kernel: kernel.11.cloned.1.call-start
scs
__scs_entry_jumppad:
0x0: {  	(pc) =	sbr.rel $0x88, $3  }
0x1: {  	(tag) =	ssettag $0x0;
	lr =	simm.s32 $0x1  }
0x2: {  	[smem:$0x3F89] =	sst lr;
	_ =	strace $0xD0000000  }
0x3: {  	_ = 	snop  }
0x4: {  	_ = 	snop  }
0x5: {  	_ = 	snop  }
0x6: {  	_ = 	snop  }
0x7: {  	_ = 	snop  }
__scs_overlays_trampoline_lowered:
0x8: {  	[smem:$0x3F98] =	sst s0  }
0x9: {  	[smem:$0x3F99] =	sst s1  }
0xa: {  	[smem:$0x3F9A] =	sst s2  }
0xb: {  	[smem:$0x3F9B] =	sst s3  }
0xc: {  	[smem:$0x3F9C] =	sst s4  }
0xd: {  	[smem:$0x3F9D] =	sst s5  }
0xe: {  	[smem:$0x3F9E] =	sst s6  }
0xf: {  	[smem:$0x3F9F] =	sst s7  }
0x10: {  	[smem:$0x3FA0] =	sst s8  }
0x11: {  	[smem:$0x3FA1] =	sst s9;
	s0 =	simm.s32 @!p0 $0x0  }
0x12: {  	s1 =	sld [smem:$0x3F87];
	s0 =	simm.s32 @p0 $0x1  }
0x13: {  	[smem:$0x3FA2] =	sst s0;
	s0 =	simm.s32 @!p1 $0x0  }
0x14: {  	s2 =	sld [smem:$0x3F86];
	s0 =	simm.s32 @p1 $0x1  }
0x15: {  	[smem:$0x3FA3] =	sst s0;
	s0 =	simm.s32 @!p2 $0x0  }
0x16: {  	s3 =	sld [smem:$0x3FDB];
	s0 =	simm.s32 @p2 $0x1  }
0x17: {  	s4 =	simm.s32 $0x1BF5;
	[smem:$0x3FA5] =	sst s0  }
0x18: {  	s0 =	sld [smem:$0x3F88];
	_ =	swait.ge [sflag:s4], $0x0  }
0x19: {  	s7 =	sld [smem:$0x3F89]  }
0x1a: {  	s8 =	sadd.s32 $0xFFFFE003, lr  }
0x1b: {  	s9 =	sadd.s32 $0xFFFFFEF7, lr;
	s5 =	simm.s32 $0xFFFFFFFF;
	p2 =	slt.u32 s8, $0xFFFFF086  }
0x1c: {  	p1 =	slt.u32 s9, $0xF7A;
	s5 =	simm.s32 @!p2 $0x0  }
0x1d: {  	s5 =	simm.s32 @p1 $0x1;
	p0 =	seq.s32 s7, s2  }
0x1e: {  	s7 =	smul.u32 @!p0 $0xF7A, s2;
	p2 =	seq.s32 @!p0 s5, $0x0  }
0x1f: {  	s9 =	smul.u32 $0xF7A, s1;
	s8 =	simm.s32 @!p0 $0x1BF5;
	p2 =	por !p2, p0  }
0x20: {  	[sflag:s8] =	ssyncset.s32 @!p0 $0xFFFFF086;
	s6 =	sadd.s32 @!p0 s3, s7;
	s7 =	simm.s32 @!p0 $0x108  }
0x21: {  	s3 =	sadd.s32 s3, s9;
	s6 =	sadd.s32 @!p0 $0x88, s6;
	s7 =	simm.s32 @p2 $0x1082  }
0x22: {  	[simem:s7], [sflag:s8] =	dma.local @!p0 [hbm:s6], $0xF7A  }
0x23: {  	s9 =	sor.u32 $0xD0000000, s2;
	s6 =	simm.s32 $0x108;
	_ =	swait.ge @!p0 [sflag:s8], $0x0  }
0x24: {  	s3 =	sadd.s32 $0x88, s3;
	s6 =	simm.s32 @!p1 $0x1082;
	[sflag:s4] =	ssyncset.s32 $0xFFFFF086  }
0x25: {  	[simem:s6], [sflag:s4] =	dma.local [hbm:s3], $0xF7A  }
0x26: {  	[smem:$0x3F89] =	sst s1;
	(tag) =	ssettag s2;
	_ =	strace s9  }
0x27: {  	s1 =	sld [smem:$0x3F99]  }
0x28: {  	s2 =	sld [smem:$0x3F9A]  }
0x29: {  	s4 =	sld [smem:$0x3F9C]  }
0x2a: {  	p0 =	seq.s32 s5, $0x0;
	s5 =	sld [smem:$0x3F9D]  }
0x2b: {  	s6 =	sld [smem:$0x3F9E]  }
0x2c: {  	s7 =	sld [smem:$0x3F9F]  }
0x2d: {  	s3 =	simm.s32 $0x108;
	s8 =	sld [smem:$0x3FA0]  }
0x2e: {  	s3 =	simm.s32 @!p0 $0x1082;
	s9 =	sld [smem:$0x3FA1]  }
0x2f: {  	lr =	sadd.s32 s0, s3;
	s0 =	sld [smem:$0x3F98]  }
0x30: {  	s3 =	sld [smem:$0x3F9B]  }
0x31: {  	[smem:$0x3FA4] =	sst s10  }
0x32: {  	s10 =	sld [smem:$0x3FA2];
	_ =	sdelay $0x3  }
0x33: {  	p0 =	seq.s32 s10, $0x1;
	s10 =	sld [smem:$0x3FA4];
	_ =	sdelay $0x3  }
0x34: {  	[smem:$0x3FA4] =	sst s10  }
0x35: {  	s10 =	sld [smem:$0x3FA3];
	_ =	sdelay $0x3  }
0x36: {  	p1 =	seq.s32 s10, $0x1;
	s10 =	sld [smem:$0x3FA4];
	_ =	sdelay $0x3  }
0x37: {  	[smem:$0x3FA4] =	sst s10  }
0x38: {  	s10 =	sld [smem:$0x3FA5]  }
0x39: {  	_ = 	snop;
	(pc) =	sbr.ind lr, $3  }
0x3a: {  	_ = 	snop  }
0x3b: {  	_ = 	snop  }
0x3c: {  	p2 =	seq.s32 s10, $0x1;
	s10 =	sld [smem:$0x3FA4]  }
0x3d: {  	_ =	shalt  }
0x3e: {  	_ =	shalt  }
0x3f: {  	_ =	shalt  }
0x40: {  	_ =	shalt  }
0x41: {  	_ =	shalt  }
0x42: {  	_ =	shalt  }
0x43: {  	_ =	shalt  }
0x44: {  	_ =	shalt  }
0x45: {  	_ =	shalt  }
0x46: {  	_ =	shalt  }
0x47: {  	_ =	shalt  }
0x48: {  	_ =	shalt  }
0x49: {  	_ =	shalt  }
0x4a: {  	_ =	shalt  }
0x4b: {  	_ =	shalt  }
0x4c: {  	_ =	shalt  }
0x4d: {  	_ =	shalt  }
0x4e: {  	_ =	shalt  }
0x4f: {  	_ =	shalt  }
0x50: {  	_ =	shalt  }
0x51: {  	_ =	shalt  }
0x52: {  	_ =	shalt  }
0x53: {  	_ =	shalt  }
0x54: {  	_ =	shalt  }
0x55: {  	_ =	shalt  }
0x56: {  	_ =	shalt  }
0x57: {  	_ =	shalt  }
0x58: {  	_ =	shalt  }
0x59: {  	_ =	shalt  }
0x5a: {  	_ =	shalt  }
0x5b: {  	_ =	shalt  }
0x5c: {  	_ =	shalt  }
0x5d: {  	_ =	shalt  }
0x5e: {  	_ =	shalt  }
0x5f: {  	_ =	shalt  }
0x60: {  	_ =	shalt  }
0x61: {  	_ =	shalt  }
0x62: {  	_ =	shalt  }
0x63: {  	_ =	shalt  }
0x64: {  	_ =	shalt  }
0x65: {  	_ =	shalt  }
0x66: {  	_ =	shalt  }
0x67: {  	_ =	shalt  }
0x68: {  	_ =	shalt  }
0x69: {  	_ =	shalt  }
0x6a: {  	_ =	shalt  }
0x6b: {  	_ =	shalt  }
0x6c: {  	_ =	shalt  }
0x6d: {  	_ =	shalt  }
0x6e: {  	_ =	shalt  }
0x6f: {  	_ =	shalt  }
0x70: {  	_ =	shalt  }
0x71: {  	_ =	shalt  }
0x72: {  	_ =	shalt  }
0x73: {  	_ =	shalt  }
0x74: {  	_ =	shalt  }
0x75: {  	_ =	shalt  }
0x76: {  	_ =	shalt  }
0x77: {  	_ =	shalt  }
0x78: {  	_ =	shalt  }
0x79: {  	_ =	shalt  }
0x7a: {  	_ =	shalt  }
0x7b: {  	_ =	shalt  }
0x7c: {  	_ =	shalt  }
0x7d: {  	_ =	shalt  }
0x7e: {  	_ =	shalt  }
0x7f: {  	_ =	shalt  }
0x80: {  	_ =	shalt  }
0x81: {  	_ =	shalt  }
0x82: {  	_ =	shalt  }
0x83: {  	_ =	shalt  }
0x84: {  	_ =	shalt  }
0x85: {  	_ =	shalt  }
0x86: {  	_ =	shalt  }
0x87: {  	_ =	shalt  }
.Lfunc_end0:
.L_simem_size_0:
called_computation.1_lowered:
.L_overlay_start_0:
0x88: {  	s2 =	sld [smem:$0x3FD9]  }
0x89: {  	s3 =	sld [smem:$0x3FFE];
	_ =	sdelay $0x1  }
0x8a: {  	s1 =	srdreg.scid  }
0x8b: {  	s0 =	sand.u32 $0x1, s1  }
0x8c: {  	s16 =	sshll.u32 s0, $0xA;
	s2 =	sadd.s32 s3, s2  }
0x8d: {  	s2 =	sadd.s32 s2, s16  }
0x8e: {  	[smem:$0x3FB0] =	sst s2  }
0x8f: {  	_ = 	snop  }
0x90: {  	(tm) =	ssettm $0x1  }
0x91: {  	s17 =	sld [smem:$0x3FFB];
	_ =	sdelay $0x3  }
0x92: {  	_ =	strace s17  }
0x93: {  	s2 =	sld [smem:$0x3FFC];
	_ =	sdelay $0x3  }
0x94: {  	_ =	strace s2  }
0x95: {  	s2 =	sld [smem:$0x3FFD];
	_ =	sdelay $0x3  }
0x96: {  	_ =	strace s2  }
0x97: {  	_ =	strace $0x8FFFFFFF  }
0x98: {  	s18 =	sld [smem:$0x3FDB];
	_ =	sdelay $0x1  }
0x99: {  	s19 =	simm.s32 $_scs_section_size  }
0x9a: {  	s4 =	simm.s32 $_size__tile_overlayer_lowered;
	s5 =	simm.s32 $_tile_overlayer_lowered  }
0x9b: {  	s22 =	simm.s32 $0x1BFF;
	s21 =	sshll.u32 s5, $0x1;
	s2 =	sadd.s32 s19, s18  }
0x9c: {  	s6 =	simm.s32 $0x0;
	s20 =	sshll.u32 s4, $0x1;
	s4 =	sadd.s32 s21, s2  }
0x9d: {  	[timem:s6], [sflag:s22] =	dma.local [hbm:s4], s20  }
0x9e: {  	_ =	swait.ge [sflag:s22], s20  }
0x9f: {  	s3 =	ssub.s32 $0x0, s20;
	[sflag:s22] =	ssyncset.done $0x0  }
0xa0: {  	[sflag:s22] =	ssyncadd.s32 s3;
	_ =	sdelay $0x1  }
0xa1: {  	s23 =	simm.s32 $0x1B8B  }
0xa2: {  	_ =	swait.ge [sflag:s23], $0x1  }
0xa3: {  	[sflag:s23] =	ssyncset.done $0x0  }
0xa4: {  	s25 =	simm.s32 $0x1B8E;
	s24 =	sld [smem:$0x3FFE];
	[sflag:s23] =	ssyncadd.s32 $0xFFFFFFFF  }
0xa5: {  	s26 =	simm.s32 $execute0_lowered;
	[smem:$0x3FD2] =	sst s25  }
0xa6: {  	s4 =	sshll.u32 s26, $0x1;
	_ =	strace $0x8000004F;
	[dreg:$0x1] =	wrdreg $0xFFFFFFFF  }
0xa7: {  	s28 =	simm.s32 $_size_execute0_lowered;
	s2 =	sadd.s32 s2, s4;
	[dreg:$0x0] =	wrdreg $0x0  }
0xa8: {  	s4 =	sshll.u32 s28, $0x1;
	[dreg:$0x2] =	wrdreg s2  }
0xa9: {  	[dreg:$0x3] =	wrdreg s4  }
0xaa: {  	[dreg:$0x4] =	wrdreg $0xC0  }
0xab: {  	_ =	task [dreg:s6], $0x5FFFF  }
0xac: {  	[dreg:$0x1] =	wrdreg $0xFFFFFFFF  }
0xad: {  	[dreg:$0x0] =	wrdreg $0x60  }
0xae: {  	[dreg:$0x2] =	wrdreg s24  }
0xaf: {  	[dreg:$0x3] =	wrdreg $0x9  }
0xb0: {  	_ =	task.clear_ibuf [dreg:s6], $0x4FFFF;
	_ =	strace $0x9000004F  }
0xb1: {  	s29 =	simm.s32 $0x9;
	_ =	strace $0x80000058  }
0xb2: {  	_ =	swait.ge [sflag:s29], $0x1  }
0xb3: {  	[sflag:s29] =	ssyncadd.s32 $0xFFFFFFFF  }
0xb4: {  	_ =	strace $0x90000058  }
0xb5: {  	_ =	sfence  }
0xb6: {  	s30 =	sld [smem:$0x0];
	_ =	sdelay $0x2  }
0xb7: {  	s31 =	sshll.u32 s1, $0xD;
	s1 =	sshrl.u32 s1, $0x2  }
0xb8: {  	s3 =	sand.u32 $0x4000, s31;
	s1 =	sadd.s32 s1, s30  }
0xb9: {  	s0 =	sor.u32 s3, s0;
	s1 =	sshll.u32 s1, $0x11  }
0xba: {  	s0 =	sor.u32 s1, s0  }
0xbb: {  	s0 =	sadd.s32 $0x8F2B, s0  }
0xbc: {  	[sflag:s0] =	ssyncadd.remote.s32 $0x1  }
0xbd: {  	_ =	sfence.sel $0xFFFF  }
0xbe: {  	[dreg:$0x0] =	wrdreg $0xFFFFFFFF;
	(pc) =	sbr.abs _section_cstart, $3  }
0xbf: {  	[dreg:$0x1] =	wrdreg $0xFFFFFFFF  }
0xc0: {  	_ =	task.clear_ibuf [dreg:s6], $0x2FFFF;
	_ =	strace $0x9FFFFFFF  }
0xc1: {  	(tm) =	ssettm $0x7FFFFFFF  }
tec
execute0_lowered:
.L_overlay_start_1:
0x0: {  	(tag) =	ssettag $0x1  }
0x1: {  	s5 =	rddreg [dreg:$0x0]  }
0x2: {  	s0 =	rddreg [dreg:$0x1];
	s1 =	simm.s32 $0x0  }
0x3: {  	s2 =	srdreg.scid;
	s9 =	simm.s32 $0x4;
	s10 =	simm.s32 $0x0  }
0x4: {  	[smem:$0x7FF] =	sst s1;
	s3 =	sadd.s32 $0x983400, s5;
	s4 =	sadd.s32 $0x101000, s5  }
0x5: {  	s6 =	sand.u32 $0x1, s2;
	s2 =	stileid.u32;
	s5 =	sadd.s32 $0x103000, s5  }
0x6: {  	_ =	strace $0x80000050;
	s7 =	ssub.s32 $0x2, s6;
	s6 =	sshll.u32 s6, $0x4  }
0x7: {  	v2 =	vlaneseq.u32;
	[dreg:$0x2] =	wrdreg s5;
	s8 =	sshrl.u32 s7, $0x1;
	s6 =	sor.u32 s2, s6  }
0x8: {  	vm0 =	vmmov $0xffff;
	v1 =	vshrl.u32 v2, $0x3;
	s7 =	ssub.s32 s7, s8;
	s31 =	sshll.u32 s6, $0x8;
	s5 =	sshll.u32 s6, $0x4  }
0x9: {  	v0 =	vand.u32 $0x7, v2;
	v2 =	vor.u32 $0x8, v2;
	v1 =	vmul.u32 $0x8, v1;
	s8 =	simm.s32 $0x5;
	s6 =	sadd.s32 s4, s31;
	s7 =	smax.u32 s7, $0x1  }
.LBB2_1:
0xa: {  	_ =	strace $0x80000051;
	s11 =	simm.s32 $0x10  }
0xb: {  	s12 =	simm.s32 $0x0;
	s13 =	simm.s32 $0x0;
	s14 =	simm.s32 $0x0  }
0xc: {  	[tilespmem:s1], [sflag:$0x1] =	stream.linear.gather [hbm4b:s6+s1], $0x80, $0x200038;
	[tilespmem:$0x10100] =	vst v63  }
0xd: {  	s15 =	simm.s32 $0x0;
	s16 =	simm.s32 $0x1;
	_ =	strace $0x90000051  }
.LBB2_2:
0xe: {  	s17 =	smov.u32 s12;
	s12 =	sadd.s32 $0x1, s12  }
0xf: {  	p0 =	seq.s32 s12, $0x10  }
0x10: {  	s12 =	simm.s32 @p0 $0x0  }
0x11: {  	p6 =	sne.s32 s11, $0x1;
	p1 =	sne.s32 s17, s12  }
0x12: {  	p0 =	por !p6, !p1  }
0x13: {  	p0 =	por !p0, !p0  }
0x14: {  	s18 =	sadd.s32 @p0 s5, s12  }
0x15: {  	s19 =	sand.u32 @p0 $0x1, s16;
	s18 =	sshll.u32 @p0 s18, $0x4  }
0x16: {  	_ =	strace @p0 $0x80000052;
	s21 =	simm.s32 @p0 $0x0;
	s18 =	sand.u32 @p0 $0x1FFFFFF0, s18  }
0x17: {  	s20 =	sshll.u32 @p0 s19, $0x7;
	s19 =	sadd.s32 @p0 $0x1, s19;
	s18 =	sadd.s32 @p0 s4, s18  }
0x18: {  	[tilespmem:s20], [sflag:s19] =	stream.linear.gather @p0 [hbm4b:s18+s21], $0x80, $0x200038;
	[tilespmem:$0x10100] =	vst v63  }
0x19: {  	s24 =	sand.u32 $0x1, s15;
	_ =	strace @p0 $0x90000052  }
0x1a: {  	s18 =	sadd.s32 $0x1, s24;
	_ =	strace $0x80000053  }
0x1b: {  	_ =	swait.ge [sflag:s18], $0x80  }
0x1c: {  	[sflag:s18] =	ssyncset.done $0x0  }
0x1d: {  	[sflag:s18] =	ssyncadd.s32 $0xFFFFFF80  }
0x1e: {  	s25 =	sshll.u32 s15, $0x7;
	_ =	strace $0x90000053  }
0x1f: {  	s21 =	sand.u32 $0x80, s25;
	_ =	strace $0x80000054  }
0x20: {  	v3 =	vld [tilespmem:s21+$0x0];
	_ =	sdelay $0x4  }
0x21: {  	v4 =	vshll.u32 v3, $0x1  }
0x22: {  	v3 =	vand.u32 $0x7, v3;
	v4 =	vand.u32 $0xFFFFFFF0, v4  }
0x23: {  	v3 =	vor.u32 v3, v4  }
0x24: {  	v4 =	vperm.xlane v3, v0;
	_ =	sdelay $0x1  }
0x25: {  	v3 =	vperm.xlane v3, v2;
	v4 =	vadd.s32 v1, v4;
	_ =	sdelay $0x1  }
0x26: {  	s18 =	sand.u32 $0x1, s14;
	v3 =	vadd.s32 v1, v3  }
0x27: {  	s20 =	sshll.u32 s18, $0xF  }
0x28: {  	s19 =	sor.u32 $0x100, s20  }
0x29: {  	[tilespmem:s19], [sflag:$0x5] =	stream.indirect_vreg.gather [hbm4b:s3+s1], $0x80, v4, vm0, $0x2000b8;
	[tilespmem:$0x10100] =	vst v63  }
0x2a: {  	s22 =	sor.u32 $0x900, s20  }
0x2b: {  	[tilespmem:s22], [sflag:$0x5] =	stream.indirect_vreg.gather [hbm4b:s3+s1], $0x80, v3, vm0, $0x2000b8;
	[tilespmem:$0x10100] =	vst v63  }
0x2c: {  	v3 =	vld [tilespmem:s21+$0x10];
	_ =	sdelay $0x4  }
0x2d: {  	v57 =	vshll.u32 v3, $0x1  }
0x2e: {  	v3 =	vand.u32 $0x7, v3;
	v4 =	vand.u32 $0xFFFFFFF0, v57  }
0x2f: {  	v3 =	vor.u32 v3, v4  }
0x30: {  	v4 =	vperm.xlane v3, v0;
	_ =	sdelay $0x1  }
0x31: {  	v3 =	vperm.xlane v3, v2;
	v4 =	vadd.s32 v1, v4;
	_ =	sdelay $0x1  }
0x32: {  	v3 =	vadd.s32 v1, v3;
	_ =	sdelay $0x1  }
0x33: {  	s26 =	sor.u32 $0x1100, s20  }
0x34: {  	[tilespmem:s26], [sflag:$0x5] =	stream.indirect_vreg.gather [hbm4b:s3+s1], $0x80, v4, vm0, $0x2000b8;
	[tilespmem:$0x10100] =	vst v63  }
0x35: {  	s28 =	sor.u32 $0x1900, s20  }
0x36: {  	[tilespmem:s28], [sflag:$0x5] =	stream.indirect_vreg.gather [hbm4b:s3+s1], $0x80, v3, vm0, $0x2000b8;
	[tilespmem:$0x10100] =	vst v63  }
0x37: {  	v3 =	vld [tilespmem:s21+$0x20];
	_ =	sdelay $0x4  }
0x38: {  	v58 =	vshll.u32 v3, $0x1  }
0x39: {  	v3 =	vand.u32 $0x7, v3;
	v4 =	vand.u32 $0xFFFFFFF0, v58  }
0x3a: {  	v3 =	vor.u32 v3, v4  }
0x3b: {  	v4 =	vperm.xlane v3, v0;
	_ =	sdelay $0x1  }
0x3c: {  	v3 =	vperm.xlane v3, v2;
	v4 =	vadd.s32 v1, v4;
	_ =	sdelay $0x1  }
0x3d: {  	v3 =	vadd.s32 v1, v3;
	_ =	sdelay $0x1  }
0x3e: {  	s29 =	sor.u32 $0x2100, s20  }
0x3f: {  	[tilespmem:s29], [sflag:$0x5] =	stream.indirect_vreg.gather [hbm4b:s3+s1], $0x80, v4, vm0, $0x2000b8;
	[tilespmem:$0x10100] =	vst v63  }
0x40: {  	s30 =	sor.u32 $0x2900, s20  }
0x41: {  	[tilespmem:s30], [sflag:$0x5] =	stream.indirect_vreg.gather [hbm4b:s3+s1], $0x80, v3, vm0, $0x2000b8;
	[tilespmem:$0x10100] =	vst v63  }
0x42: {  	v3 =	vld [tilespmem:s21+$0x30];
	_ =	sdelay $0x4  }
0x43: {  	v59 =	vshll.u32 v3, $0x1  }
0x44: {  	v3 =	vand.u32 $0x7, v3;
	v4 =	vand.u32 $0xFFFFFFF0, v59  }
0x45: {  	v3 =	vor.u32 v3, v4  }
0x46: {  	v4 =	vperm.xlane v3, v0;
	_ =	sdelay $0x1  }
0x47: {  	v3 =	vperm.xlane v3, v2;
	v4 =	vadd.s32 v1, v4;
	_ =	sdelay $0x1  }
0x48: {  	v3 =	vadd.s32 v1, v3;
	_ =	sdelay $0x1  }
0x49: {  	s31 =	sor.u32 $0x3100, s20  }
0x4a: {  	[tilespmem:s31], [sflag:$0x5] =	stream.indirect_vreg.gather [hbm4b:s3+s1], $0x80, v4, vm0, $0x2000b8;
	[tilespmem:$0x10100] =	vst v63  }
0x4b: {  	s23 =	sor.u32 $0x3900, s20  }
0x4c: {  	[tilespmem:s23], [sflag:$0x5] =	stream.indirect_vreg.gather [hbm4b:s3+s1], $0x80, v3, vm0, $0x2000b8;
	[tilespmem:$0x10100] =	vst v63  }
0x4d: {  	v3 =	vld [tilespmem:s21+$0x40];
	_ =	sdelay $0x4  }
0x4e: {  	v60 =	vshll.u32 v3, $0x1  }
0x4f: {  	v3 =	vand.u32 $0x7, v3;
	v4 =	vand.u32 $0xFFFFFFF0, v60  }
0x50: {  	v3 =	vor.u32 v3, v4  }
0x51: {  	v4 =	vperm.xlane v3, v0;
	_ =	sdelay $0x1  }
0x52: {  	v3 =	vperm.xlane v3, v2;
	v4 =	vadd.s32 v1, v4;
	_ =	sdelay $0x1  }
0x53: {  	v3 =	vadd.s32 v1, v3;
	_ =	sdelay $0x1  }
0x54: {  	s24 =	sor.u32 $0x4100, s20  }
0x55: {  	[tilespmem:s24], [sflag:$0x5] =	stream.indirect_vreg.gather [hbm4b:s3+s1], $0x80, v4, vm0, $0x2000b8;
	[tilespmem:$0x10100] =	vst v63  }
0x56: {  	s25 =	sor.u32 $0x4900, s20  }
0x57: {  	[tilespmem:s25], [sflag:$0x5] =	stream.indirect_vreg.gather [hbm4b:s3+s1], $0x80, v3, vm0, $0x2000b8;
	[tilespmem:$0x10100] =	vst v63  }
0x58: {  	v3 =	vld [tilespmem:s21+$0x50];
	_ =	sdelay $0x4  }
0x59: {  	v61 =	vshll.u32 v3, $0x1  }
0x5a: {  	v3 =	vand.u32 $0x7, v3;
	v4 =	vand.u32 $0xFFFFFFF0, v61  }
0x5b: {  	v3 =	vor.u32 v3, v4  }
0x5c: {  	v4 =	vperm.xlane v3, v0;
	_ =	sdelay $0x1  }
0x5d: {  	v3 =	vperm.xlane v3, v2;
	v4 =	vadd.s32 v1, v4;
	_ =	sdelay $0x1  }
0x5e: {  	v3 =	vadd.s32 v1, v3;
	_ =	sdelay $0x1  }
0x5f: {  	s26 =	sor.u32 $0x5100, s20  }
0x60: {  	[tilespmem:s26], [sflag:$0x5] =	stream.indirect_vreg.gather [hbm4b:s3+s1], $0x80, v4, vm0, $0x2000b8;
	[tilespmem:$0x10100] =	vst v63  }
0x61: {  	s28 =	sor.u32 $0x5900, s20  }
0x62: {  	[tilespmem:s28], [sflag:$0x5] =	stream.indirect_vreg.gather [hbm4b:s3+s1], $0x80, v3, vm0, $0x2000b8;
	[tilespmem:$0x10100] =	vst v63  }
0x63: {  	v3 =	vld [tilespmem:s21+$0x60];
	_ =	sdelay $0x4  }
0x64: {  	v62 =	vshll.u32 v3, $0x1  }
0x65: {  	v3 =	vand.u32 $0x7, v3;
	v4 =	vand.u32 $0xFFFFFFF0, v62  }
0x66: {  	v3 =	vor.u32 v3, v4  }
0x67: {  	v4 =	vperm.xlane v3, v0;
	_ =	sdelay $0x1  }
0x68: {  	v3 =	vperm.xlane v3, v2;
	v4 =	vadd.s32 v1, v4;
	_ =	sdelay $0x1  }
0x69: {  	v3 =	vadd.s32 v1, v3;
	_ =	sdelay $0x1  }
0x6a: {  	s29 =	sor.u32 $0x6100, s20  }
0x6b: {  	[tilespmem:s29], [sflag:$0x5] =	stream.indirect_vreg.gather [hbm4b:s3+s1], $0x80, v4, vm0, $0x2000b8;
	[tilespmem:$0x10100] =	vst v63  }
0x6c: {  	s30 =	sor.u32 $0x6900, s20  }
0x6d: {  	[tilespmem:s30], [sflag:$0x5] =	stream.indirect_vreg.gather [hbm4b:s3+s1], $0x80, v3, vm0, $0x2000b8;
	[tilespmem:$0x10100] =	vst v63  }
0x6e: {  	v3 =	vld [tilespmem:s21+$0x70];
	_ =	sdelay $0x4  }
0x6f: {  	v63 =	vshll.u32 v3, $0x1  }
0x70: {  	v3 =	vand.u32 $0x7, v3;
	v4 =	vand.u32 $0xFFFFFFF0, v63  }
0x71: {  	v3 =	vor.u32 v3, v4  }
0x72: {  	v4 =	vperm.xlane v3, v0;
	_ =	sdelay $0x1  }
0x73: {  	v3 =	vperm.xlane v3, v2;
	v4 =	vadd.s32 v1, v4;
	_ =	sdelay $0x1  }
0x74: {  	v3 =	vadd.s32 v1, v3;
	_ =	sdelay $0x1  }
0x75: {  	s31 =	sor.u32 $0x7100, s20  }
0x76: {  	[tilespmem:s31], [sflag:$0x5] =	stream.indirect_vreg.gather [hbm4b:s3+s1], $0x80, v4, vm0, $0x2000b8;
	[tilespmem:$0x10100] =	vst v63  }
0x77: {  	s20 =	sor.u32 $0x7900, s20  }
0x78: {  	[tilespmem:s20], [sflag:$0x5] =	stream.indirect_vreg.gather [hbm4b:s3+s1], $0x80, v3, vm0, $0x2000b8;
	[tilespmem:$0x10100] =	vst v63  }
0x79: {  	_ =	swait.ge [sflag:s8], $0x8000  }
0x7a: {  	p2 =	seq.s32 s11, $0x1;
	[sflag:s8] =	ssyncset.done $0x0  }
0x7b: {  	s17 =	sadd.s32 s5, s17;
	p1 =	por p2, p1;
	[sflag:s8] =	ssyncadd.s32 $0xFFFF8000  }
0x7c: {  	s17 =	sshll.u32 @p1 s17, $0xC;
	_ =	strace $0x90000054  }
0x7d: {  	s17 =	sand.u32 @p1 $0x1FFFF000, s17;
	s21 =	simm.s32 $0x1;
	_ =	strace @p1 $0x80000055  }
0x7e: {  	s18 =	sadd.s32 @p1 $0x3, s18;
	s21 =	simm.s32 @!p0 $0x0;
	s20 =	rddreg [dreg:$0x2]  }
0x7f: {  	p0 =	seq.s32 s11, $0x10;
	s17 =	sadd.s32 @p1 s20, s17;
	s20 =	simm.s32 @p1 $0x0  }
0x80: {  	[hbm4b:s17+s20] =	stream.linear.scatter @p1 [tilespmem:s19], [sflag:s18], $0x8000, $0x200038;
	[tilespmem:$0x10100] =	vst v63  }
0x81: {  	s17 =	simm.s32 $0x1;
	s19 =	simm.s32 $0x1;
	_ =	strace @p1 $0x90000055  }
0x82: {  	s17 =	simm.s32 @!p1 $0x0;
	p1 =	sne.s32 s11, $0x10;
	s11 =	sadd.s32 $0xFFFFFFFF, s11  }
0x83: {  	s18 =	sand.u32 @!p0 $0x1, s13;
	s19 =	simm.s32 @!p1 $0x0;
	p1 =	sne.s32 s11, $0x0  }
.Ltmp0:
0x84: {  	s18 =	sadd.s32 @!p0 $0x3, s18;
	_ =	strace @!p0 $0x80000056;
	(pc) =	sbr.rel @p1 .LBB2_2-.Ltmp0, $4  }
0x85: {  	_ =	swait.ge @!p0 [sflag:s18], $0x8000  }
0x86: {  	[sflag:s18] =	ssyncset.done @!p0 $0x0  }
0x87: {  	s16 =	sadd.s32 s21, s16;
	s14 =	sadd.s32 s17, s14;
	[sflag:s18] =	ssyncadd.s32 @!p0 $0xFFFF8000  }
0x88: {  	s15 =	sadd.s32 s17, s15;
	s13 =	sadd.s32 s19, s13;
	_ =	strace @!p0 $0x90000056  }
0x89: {  	s10 =	sadd.s32 $0x1, s10  }
0x8a: {  	p0 =	sne.s32 s10, s7  }
.Ltmp1:
0x8b: {  	_ =	strace $0x80000057;
	(pc) =	sbr.rel @p0 .LBB2_1-.Ltmp1, $4  }
0x8c: {  	_ =	swait.ge [sflag:s9], $0x8000  }
0x8d: {  	[sflag:s9] =	ssyncset.done $0x0  }
0x8e: {  	[sflag:s9] =	ssyncadd.s32 $0xFFFF8000  }
0x8f: {  	_ =	strace $0x90000057  }
0x90: {  	_ =	sfence.sel $0x180000  }
0x91: {  	[bflag:$0x0] =	sbarrier.arrive $0xFFFF  }
0x92: {  	p0 =	sne.s32 s2, $0x0;
	_ =	strace $0x90000050  }
0x93: {  	s0 =	sadd.s32 @!p0 $0x100000, s0;
	[bflag:$0x2] =	sbarrier.arrive $0xFFFF  }
0x94: {  	[sflag:s0] =	ssyncadd.tile.s32 @!p0 $0x1;
	_ =	shalt  }
.Lfunc_end2:
_tile_overlayer_lowered:
.L_overlay_start_2:
0x95: {  	(tag) =	ssettag $0x2  }
0x96: {  	s0 =	rddreg [dreg:$0x0];
	s2 =	stileid.u32  }
0x97: {  	s1 =	rddreg [dreg:$0x1];
	p0 =	sne.s32 s2, $0x0  }
0x98: {  	s3 =	rddreg [dreg:$0x2];
	[bflag:$0x3] =	sbarrier.arrive $0xFFFF;
	s2 =	simm.s32 @!p0 $0x1C01  }
0x99: {  	[timem:s3], [sflag:s2] =	dma.local @!p0 [hbm:s0], s1  }
0x9a: {  	s0 =	simm.s32 @!p0 $0x1  }
0x9b: {  	_ =	swait.ge @!p0 [sflag:s0], s1  }
0x9c: {  	s1 =	ssub.s32 @!p0 $0x0, s1;
	[sflag:s0] =	ssyncset.done @!p0 $0x0  }
0x9d: {  	[sflag:s0] =	ssyncadd.s32 @!p0 s1  }
0x9e: {  	[bflag:$0x3] =	sbarrier.arrive $0xFFFF  }
0x9f: {  	_ =	shalt  }

// kernel: kernel.8.cloned.1.call-start
scs
__scs_entry_jumppad:
0x0: {  	(pc) =	sbr.rel $0x88, $3  }
0x1: {  	(tag) =	ssettag $0x0;
	lr =	simm.s32 $0x1  }
0x2: {  	[smem:$0x3F89] =	sst lr;
	_ =	strace $0xD0000000  }
0x3: {  	_ = 	snop  }
0x4: {  	_ = 	snop  }
0x5: {  	_ = 	snop  }
0x6: {  	_ = 	snop  }
0x7: {  	_ = 	snop  }
__scs_overlays_trampoline_lowered:
0x8: {  	[smem:$0x3F98] =	sst s0  }
0x9: {  	[smem:$0x3F99] =	sst s1  }
0xa: {  	[smem:$0x3F9A] =	sst s2  }
0xb: {  	[smem:$0x3F9B] =	sst s3  }
0xc: {  	[smem:$0x3F9C] =	sst s4  }
0xd: {  	[smem:$0x3F9D] =	sst s5  }
0xe: {  	[smem:$0x3F9E] =	sst s6  }
0xf: {  	[smem:$0x3F9F] =	sst s7  }
0x10: {  	[smem:$0x3FA0] =	sst s8  }
0x11: {  	[smem:$0x3FA1] =	sst s9;
	s0 =	simm.s32 @!p0 $0x0  }
0x12: {  	s1 =	sld [smem:$0x3F87];
	s0 =	simm.s32 @p0 $0x1  }
0x13: {  	[smem:$0x3FA2] =	sst s0;
	s0 =	simm.s32 @!p1 $0x0  }
0x14: {  	s2 =	sld [smem:$0x3F86];
	s0 =	simm.s32 @p1 $0x1  }
0x15: {  	[smem:$0x3FA3] =	sst s0;
	s0 =	simm.s32 @!p2 $0x0  }
0x16: {  	s3 =	sld [smem:$0x3FDB];
	s0 =	simm.s32 @p2 $0x1  }
0x17: {  	s4 =	simm.s32 $0x1BF5;
	[smem:$0x3FA5] =	sst s0  }
0x18: {  	s0 =	sld [smem:$0x3F88];
	_ =	swait.ge [sflag:s4], $0x0  }
0x19: {  	s7 =	sld [smem:$0x3F89]  }
0x1a: {  	s8 =	sadd.s32 $0xFFFFE003, lr  }
0x1b: {  	s9 =	sadd.s32 $0xFFFFFEF7, lr;
	s5 =	simm.s32 $0xFFFFFFFF;
	p2 =	slt.u32 s8, $0xFFFFF086  }
0x1c: {  	p1 =	slt.u32 s9, $0xF7A;
	s5 =	simm.s32 @!p2 $0x0  }
0x1d: {  	s5 =	simm.s32 @p1 $0x1;
	p0 =	seq.s32 s7, s2  }
0x1e: {  	s7 =	smul.u32 @!p0 $0xF7A, s2;
	p2 =	seq.s32 @!p0 s5, $0x0  }
0x1f: {  	s9 =	smul.u32 $0xF7A, s1;
	s8 =	simm.s32 @!p0 $0x1BF5;
	p2 =	por !p2, p0  }
0x20: {  	[sflag:s8] =	ssyncset.s32 @!p0 $0xFFFFF086;
	s6 =	sadd.s32 @!p0 s3, s7;
	s7 =	simm.s32 @!p0 $0x108  }
0x21: {  	s3 =	sadd.s32 s3, s9;
	s6 =	sadd.s32 @!p0 $0x88, s6;
	s7 =	simm.s32 @p2 $0x1082  }
0x22: {  	[simem:s7], [sflag:s8] =	dma.local @!p0 [hbm:s6], $0xF7A  }
0x23: {  	s9 =	sor.u32 $0xD0000000, s2;
	s6 =	simm.s32 $0x108;
	_ =	swait.ge @!p0 [sflag:s8], $0x0  }
0x24: {  	s3 =	sadd.s32 $0x88, s3;
	s6 =	simm.s32 @!p1 $0x1082;
	[sflag:s4] =	ssyncset.s32 $0xFFFFF086  }
0x25: {  	[simem:s6], [sflag:s4] =	dma.local [hbm:s3], $0xF7A  }
0x26: {  	[smem:$0x3F89] =	sst s1;
	(tag) =	ssettag s2;
	_ =	strace s9  }
0x27: {  	s1 =	sld [smem:$0x3F99]  }
0x28: {  	s2 =	sld [smem:$0x3F9A]  }
0x29: {  	s4 =	sld [smem:$0x3F9C]  }
0x2a: {  	p0 =	seq.s32 s5, $0x0;
	s5 =	sld [smem:$0x3F9D]  }
0x2b: {  	s6 =	sld [smem:$0x3F9E]  }
0x2c: {  	s7 =	sld [smem:$0x3F9F]  }
0x2d: {  	s3 =	simm.s32 $0x108;
	s8 =	sld [smem:$0x3FA0]  }
0x2e: {  	s3 =	simm.s32 @!p0 $0x1082;
	s9 =	sld [smem:$0x3FA1]  }
0x2f: {  	lr =	sadd.s32 s0, s3;
	s0 =	sld [smem:$0x3F98]  }
0x30: {  	s3 =	sld [smem:$0x3F9B]  }
0x31: {  	[smem:$0x3FA4] =	sst s10  }
0x32: {  	s10 =	sld [smem:$0x3FA2];
	_ =	sdelay $0x3  }
0x33: {  	p0 =	seq.s32 s10, $0x1;
	s10 =	sld [smem:$0x3FA4];
	_ =	sdelay $0x3  }
0x34: {  	[smem:$0x3FA4] =	sst s10  }
0x35: {  	s10 =	sld [smem:$0x3FA3];
	_ =	sdelay $0x3  }
0x36: {  	p1 =	seq.s32 s10, $0x1;
	s10 =	sld [smem:$0x3FA4];
	_ =	sdelay $0x3  }
0x37: {  	[smem:$0x3FA4] =	sst s10  }
0x38: {  	s10 =	sld [smem:$0x3FA5]  }
0x39: {  	_ = 	snop;
	(pc) =	sbr.ind lr, $3  }
0x3a: {  	_ = 	snop  }
0x3b: {  	_ = 	snop  }
0x3c: {  	p2 =	seq.s32 s10, $0x1;
	s10 =	sld [smem:$0x3FA4]  }
0x3d: {  	_ =	shalt  }
0x3e: {  	_ =	shalt  }
0x3f: {  	_ =	shalt  }
0x40: {  	_ =	shalt  }
0x41: {  	_ =	shalt  }
0x42: {  	_ =	shalt  }
0x43: {  	_ =	shalt  }
0x44: {  	_ =	shalt  }
0x45: {  	_ =	shalt  }
0x46: {  	_ =	shalt  }
0x47: {  	_ =	shalt  }
0x48: {  	_ =	shalt  }
0x49: {  	_ =	shalt  }
0x4a: {  	_ =	shalt  }
0x4b: {  	_ =	shalt  }
0x4c: {  	_ =	shalt  }
0x4d: {  	_ =	shalt  }
0x4e: {  	_ =	shalt  }
0x4f: {  	_ =	shalt  }
0x50: {  	_ =	shalt  }
0x51: {  	_ =	shalt  }
0x52: {  	_ =	shalt  }
0x53: {  	_ =	shalt  }
0x54: {  	_ =	shalt  }
0x55: {  	_ =	shalt  }
0x56: {  	_ =	shalt  }
0x57: {  	_ =	shalt  }
0x58: {  	_ =	shalt  }
0x59: {  	_ =	shalt  }
0x5a: {  	_ =	shalt  }
0x5b: {  	_ =	shalt  }
0x5c: {  	_ =	shalt  }
0x5d: {  	_ =	shalt  }
0x5e: {  	_ =	shalt  }
0x5f: {  	_ =	shalt  }
0x60: {  	_ =	shalt  }
0x61: {  	_ =	shalt  }
0x62: {  	_ =	shalt  }
0x63: {  	_ =	shalt  }
0x64: {  	_ =	shalt  }
0x65: {  	_ =	shalt  }
0x66: {  	_ =	shalt  }
0x67: {  	_ =	shalt  }
0x68: {  	_ =	shalt  }
0x69: {  	_ =	shalt  }
0x6a: {  	_ =	shalt  }
0x6b: {  	_ =	shalt  }
0x6c: {  	_ =	shalt  }
0x6d: {  	_ =	shalt  }
0x6e: {  	_ =	shalt  }
0x6f: {  	_ =	shalt  }
0x70: {  	_ =	shalt  }
0x71: {  	_ =	shalt  }
0x72: {  	_ =	shalt  }
0x73: {  	_ =	shalt  }
0x74: {  	_ =	shalt  }
0x75: {  	_ =	shalt  }
0x76: {  	_ =	shalt  }
0x77: {  	_ =	shalt  }
0x78: {  	_ =	shalt  }
0x79: {  	_ =	shalt  }
0x7a: {  	_ =	shalt  }
0x7b: {  	_ =	shalt  }
0x7c: {  	_ =	shalt  }
0x7d: {  	_ =	shalt  }
0x7e: {  	_ =	shalt  }
0x7f: {  	_ =	shalt  }
0x80: {  	_ =	shalt  }
0x81: {  	_ =	shalt  }
0x82: {  	_ =	shalt  }
0x83: {  	_ =	shalt  }
0x84: {  	_ =	shalt  }
0x85: {  	_ =	shalt  }
0x86: {  	_ =	shalt  }
0x87: {  	_ =	shalt  }
.Lfunc_end0:
.L_simem_size_0:
called_computation_lowered:
.L_overlay_start_0:
0x88: {  	s2 =	sld [smem:$0x3FD9]  }
0x89: {  	s3 =	sld [smem:$0x3FFE];
	_ =	sdelay $0x1  }
0x8a: {  	s1 =	srdreg.scid  }
0x8b: {  	s0 =	sand.u32 $0x1, s1  }
0x8c: {  	s16 =	sshll.u32 s0, $0xA;
	s2 =	sadd.s32 s3, s2  }
0x8d: {  	s2 =	sadd.s32 s2, s16  }
0x8e: {  	[smem:$0x3FB0] =	sst s2  }
0x8f: {  	_ = 	snop  }
0x90: {  	(tm) =	ssettm $0x1  }
0x91: {  	s17 =	sld [smem:$0x3FFB];
	_ =	sdelay $0x3  }
0x92: {  	_ =	strace s17  }
0x93: {  	s2 =	sld [smem:$0x3FFC];
	_ =	sdelay $0x3  }
0x94: {  	_ =	strace s2  }
0x95: {  	s2 =	sld [smem:$0x3FFD];
	_ =	sdelay $0x3  }
0x96: {  	_ =	strace s2  }
0x97: {  	_ =	strace $0x8FFFFFFF  }
0x98: {  	s18 =	sld [smem:$0x3FDB];
	_ =	sdelay $0x1  }
0x99: {  	s19 =	simm.s32 $_scs_section_size  }
0x9a: {  	s4 =	simm.s32 $_size__tile_overlayer_lowered;
	s5 =	simm.s32 $_tile_overlayer_lowered  }
0x9b: {  	s22 =	simm.s32 $0x1BFF;
	s21 =	sshll.u32 s5, $0x1;
	s2 =	sadd.s32 s19, s18  }
0x9c: {  	s6 =	simm.s32 $0x0;
	s20 =	sshll.u32 s4, $0x1;
	s4 =	sadd.s32 s21, s2  }
0x9d: {  	[timem:s6], [sflag:s22] =	dma.local [hbm:s4], s20  }
0x9e: {  	_ =	swait.ge [sflag:s22], s20  }
0x9f: {  	s3 =	ssub.s32 $0x0, s20;
	[sflag:s22] =	ssyncset.done $0x0  }
0xa0: {  	[sflag:s22] =	ssyncadd.s32 s3;
	_ =	sdelay $0x1  }
0xa1: {  	s23 =	simm.s32 $0x1B8B  }
0xa2: {  	_ =	swait.ge [sflag:s23], $0x1  }
0xa3: {  	[sflag:s23] =	ssyncset.done $0x0  }
0xa4: {  	s25 =	simm.s32 $0x1B8E;
	s24 =	sld [smem:$0x3FFE];
	[sflag:s23] =	ssyncadd.s32 $0xFFFFFFFF  }
0xa5: {  	s26 =	simm.s32 $execute0_lowered;
	[smem:$0x3FD2] =	sst s25  }
0xa6: {  	s4 =	sshll.u32 s26, $0x1;
	_ =	strace $0x80000046;
	[dreg:$0x1] =	wrdreg $0xFFFFFFFF  }
0xa7: {  	s28 =	simm.s32 $_size_execute0_lowered;
	s2 =	sadd.s32 s2, s4;
	[dreg:$0x0] =	wrdreg $0x0  }
0xa8: {  	s4 =	sshll.u32 s28, $0x1;
	[dreg:$0x2] =	wrdreg s2  }
0xa9: {  	[dreg:$0x3] =	wrdreg s4  }
0xaa: {  	[dreg:$0x4] =	wrdreg $0xC0  }
0xab: {  	_ =	task [dreg:s6], $0x5FFFF  }
0xac: {  	[dreg:$0x1] =	wrdreg $0xFFFFFFFF  }
0xad: {  	[dreg:$0x0] =	wrdreg $0x60  }
0xae: {  	[dreg:$0x2] =	wrdreg s24  }
0xaf: {  	[dreg:$0x3] =	wrdreg $0x9  }
0xb0: {  	_ =	task.clear_ibuf [dreg:s6], $0x4FFFF;
	_ =	strace $0x90000046  }
0xb1: {  	s29 =	simm.s32 $0x9;
	_ =	strace $0x8000004E  }
0xb2: {  	_ =	swait.ge [sflag:s29], $0x1  }
0xb3: {  	[sflag:s29] =	ssyncadd.s32 $0xFFFFFFFF  }
0xb4: {  	_ =	strace $0x9000004E  }
0xb5: {  	_ =	sfence  }
0xb6: {  	s30 =	sld [smem:$0x0];
	_ =	sdelay $0x2  }
0xb7: {  	s31 =	sshll.u32 s1, $0xD;
	s1 =	sshrl.u32 s1, $0x2  }
0xb8: {  	s3 =	sand.u32 $0x4000, s31;
	s1 =	sadd.s32 s1, s30  }
0xb9: {  	s0 =	sor.u32 s3, s0;
	s1 =	sshll.u32 s1, $0x11  }
0xba: {  	s0 =	sor.u32 s1, s0  }
0xbb: {  	s0 =	sadd.s32 $0x8F2B, s0  }
0xbc: {  	[sflag:s0] =	ssyncadd.remote.s32 $0x1  }
0xbd: {  	_ =	sfence.sel $0xFFFF  }
0xbe: {  	[dreg:$0x0] =	wrdreg $0xFFFFFFFF;
	(pc) =	sbr.abs _section_cstart, $3  }
0xbf: {  	[dreg:$0x1] =	wrdreg $0xFFFFFFFF  }
0xc0: {  	_ =	task.clear_ibuf [dreg:s6], $0x2FFFF;
	_ =	strace $0x9FFFFFFF  }
0xc1: {  	(tm) =	ssettm $0x7FFFFFFF  }
tec
execute0_lowered:
.L_overlay_start_1:
0x0: {  	(tag) =	ssettag $0x1  }
0x1: {  	s6 =	rddreg [dreg:$0x0];
	s1 =	srdreg.scid  }
0x2: {  	s0 =	rddreg [dreg:$0x1];
	s2 =	simm.s32 $0x0;
	s12 =	simm.s32 $0x0  }
0x3: {  	s7 =	sand.u32 $0x1, s1;
	[smem:$0x7FF] =	sst s2;
	s1 =	stileid.u32  }
0x4: {  	s3 =	sadd.s32 $0xE00, s6;
	s4 =	sshll.u32 s7, $0x4;
	_ =	strace $0x80000047  }
0x5: {  	s7 =	ssub.s32 $0x2, s7;
	s8 =	sor.u32 s1, s4;
	s4 =	sadd.s32 $0x101000, s6  }
0x6: {  	s6 =	sadd.s32 $0x103000, s6;
	s5 =	sshll.u32 s8, $0x4;
	s9 =	sshll.u32 s8, $0x3  }
0x7: {  	s11 =	sshrl.u32 s7, $0x1;
	s9 =	sand.u32 $0xE0, s9;
	s10 =	sand.u32 $0x10, s5  }
0x8: {  	v2 =	vlaneseq.u32;
	s30 =	ssub.s32 s7, s11;
	s8 =	sshll.u32 s8, $0x8;
	s9 =	sor.u32 s10, s9  }
0x9: {  	vm0 =	vmmov $0xffff;
	v1 =	vshrl.u32 v2, $0x3;
	s11 =	simm.s32 $0x5;
	s8 =	sadd.s32 s4, s8;
	s31 =	sshll.u32 s9, $0xC  }
0xa: {  	v0 =	vand.u32 $0x7, v2;
	v2 =	vor.u32 $0x8, v2;
	v1 =	vmul.u32 $0x8, v1;
	s10 =	simm.s32 $0x10000;
	s9 =	smax.u32 s30, $0x1;
	s7 =	sadd.s32 s3, s31  }
.LBB2_1:
0xb: {  	_ =	strace $0x80000048;
	s13 =	simm.s32 $0x10  }
0xc: {  	[tilespmem:s2], [sflag:$0x1] =	stream.linear.gather [hbm4b:s7+s2], $0x8000, $0x200038;
	[tilespmem:$0x10100] =	vst v63  }
0xd: {  	s15 =	simm.s32 $0x0;
	s14 =	simm.s32 $0x0;
	s16 =	simm.s32 $0x1  }
0xe: {  	[tilespmem:s10], [sflag:$0x3] =	stream.linear.gather [hbm4b:s8+s2], $0x80, $0x200038;
	[tilespmem:$0x10100] =	vst v63  }
0xf: {  	s17 =	simm.s32 $0x0;
	s18 =	simm.s32 $0x1;
	_ =	strace $0x90000048  }
.LBB2_2:
0x10: {  	s19 =	smov.u32 s15;
	s20 =	sadd.s32 s5, s15;
	s15 =	sadd.s32 $0x1, s15  }
0x11: {  	p0 =	seq.s32 s15, $0x10  }
0x12: {  	s21 =	sshra.s32 s20, $0x1F;
	s15 =	simm.s32 @p0 $0x0  }
0x13: {  	s21 =	sshrl.u32 s21, $0x19;
	s22 =	sadd.s32 s5, s15  }
0x14: {  	s21 =	sadd.s32 s21, s20;
	s24 =	sshra.s32 s22, $0x1F  }
0x15: {  	p2 =	slt.s32 s20, $0x1;
	s23 =	sand.u32 $0xFFFFFF80, s21;
	s30 =	sshrl.u32 s24, $0x19  }
0x16: {  	s31 =	sand.u32 $0x1F, s20;
	p1 =	sne.s32 s20, s23;
	s23 =	sadd.s32 s30, s22  }
0x17: {  	p3 =	slt.s32 s22, $0x1;
	p0 =	por !p2, !p1;
	s25 =	sand.u32 $0xFFFFFF80, s23  }
0x18: {  	s24 =	simm.s32 $0x1;
	p0 =	por !p0, !p0;
	p4 =	sne.s32 s22, s25  }
0x19: {  	s21 =	sshra.s32 s21, $0x7;
	s24 =	simm.s32 @!p0 $0x0;
	p0 =	por !p3, !p4  }
0x1a: {  	s21 =	ssub.s32 s21, s24;
	s24 =	simm.s32 $0x1;
	p0 =	por !p0, !p0  }
0x1b: {  	s20 =	sshrl.u32 s20, $0x1;
	s23 =	sshra.s32 s23, $0x7;
	s24 =	simm.s32 @!p0 $0x0  }
0x1c: {  	s26 =	sshrl.u32 s22, $0x1;
	s20 =	sand.u32 $0x20, s20;
	s23 =	ssub.s32 s23, s24  }
0x1d: {  	s21 =	sshll.u32 s21, $0x6;
	s24 =	sand.u32 $0x20, s26;
	s23 =	sshll.u32 s23, $0x6  }
0x1e: {  	s28 =	sand.u32 $0x1F, s22;
	s20 =	sor.u32 s20, s21;
	s23 =	sor.u32 s24, s23  }
0x1f: {  	s20 =	sor.u32 s31, s20;
	s21 =	sor.u32 s28, s23  }
0x20: {  	p3 =	sne.s32 s13, $0x1;
	p0 =	sne.s32 s20, s21  }
0x21: {  	p1 =	sne.s32 s19, s15;
	p5 =	por !p3, !p0  }
0x22: {  	p3 =	por !p3, !p1;
	p2 =	por !p5, !p5  }
0x23: {  	p3 =	por !p3, !p3;
	s23 =	sand.u32 @p2 $0x1, s18  }
0x24: {  	s21 =	sshll.u32 @p2 s21, $0xC;
	_ =	strace @p2 $0x80000049;
	s25 =	simm.s32 @p2 $0x0  }
0x25: {  	s22 =	sshll.u32 @p3 s22, $0x4;
	s24 =	sshll.u32 @p2 s23, $0xF;
	s21 =	sand.u32 @p2 $0x1FFFF000, s21  }
0x26: {  	s23 =	sadd.s32 @p2 $0x1, s23;
	s22 =	sand.u32 @p3 $0x1FFFFFF0, s22;
	s21 =	sadd.s32 @p2 s3, s21  }
0x27: {  	[tilespmem:s24], [sflag:s23] =	stream.linear.gather @p2 [hbm4b:s21+s25], $0x8000, $0x200038;
	[tilespmem:$0x10100] =	vst v63  }
0x28: {  	p4 =	seq.s32 s19, $0x0;
	s22 =	sadd.s32 @p3 s4, s22;
	s21 =	sadd.s32 $0xFFFFFFFF, s19  }
0x29: {  	s19 =	sand.u32 @p3 $0x1, s16;
	s24 =	simm.s32 @p3 $0x0;
	s21 =	simm.s32 @p4 $0xF  }
0x2a: {  	_ =	strace @p2 $0x90000049;
	s23 =	sshll.u32 @p3 s19, $0x7;
	s19 =	sadd.s32 @p3 $0x3, s19  }
0x2b: {  	_ =	strace @p3 $0x8000004A;
	s21 =	sadd.s32 s5, s21;
	s23 =	sor.u32 @p3 $0x10000, s23  }
0x2c: {  	[tilespmem:s23], [sflag:s19] =	stream.linear.gather @p3 [hbm4b:s22+s24], $0x80, $0x200038;
	[tilespmem:$0x10100] =	vst v63  }
0x2d: {  	s29 =	sshra.s32 s21, $0x1F  }
0x2e: {  	s19 =	sshrl.u32 s29, $0x19  }
0x2f: {  	s19 =	sadd.s32 s19, s21  }
0x30: {  	s30 =	sand.u32 $0xFFFFFF80, s19  }
0x31: {  	p6 =	slt.s32 s21, $0x1;
	p5 =	sne.s32 s21, s30  }
0x32: {  	p4 =	por !p6, !p5  }
0x33: {  	s22 =	simm.s32 $0x1;
	p4 =	por !p4, !p4  }
0x34: {  	s19 =	sshra.s32 s19, $0x7;
	s22 =	simm.s32 @!p4 $0x0  }
0x35: {  	s31 =	sshrl.u32 s21, $0x1;
	s19 =	ssub.s32 s19, s22  }
0x36: {  	s22 =	sand.u32 $0x20, s31;
	s19 =	sshll.u32 s19, $0x6  }
0x37: {  	s21 =	sand.u32 $0x1F, s21;
	s19 =	sor.u32 s22, s19  }
0x38: {  	p4 =	seq.s32 s13, $0x10;
	s19 =	sor.u32 s21, s19  }
0x39: {  	p5 =	seq.s32 @!p4 s20, s19  }
0x3a: {  	p4 =	por p4, !p5  }
0x3b: {  	_ =	strace @p3 $0x9000004A;
	s19 =	sand.u32 @p4 $0x1, s17  }
0x3c: {  	_ =	strace @p4 $0x8000004B;
	s19 =	sadd.s32 @p4 $0x1, s19  }
0x3d: {  	_ =	swait.ge @p4 [sflag:s19], $0x8000  }
0x3e: {  	[sflag:s19] =	ssyncset.done @p4 $0x0  }
0x3f: {  	[sflag:s19] =	ssyncadd.s32 @p4 $0xFFFF8000  }
0x40: {  	s23 =	sand.u32 $0x1, s14;
	_ =	strace @p4 $0x9000004B  }
0x41: {  	s19 =	sadd.s32 $0x3, s23;
	_ =	strace $0x8000004C  }
0x42: {  	_ =	swait.ge [sflag:s19], $0x80  }
0x43: {  	[sflag:s19] =	ssyncset.done $0x0  }
0x44: {  	[sflag:s19] =	ssyncadd.s32 $0xFFFFFF80  }
0x45: {  	s24 =	sshll.u32 s14, $0x7;
	_ =	strace $0x9000004C  }
0x46: {  	s20 =	sand.u32 $0x80, s24;
	_ =	strace $0x8000004D  }
0x47: {  	v3 =	vld [tilespmem:s20+$0x10000];
	_ =	sdelay $0x4  }
0x48: {  	v4 =	vshll.u32 v3, $0x1  }
0x49: {  	v3 =	vand.u32 $0x7, v3;
	v4 =	vand.u32 $0xFFFFFFF0, v4  }
0x4a: {  	v3 =	vor.u32 v3, v4  }
0x4b: {  	v4 =	vperm.xlane v3, v0;
	_ =	sdelay $0x1  }
0x4c: {  	v3 =	vperm.xlane v3, v2;
	v4 =	vadd.s32 v1, v4;
	_ =	sdelay $0x1  }
0x4d: {  	v3 =	vadd.s32 v1, v3  }
0x4e: {  	s25 =	sshll.u32 s17, $0xF  }
0x4f: {  	s19 =	sand.u32 $0x8000, s25  }
0x50: {  	[hbm4b:s6+s2] =	stream.indirect_vreg.scatter [tilespmem:s19], [sflag:$0x5], $0x80, v4, vm0, $0x2000b8;
	[tilespmem:$0x10100] =	vst v63  }
0x51: {  	s26 =	sor.u32 $0x800, s19  }
0x52: {  	[hbm4b:s6+s2] =	stream.indirect_vreg.scatter [tilespmem:s26], [sflag:$0x5], $0x80, v3, vm0, $0x2000b8;
	[tilespmem:$0x10100] =	vst v63  }
0x53: {  	v3 =	vld [tilespmem:s20+$0x10010];
	_ =	sdelay $0x4  }
0x54: {  	v57 =	vshll.u32 v3, $0x1  }
0x55: {  	v3 =	vand.u32 $0x7, v3;
	v4 =	vand.u32 $0xFFFFFFF0, v57  }
0x56: {  	v3 =	vor.u32 v3, v4  }
0x57: {  	v4 =	vperm.xlane v3, v0;
	_ =	sdelay $0x1  }
0x58: {  	v3 =	vperm.xlane v3, v2;
	v4 =	vadd.s32 v1, v4;
	_ =	sdelay $0x1  }
0x59: {  	v3 =	vadd.s32 v1, v3;
	_ =	sdelay $0x1  }
0x5a: {  	s28 =	sor.u32 $0x1000, s19  }
0x5b: {  	[hbm4b:s6+s2] =	stream.indirect_vreg.scatter [tilespmem:s28], [sflag:$0x5], $0x80, v4, vm0, $0x2000b8;
	[tilespmem:$0x10100] =	vst v63  }
0x5c: {  	s29 =	sor.u32 $0x1800, s19  }
0x5d: {  	[hbm4b:s6+s2] =	stream.indirect_vreg.scatter [tilespmem:s29], [sflag:$0x5], $0x80, v3, vm0, $0x2000b8;
	[tilespmem:$0x10100] =	vst v63  }
0x5e: {  	v3 =	vld [tilespmem:s20+$0x10020];
	_ =	sdelay $0x4  }
0x5f: {  	v58 =	vshll.u32 v3, $0x1  }
0x60: {  	v3 =	vand.u32 $0x7, v3;
	v4 =	vand.u32 $0xFFFFFFF0, v58  }
0x61: {  	v3 =	vor.u32 v3, v4  }
0x62: {  	v4 =	vperm.xlane v3, v0;
	_ =	sdelay $0x1  }
0x63: {  	v3 =	vperm.xlane v3, v2;
	v4 =	vadd.s32 v1, v4;
	_ =	sdelay $0x1  }
0x64: {  	v3 =	vadd.s32 v1, v3;
	_ =	sdelay $0x1  }
0x65: {  	s30 =	sor.u32 $0x2000, s19  }
0x66: {  	[hbm4b:s6+s2] =	stream.indirect_vreg.scatter [tilespmem:s30], [sflag:$0x5], $0x80, v4, vm0, $0x2000b8;
	[tilespmem:$0x10100] =	vst v63  }
0x67: {  	s31 =	sor.u32 $0x2800, s19  }
0x68: {  	[hbm4b:s6+s2] =	stream.indirect_vreg.scatter [tilespmem:s31], [sflag:$0x5], $0x80, v3, vm0, $0x2000b8;
	[tilespmem:$0x10100] =	vst v63  }
0x69: {  	v3 =	vld [tilespmem:s20+$0x10030];
	_ =	sdelay $0x4  }
0x6a: {  	v59 =	vshll.u32 v3, $0x1  }
0x6b: {  	v3 =	vand.u32 $0x7, v3;
	v4 =	vand.u32 $0xFFFFFFF0, v59  }
0x6c: {  	v3 =	vor.u32 v3, v4  }
0x6d: {  	v4 =	vperm.xlane v3, v0;
	_ =	sdelay $0x1  }
0x6e: {  	v3 =	vperm.xlane v3, v2;
	v4 =	vadd.s32 v1, v4;
	_ =	sdelay $0x1  }
0x6f: {  	v3 =	vadd.s32 v1, v3;
	_ =	sdelay $0x1  }
0x70: {  	s22 =	sor.u32 $0x3000, s19  }
0x71: {  	[hbm4b:s6+s2] =	stream.indirect_vreg.scatter [tilespmem:s22], [sflag:$0x5], $0x80, v4, vm0, $0x2000b8;
	[tilespmem:$0x10100] =	vst v63  }
0x72: {  	s23 =	sor.u32 $0x3800, s19  }
0x73: {  	[hbm4b:s6+s2] =	stream.indirect_vreg.scatter [tilespmem:s23], [sflag:$0x5], $0x80, v3, vm0, $0x2000b8;
	[tilespmem:$0x10100] =	vst v63  }
0x74: {  	v3 =	vld [tilespmem:s20+$0x10040];
	_ =	sdelay $0x4  }
0x75: {  	v60 =	vshll.u32 v3, $0x1  }
0x76: {  	v3 =	vand.u32 $0x7, v3;
	v4 =	vand.u32 $0xFFFFFFF0, v60  }
0x77: {  	v3 =	vor.u32 v3, v4  }
0x78: {  	v4 =	vperm.xlane v3, v0;
	_ =	sdelay $0x1  }
0x79: {  	v3 =	vperm.xlane v3, v2;
	v4 =	vadd.s32 v1, v4;
	_ =	sdelay $0x1  }
0x7a: {  	v3 =	vadd.s32 v1, v3;
	_ =	sdelay $0x1  }
0x7b: {  	s24 =	sor.u32 $0x4000, s19  }
0x7c: {  	[hbm4b:s6+s2] =	stream.indirect_vreg.scatter [tilespmem:s24], [sflag:$0x5], $0x80, v4, vm0, $0x2000b8;
	[tilespmem:$0x10100] =	vst v63  }
0x7d: {  	s25 =	sor.u32 $0x4800, s19  }
0x7e: {  	[hbm4b:s6+s2] =	stream.indirect_vreg.scatter [tilespmem:s25], [sflag:$0x5], $0x80, v3, vm0, $0x2000b8;
	[tilespmem:$0x10100] =	vst v63  }
0x7f: {  	v3 =	vld [tilespmem:s20+$0x10050];
	_ =	sdelay $0x4  }
0x80: {  	v61 =	vshll.u32 v3, $0x1  }
0x81: {  	v3 =	vand.u32 $0x7, v3;
	v4 =	vand.u32 $0xFFFFFFF0, v61  }
0x82: {  	v3 =	vor.u32 v3, v4  }
0x83: {  	v4 =	vperm.xlane v3, v0;
	_ =	sdelay $0x1  }
0x84: {  	v3 =	vperm.xlane v3, v2;
	v4 =	vadd.s32 v1, v4;
	_ =	sdelay $0x1  }
0x85: {  	v3 =	vadd.s32 v1, v3;
	_ =	sdelay $0x1  }
0x86: {  	s26 =	sor.u32 $0x5000, s19  }
0x87: {  	[hbm4b:s6+s2] =	stream.indirect_vreg.scatter [tilespmem:s26], [sflag:$0x5], $0x80, v4, vm0, $0x2000b8;
	[tilespmem:$0x10100] =	vst v63  }
0x88: {  	s28 =	sor.u32 $0x5800, s19  }
0x89: {  	[hbm4b:s6+s2] =	stream.indirect_vreg.scatter [tilespmem:s28], [sflag:$0x5], $0x80, v3, vm0, $0x2000b8;
	[tilespmem:$0x10100] =	vst v63  }
0x8a: {  	v3 =	vld [tilespmem:s20+$0x10060];
	_ =	sdelay $0x4  }
0x8b: {  	v62 =	vshll.u32 v3, $0x1  }
0x8c: {  	v3 =	vand.u32 $0x7, v3;
	v4 =	vand.u32 $0xFFFFFFF0, v62  }
0x8d: {  	v3 =	vor.u32 v3, v4  }
0x8e: {  	v4 =	vperm.xlane v3, v0;
	_ =	sdelay $0x1  }
0x8f: {  	v3 =	vperm.xlane v3, v2;
	v4 =	vadd.s32 v1, v4;
	_ =	sdelay $0x1  }
0x90: {  	v3 =	vadd.s32 v1, v3;
	_ =	sdelay $0x1  }
0x91: {  	s29 =	sor.u32 $0x6000, s19  }
0x92: {  	[hbm4b:s6+s2] =	stream.indirect_vreg.scatter [tilespmem:s29], [sflag:$0x5], $0x80, v4, vm0, $0x2000b8;
	[tilespmem:$0x10100] =	vst v63  }
0x93: {  	s30 =	sor.u32 $0x6800, s19  }
0x94: {  	[hbm4b:s6+s2] =	stream.indirect_vreg.scatter [tilespmem:s30], [sflag:$0x5], $0x80, v3, vm0, $0x2000b8;
	[tilespmem:$0x10100] =	vst v63  }
0x95: {  	v3 =	vld [tilespmem:s20+$0x10070];
	_ =	sdelay $0x4  }
0x96: {  	v63 =	vshll.u32 v3, $0x1  }
0x97: {  	v3 =	vand.u32 $0x7, v3;
	v4 =	vand.u32 $0xFFFFFFF0, v63  }
0x98: {  	v3 =	vor.u32 v3, v4  }
0x99: {  	v4 =	vperm.xlane v3, v0;
	_ =	sdelay $0x1  }
0x9a: {  	v3 =	vperm.xlane v3, v2;
	v4 =	vadd.s32 v1, v4;
	_ =	sdelay $0x1  }
0x9b: {  	v3 =	vadd.s32 v1, v3;
	_ =	sdelay $0x1  }
0x9c: {  	s31 =	sor.u32 $0x7000, s19  }
0x9d: {  	[hbm4b:s6+s2] =	stream.indirect_vreg.scatter [tilespmem:s31], [sflag:$0x5], $0x80, v4, vm0, $0x2000b8;
	[tilespmem:$0x10100] =	vst v63  }
0x9e: {  	p6 =	seq.s32 s13, $0x1;
	s19 =	sor.u32 $0x7800, s19  }
0x9f: {  	[hbm4b:s6+s2] =	stream.indirect_vreg.scatter [tilespmem:s19], [sflag:$0x5], $0x80, v3, vm0, $0x2000b8;
	[tilespmem:$0x10100] =	vst v63  }
0xa0: {  	p0 =	por p6, p0;
	s13 =	sadd.s32 $0xFFFFFFFF, s13;
	s19 =	simm.s32 $0x1  }
0xa1: {  	p1 =	por p6, p1;
	s19 =	simm.s32 @!p0 $0x0;
	p0 =	sne.s32 s13, $0x0  }
.Ltmp0:
0xa2: {  	s21 =	simm.s32 $0x1;
	s20 =	simm.s32 $0x1;
	(pc) =	sbr.rel @p0 .LBB2_2-.Ltmp0, $4  }
0xa3: {  	s21 =	simm.s32 @!p3 $0x0;
	s20 =	simm.s32 @!p2 $0x0;
	_ =	swait.ge [sflag:s11], $0x8000  }
0xa4: {  	s18 =	sadd.s32 s20, s18;
	s20 =	simm.s32 $0x1;
	[sflag:s11] =	ssyncset.done $0x0  }
0xa5: {  	s16 =	sadd.s32 s21, s16;
	s20 =	simm.s32 @!p1 $0x0;
	[sflag:s11] =	ssyncadd.s32 $0xFFFF8000  }
0xa6: {  	s14 =	sadd.s32 s20, s14;
	s17 =	sadd.s32 s19, s17;
	_ =	strace $0x9000004D  }
0xa7: {  	s12 =	sadd.s32 $0x1, s12  }
0xa8: {  	p0 =	sne.s32 s12, s9  }
.Ltmp1:
0xa9: {  	_ = 	snop;
	(pc) =	sbr.rel @p0 .LBB2_1-.Ltmp1, $1  }
0xaa: {  	_ =	sdelay $0x3  }
0xab: {  	_ =	sfence.sel $0x180000  }
0xac: {  	[bflag:$0x0] =	sbarrier.arrive $0xFFFF  }
0xad: {  	p0 =	sne.s32 s1, $0x0;
	_ =	strace $0x90000047  }
0xae: {  	s0 =	sadd.s32 @!p0 $0x100000, s0;
	[bflag:$0x2] =	sbarrier.arrive $0xFFFF  }
0xaf: {  	[sflag:s0] =	ssyncadd.tile.s32 @!p0 $0x1;
	_ =	shalt  }
.Lfunc_end2:
_tile_overlayer_lowered:
.L_overlay_start_2:
0xb0: {  	(tag) =	ssettag $0x2  }
0xb1: {  	s0 =	rddreg [dreg:$0x0];
	s2 =	stileid.u32  }
0xb2: {  	s1 =	rddreg [dreg:$0x1];
	p0 =	sne.s32 s2, $0x0  }
0xb3: {  	s3 =	rddreg [dreg:$0x2];
	[bflag:$0x3] =	sbarrier.arrive $0xFFFF;
	s2 =	simm.s32 @!p0 $0x1C01  }
0xb4: {  	[timem:s3], [sflag:s2] =	dma.local @!p0 [hbm:s0], s1  }
0xb5: {  	s0 =	simm.s32 @!p0 $0x1  }
0xb6: {  	_ =	swait.ge @!p0 [sflag:s0], s1  }
0xb7: {  	s1 =	ssub.s32 @!p0 $0x0, s1;
	[sflag:s0] =	ssyncset.done @!p0 $0x0  }
0xb8: {  	[sflag:s0] =	ssyncadd.s32 @!p0 s1  }
0xb9: {  	[bflag:$0x3] =	sbarrier.arrive $0xFFFF  }
0xba: {  	_ =	shalt  }

</sc_bundles>
